<compile_context>
chip_gen: v7x
topology: tpu7x:2x2x1
jax: 0.10.2.dev20260603
libtpu: 0.0.44.dev20260713+nightly
codegen_flags: <defaults>
</compile_context>

<pallas_src>
import functools

import jax
import jax.numpy as jnp
from jax import lax
from jax.experimental import pallas as pl
from jax.experimental.pallas import tpu as pltpu
from jax.experimental.pallas import tpu_sc as plsc

NTYPE = 7
EPS = 1e-5
NC, NS, LANES = 2, 16, 16
NW = NC * NS


def _pick_chunks(n_per):
    best = None
    for ch in (128, 112, 96, 80, 64, 48, 32, 16):
        if n_per % ch:
            continue
        nc = n_per // ch
        for d in (8, 4, 2, 1):
            if nc % d == 0:
                if best is None or (d, ch) > (best[2], best[0]):
                    best = (ch, nc, d)
                break
    assert best is not None, n_per
    return best


@functools.lru_cache(maxsize=None)
def _make_segment_sum(N, E, C):
    n_per = E // NW
    chunk, n_chunks, depth = _pick_chunks(n_per)
    n_groups = n_chunks // depth
    zrows = N // NS

    mesh = plsc.VectorSubcoreMesh(core_axis_name="c", subcore_axis_name="s")

    def body(col_h, row_h, typ_h, tab_h, out_h,
             col_v, row_v, typ_v, gidx_v, zbuf, gath, acc, se, sg, ss):
        c = lax.axis_index("c")
        s = lax.axis_index("s")
        wid = s * NC + c

        pltpu.async_copy(col_h.at[wid], col_v, se)
        pltpu.async_copy(row_h.at[wid], row_v, se)
        pltpu.async_copy(typ_h.at[wid], typ_v, se)

        zv = jnp.zeros((LANES,), jnp.float32)

        def zbody(i, carry):
            for kk in range(C // LANES):
                zbuf[i, pl.ds(kk * LANES, LANES)] = zv
            return carry
        lax.fori_loop(0, zrows, zbody, 0)
        pltpu.sync_copy(zbuf, acc.at[pl.ds(s * zrows, zrows)])

        pltpu.make_async_copy(col_h.at[wid], col_v, se).wait()
        pltpu.make_async_copy(row_h.at[wid], row_v, se).wait()
        pltpu.make_async_copy(typ_h.at[wid], typ_v, se).wait()

        def cidx_body(j, carry):
            for k in range(chunk // LANES):
                r = col_v[j, pl.ds(k * LANES, LANES)]
                t = typ_v[j, pl.ds(k * LANES, LANES)]
                gidx_v[j, pl.ds(k * LANES, LANES)] = r * NTYPE + t
            return carry
        lax.fori_loop(0, n_chunks, cidx_body, 0)

        plsc.subcore_barrier()

        for k in range(depth):
            pltpu.async_copy(tab_h.at[gidx_v.at[k]], gath[k], sg[k])

        def group_body(jj, carry):
            base = jj * depth
            for k in range(depth):
                j = base + k
                pltpu.make_async_copy(tab_h.at[gidx_v.at[0]], gath[k],
                                      sg[k]).wait()
                pltpu.async_copy(gath[k], acc.at[row_v.at[j]], ss[k], add=True)
            for k in range(depth):
                j = base + k
                pltpu.make_async_copy(gath[k], acc.at[row_v.at[0]],
                                      ss[k]).wait()
                jn = jnp.minimum(j + depth, n_chunks - 1)
                pltpu.async_copy(tab_h.at[gidx_v.at[jn]], gath[k], sg[k])
            return carry
        lax.fori_loop(0, n_groups, group_body, 0)

        for k in range(depth):
            pltpu.make_async_copy(tab_h.at[gidx_v.at[0]], gath[k], sg[k]).wait()

        plsc.subcore_barrier()

        pltpu.sync_copy(acc.at[pl.ds(s * zrows, zrows)],
                        out_h.at[c, pl.ds(s * zrows, zrows)])

    return pl.kernel(
        body,
        out_type=jax.ShapeDtypeStruct((NC, N, C), jnp.float32),
        mesh=mesh,
        scratch_types=[
            pltpu.VMEM((n_chunks, chunk), jnp.int32),
            pltpu.VMEM((n_chunks, chunk), jnp.int32),
            pltpu.VMEM((n_chunks, chunk), jnp.int32),
            pltpu.VMEM((n_chunks, chunk), jnp.int32),
            pltpu.VMEM((zrows, C), jnp.float32),
            [pltpu.VMEM((chunk, C), jnp.float32) for _ in range(depth)],
            pltpu.VMEM_SHARED((N, C), jnp.float32),
            pltpu.SemaphoreType.DMA,
            [pltpu.SemaphoreType.DMA for _ in range(depth)],
            [pltpu.SemaphoreType.DMA for _ in range(depth)],
        ],
        compiler_params=pltpu.CompilerParams(use_tc_tiling_on_sc=False),
    )


def _segment_sum(ytab, edge_idx, edge_type, N):
    C = ytab.shape[1]
    E = edge_type.shape[0]
    n_per = E // NW
    chunk, n_chunks, _ = _pick_chunks(n_per)
    col = edge_idx[1].reshape(NW, n_chunks, chunk)
    row = edge_idx[0].reshape(NW, n_chunks, chunk)
    typ = edge_type.reshape(NW, n_chunks, chunk)
    return _make_segment_sum(N, E, C)(col, row, typ, ytab)


def _premul_weights(W, Cin, Cout):
    return W.reshape(NTYPE, Cin, Cout).transpose(1, 0, 2).reshape(Cin, NTYPE * Cout)


@functools.lru_cache(maxsize=None)
def _make_premul(N, Cin, C7o, blk):
    def body(x_ref, w_ref, o_ref):
        o_ref[...] = jnp.dot(x_ref[...], w_ref[...],
                             preferred_element_type=jnp.float32)
    return pl.pallas_call(
        body,
        grid=(N // blk,),
        in_specs=[
            pl.BlockSpec((blk, Cin), lambda i: (i, 0)),
            pl.BlockSpec((Cin, C7o), lambda i: (0, 0)),
        ],
        out_specs=pl.BlockSpec((blk, C7o), lambda i: (i, 0)),
        out_shape=jax.ShapeDtypeStruct((N, C7o), jnp.float32),
    )


@functools.lru_cache(maxsize=None)
def _make_level_tail(N, C, C7o, blk):
    grid = N // blk

    def body(*refs):
        if C7o:
            p_ref, g_ref, b_ref, m_ref, v_ref, w_ref, o_ref = refs
        else:
            p_ref, g_ref, b_ref, m_ref, v_ref, o_ref = refs
        y = p_ref[0] + p_ref[1]
        scale = g_ref[...] * lax.rsqrt(v_ref[...] + EPS)
        y = scale * (y - m_ref[...]) + b_ref[...]
        y = jnp.maximum(y, 0.0)
        y = jnp.max(y.reshape(blk // 8, 8, C), axis=1)
        if C7o:
            y = jnp.dot(y, w_ref[...], preferred_element_type=jnp.float32)
        o_ref[...] = y

    bn_spec = pl.BlockSpec((1, C), lambda i: (0, 0))
    in_specs = [pl.BlockSpec((NC, blk, C), lambda i: (0, i, 0)),
                bn_spec, bn_spec, bn_spec, bn_spec]
    if C7o:
        in_specs.append(pl.BlockSpec((C, C7o), lambda i: (0, 0)))
    oc = C7o if C7o else C
    return pl.pallas_call(
        body,
        grid=(grid,),
        in_specs=in_specs,
        out_specs=pl.BlockSpec((blk // 8, oc), lambda i: (i, 0)),
        out_shape=jax.ShapeDtypeStruct((N // 8, oc), jnp.float32),
    )


def _level_tail(parts, g, b, m, v, blk, Wp=None):
    _, N, C = parts.shape
    C7o = Wp.shape[1] if Wp is not None else 0
    f = _make_level_tail(N, C, C7o, blk)
    r = lambda a: a.reshape(1, -1)
    args = (parts, r(g), r(b), r(m), r(v))
    if Wp is not None:
        args = args + (Wp,)
    return f(*args)


def _head_body(x_ref, w1_ref, g_ref, b_ref, m_ref, v_ref, w2_ref, b2_ref, o_ref):
    h = jnp.dot(x_ref[...], w1_ref[...], preferred_element_type=jnp.float32)
    scale = g_ref[...] * lax.rsqrt(v_ref[...] + EPS)
    h = scale * (h - m_ref[...]) + b_ref[...]
    h = jnp.maximum(h, 0.0)
    o_ref[...] = (jnp.dot(h, w2_ref[...], preferred_element_type=jnp.float32)
                  + b2_ref[...])


_head = pl.pallas_call(
    _head_body,
    out_shape=jax.ShapeDtypeStruct((1, 40), jnp.float32),
)


@functools.lru_cache(maxsize=None)
def _make_tail3_head():
    def body(p_ref, g_ref, b_ref, m_ref, v_ref,
             w1_ref, hg_ref, hb_ref, hm_ref, hv_ref, w2_ref, b2_ref, o_ref):
        y = p_ref[0] + p_ref[1]
        scale = g_ref[...] * lax.rsqrt(v_ref[...] + EPS)
        y = scale * (y - m_ref[...]) + b_ref[...]
        y = jnp.maximum(y, 0.0)
        y = jnp.max(y.reshape(64, 8, 64), axis=1)
        G = jnp.dot(y, w1_ref[...], preferred_element_type=jnp.float32)
        rows = lax.broadcasted_iota(jnp.int32, (64, 8192), 0)
        cols = lax.broadcasted_iota(jnp.int32, (64, 8192), 1)
        Gm = jnp.where(rows == cols // 128, G, 0.0)
        s = jnp.dot(jnp.ones((1, 64), jnp.float32), Gm,
                    preferred_element_type=jnp.float32)
        f0 = lax.broadcasted_iota(jnp.int32, (8192, 128), 0)
        f1 = lax.broadcasted_iota(jnp.int32, (8192, 128), 1)
        S = (f0 % 128 == f1).astype(jnp.float32)
        h = jnp.dot(s, S, preferred_element_type=jnp.float32)
        hscale = hg_ref[...] * lax.rsqrt(hv_ref[...] + EPS)
        h = hscale * (h - hm_ref[...]) + hb_ref[...]
        h = jnp.maximum(h, 0.0)
        o_ref[...] = (jnp.dot(h, w2_ref[...], preferred_element_type=jnp.float32)
                      + b2_ref[...])
    return pl.pallas_call(
        body,
        out_shape=jax.ShapeDtypeStruct((1, 40), jnp.float32),
    )


def kernel(data, edge_idx_5, edge_type_5, edge_idx_4, edge_type_4,
           edge_idx_3, edge_type_3,
           W5, bn5_g, bn5_b, bn5_m, bn5_v,
           W4, bn4_g, bn4_b, bn4_m, bn4_v,
           W3, bn3_g, bn3_b, bn3_m, bn3_v,
           fc1_w, fc1_g, fc1_b, fc1_m, fc1_v, fc2_w, fc2_b):
    N5, C5 = data.shape
    Co5, Co4, Co3 = W5.shape[1], W4.shape[1], W3.shape[1]

    W5p = _premul_weights(W5, C5, Co5)
    ytab = _make_premul(N5, C5, NTYPE * Co5, 4096)(data, W5p)
    parts = _segment_sum(ytab.reshape(N5 * NTYPE, Co5),
                         edge_idx_5, edge_type_5, N5)
    ytab = _level_tail(parts, bn5_g, bn5_b, bn5_m, bn5_v, blk=4096,
                       Wp=_premul_weights(W4, Co5, Co4))

    N4 = N5 // 8
    parts = _segment_sum(ytab.reshape(N4 * NTYPE, Co4),
                         edge_idx_4, edge_type_4, N4)
    ytab = _level_tail(parts, bn4_g, bn4_b, bn4_m, bn4_v, blk=4096,
                       Wp=_premul_weights(W3, Co4, Co3))

    N3 = N4 // 8
    parts = _segment_sum(ytab.reshape(N3 * NTYPE, Co3),
                         edge_idx_3, edge_type_3, N3)
    fc1_p = fc1_w.reshape(64, 8192)
    r = lambda a: a.reshape(1, -1)
    return _make_tail3_head()(parts, r(bn3_g), r(bn3_b), r(bn3_m), r(bn3_v),
                              fc1_p, r(fc1_g), r(fc1_b), r(fc1_m), r(fc1_v),
                              fc2_w, r(fc2_b))

# --- scband reference (transcript-rebuilt; emitter-appended) ---
"""Pipeline reference for scband-graph-le-net-55465207660889 (READ-ONLY COPY).

The authoritative reference and input builder live on the scoring server;
editing this copy changes nothing except your own understanding.
"""

import jax, jax.numpy as jnp
import numpy as np

N_EDGE_TYPE = 7
EPS = 1e-5


def graph_conv_bn_relu(x, edge_idx, edge_type, W, g, b, m, v):
    # dual-octree GraphConv: gather src features, scatter-add into per-(dst,edge_type)
    # slots, then a single matmul with weights of shape (n_edge_type*C_in, C_out).
    row = edge_idx[0]
    col = edge_idx[1]
    n = x.shape[0]
    index = row * N_EDGE_TYPE + edge_type
    gathered = jnp.take(x, col, axis=0)
    out = jax.ops.segment_sum(gathered, index, num_segments=n * N_EDGE_TYPE)
    out = out.reshape(n, N_EDGE_TYPE * x.shape[1])
    out = out @ W
    out = g * (out - m) * jax.lax.rsqrt(v + EPS) + b  # BatchNorm (eval-mode running stats)
    return jax.nn.relu(out)


def octree_max_pool(x):
    # full octree: children of node i at depth d-1 are nodes 8i..8i+7 at depth d
    n, c = x.shape
    return jnp.max(x.reshape(n // 8, 8, c), axis=1)


def setup_inputs(seed: int = 0):
    key = jax.random.key(seed)
    ks = jax.random.split(key, 16)
    N5, N4, N3 = 32768, 4096, 512
    E5, E4, E3 = 7 * N5, 7 * N4, 7 * N3
    C_in = 4
    inp = {}
    inp['data'] = jax.random.normal(ks[0], (N5, C_in), dtype=jnp.float32)
    inp['edge_idx_5'] = jax.random.randint(ks[1], (2, E5), 0, N5, dtype=jnp.int32)
    inp['edge_type_5'] = jax.random.randint(ks[2], (E5,), 0, N_EDGE_TYPE, dtype=jnp.int32)
    inp['edge_idx_4'] = jax.random.randint(ks[3], (2, E4), 0, N4, dtype=jnp.int32)
    inp['edge_type_4'] = jax.random.randint(ks[4], (E4,), 0, N_EDGE_TYPE, dtype=jnp.int32)
    inp['edge_idx_3'] = jax.random.randint(ks[5], (2, E3), 0, N3, dtype=jnp.int32)
    inp['edge_type_3'] = jax.random.randint(ks[6], (E3,), 0, N_EDGE_TYPE, dtype=jnp.int32)

    def bn(c):
        return (jnp.ones((c,), jnp.float32), jnp.zeros((c,), jnp.float32),
                jnp.zeros((c,), jnp.float32), jnp.ones((c,), jnp.float32))

    inp['W5'] = jax.random.normal(ks[7], (N_EDGE_TYPE * C_in, 16), dtype=jnp.float32) / np.sqrt(N_EDGE_TYPE * C_in)
    inp['bn5_g'], inp['bn5_b'], inp['bn5_m'], inp['bn5_v'] = bn(16)
    inp['W4'] = jax.random.normal(ks[8], (N_EDGE_TYPE * 16, 32), dtype=jnp.float32) / np.sqrt(N_EDGE_TYPE * 16)
    inp['bn4_g'], inp['bn4_b'], inp['bn4_m'], inp['bn4_v'] = bn(32)
    inp['W3'] = jax.random.normal(ks[9], (N_EDGE_TYPE * 32, 64), dtype=jnp.float32) / np.sqrt(N_EDGE_TYPE * 32)
    inp['bn3_g'], inp['bn3_b'], inp['bn3_m'], inp['bn3_v'] = bn(64)
    inp['fc1_w'] = jax.random.normal(ks[10], (64 * 64, 128), dtype=jnp.float32) / np.sqrt(64 * 64)
    inp['fc1_g'], inp['fc1_b'], inp['fc1_m'], inp['fc1_v'] = bn(128)
    inp['fc2_w'] = jax.random.normal(ks[11], (128, 40), dtype=jnp.float32) / np.sqrt(128)
    inp['fc2_b'] = jnp.zeros((40,), jnp.float32)
    return inp


def reference(data, edge_idx_5, edge_type_5, edge_idx_4, edge_type_4, edge_idx_3, edge_type_3,
              W5, bn5_g, bn5_b, bn5_m, bn5_v,
              W4, bn4_g, bn4_b, bn4_m, bn4_v,
              W3, bn3_g, bn3_b, bn3_m, bn3_v,
              fc1_w, fc1_g, fc1_b, fc1_m, fc1_v, fc2_w, fc2_b):
    x = graph_conv_bn_relu(data, edge_idx_5, edge_type_5, W5, bn5_g, bn5_b, bn5_m, bn5_v)
    x = octree_max_pool(x)   # depth 5 -> 4
    x = graph_conv_bn_relu(x, edge_idx_4, edge_type_4, W4, bn4_g, bn4_b, bn4_m, bn4_v)
    x = octree_max_pool(x)   # depth 4 -> 3
    x = graph_conv_bn_relu(x, edge_idx_3, edge_type_3, W3, bn3_g, bn3_b, bn3_m, bn3_v)
    x = octree_max_pool(x)   # depth 3 -> 2: (64, 64) = FullOctree2Voxel(2)
    x = x.T.reshape(1, -1)   # channels-first flatten -> (1, 64*64)
    h = x @ fc1_w
    h = fc1_g * (h - fc1_m) * jax.lax.rsqrt(fc1_v + EPS) + fc1_b
    h = jax.nn.relu(h)
    return h @ fc2_w + fc2_b

if __name__ == "__main__":
    import jax
    _d = setup_inputs()
    print(jax.jit(kernel)(*tuple(_d.values())))

</pallas_src>

<mosaic_0001>
#map = affine_map<(d0, d1) -> (0, 0, 0)>
#map1 = affine_map<(d0, d1) -> (0, 0)>
module attributes {stable_mosaic.version = 14 : i64} {
  func.func @body(%arg0: i32, %arg1: i32, %arg2: memref<32x56x128xi32, #tpu.memory_space<hbm>>, %arg3: memref<32x56x128xi32, #tpu.memory_space<hbm>>, %arg4: memref<32x56x128xi32, #tpu.memory_space<hbm>>, %arg5: memref<229376x16xf32, #tpu.memory_space<hbm>>, %arg6: memref<2x32768x16xf32, #tpu.memory_space<hbm>>, %arg7: memref<56x128xi32, #tpu.memory_space<vmem>>, %arg8: memref<56x128xi32, #tpu.memory_space<vmem>>, %arg9: memref<56x128xi32, #tpu.memory_space<vmem>>, %arg10: memref<56x128xi32, #tpu.memory_space<vmem>>, %arg11: memref<2048x16xf32, #tpu.memory_space<vmem>>, %arg12: memref<128x16xf32, #tpu.memory_space<vmem>>, %arg13: memref<128x16xf32, #tpu.memory_space<vmem>>, %arg14: memref<128x16xf32, #tpu.memory_space<vmem>>, %arg15: memref<128x16xf32, #tpu.memory_space<vmem>>, %arg16: memref<128x16xf32, #tpu.memory_space<vmem>>, %arg17: memref<128x16xf32, #tpu.memory_space<vmem>>, %arg18: memref<128x16xf32, #tpu.memory_space<vmem>>, %arg19: memref<128x16xf32, #tpu.memory_space<vmem>>, %arg20: memref<32768x16xf32, #tpu.memory_space<vmem_shared>>, %arg21: memref<!tpu.dma_semaphore, #tpu.memory_space<semaphore_mem>>, %arg22: memref<!tpu.dma_semaphore, #tpu.memory_space<semaphore_mem>>, %arg23: memref<!tpu.dma_semaphore, #tpu.memory_space<semaphore_mem>>, %arg24: memref<!tpu.dma_semaphore, #tpu.memory_space<semaphore_mem>>, %arg25: memref<!tpu.dma_semaphore, #tpu.memory_space<semaphore_mem>>, %arg26: memref<!tpu.dma_semaphore, #tpu.memory_space<semaphore_mem>>, %arg27: memref<!tpu.dma_semaphore, #tpu.memory_space<semaphore_mem>>, %arg28: memref<!tpu.dma_semaphore, #tpu.memory_space<semaphore_mem>>, %arg29: memref<!tpu.dma_semaphore, #tpu.memory_space<semaphore_mem>>, %arg30: memref<!tpu.dma_semaphore, #tpu.memory_space<semaphore_mem>>, %arg31: memref<!tpu.dma_semaphore, #tpu.memory_space<semaphore_mem>>, %arg32: memref<!tpu.dma_semaphore, #tpu.memory_space<semaphore_mem>>, %arg33: memref<!tpu.dma_semaphore, #tpu.memory_space<semaphore_mem>>, %arg34: memref<!tpu.dma_semaphore, #tpu.memory_space<semaphore_mem>>, %arg35: memref<!tpu.dma_semaphore, #tpu.memory_space<semaphore_mem>>, %arg36: memref<!tpu.dma_semaphore, #tpu.memory_space<semaphore_mem>>, %arg37: memref<!tpu.dma_semaphore, #tpu.memory_space<semaphore_mem>>) attributes {dimension_semantics = [#tpu.dimension_semantics<core_parallel>, #tpu.dimension_semantics<subcore_parallel>], iteration_bounds = array<i64: 2, 16>, scalar_prefetch = 0 : i64, scratch_operands = 31 : i64, tpu.core_type = #tpu.core_type<sc_vector_subcore>, window_params = [{transform_indices = #map}, {transform_indices = #map}, {transform_indices = #map}, {transform_indices = #map1}, {transform_indices = #map}]} {
    %mul3A = arith.constant 2 : i32
    %mul3A_0 = arith.muli %arg1, %mul3A : i32
    %add3A = arith.addi %mul3A_0, %arg0 : i32
    %dma_start3A = arith.constant 0 : i32
    %dma_start3A_1 = arith.constant 0 : i32
    %dma_start3A_2 = tpu.memref_slice %arg2[%add3A, %dma_start3A, %dma_start3A_1] : memref<32x56x128xi32, #tpu.memory_space<hbm>> -> memref<1x56x128xi32, #tpu.memory_space<hbm>>
    %dma_start3A_3 = tpu.memref_squeeze %dma_start3A_2 : memref<1x56x128xi32, #tpu.memory_space<hbm>> -> memref<56x128xi32, #tpu.memory_space<hbm>>
    %dma_start3A_4 = arith.constant 0 : i32
    %dma_start3A_5 = arith.constant 0 : i32
    %dma_start3A_6 = tpu.memref_slice %arg2[%add3A, %dma_start3A_4, %dma_start3A_5] : memref<32x56x128xi32, #tpu.memory_space<hbm>> -> memref<1x56x128xi32, #tpu.memory_space<hbm>>
    %dma_start3A_7 = tpu.memref_squeeze %dma_start3A_6 : memref<1x56x128xi32, #tpu.memory_space<hbm>> -> memref<56x128xi32, #tpu.memory_space<hbm>>
    tpu.enqueue_dma source(%dma_start3A_7 : memref<56x128xi32, #tpu.memory_space<hbm>>) target(%arg7 : memref<56x128xi32, #tpu.memory_space<vmem>>) target_semaphore(%arg21 : memref<!tpu.dma_semaphore, #tpu.memory_space<semaphore_mem>>)
    %dma_start3A_8 = arith.constant 0 : i32
    %dma_start3A_9 = arith.constant 0 : i32
    %dma_start3A_10 = tpu.memref_slice %arg3[%add3A, %dma_start3A_8, %dma_start3A_9] : memref<32x56x128xi32, #tpu.memory_space<hbm>> -> memref<1x56x128xi32, #tpu.memory_space<hbm>>
    %dma_start3A_11 = tpu.memref_squeeze %dma_start3A_10 : memref<1x56x128xi32, #tpu.memory_space<hbm>> -> memref<56x128xi32, #tpu.memory_space<hbm>>
    %dma_start3A_12 = arith.constant 0 : i32
    %dma_start3A_13 = arith.constant 0 : i32
    %dma_start3A_14 = tpu.memref_slice %arg3[%add3A, %dma_start3A_12, %dma_start3A_13] : memref<32x56x128xi32, #tpu.memory_space<hbm>> -> memref<1x56x128xi32, #tpu.memory_space<hbm>>
    %dma_start3A_15 = tpu.memref_squeeze %dma_start3A_14 : memref<1x56x128xi32, #tpu.memory_space<hbm>> -> memref<56x128xi32, #tpu.memory_space<hbm>>
    tpu.enqueue_dma source(%dma_start3A_15 : memref<56x128xi32, #tpu.memory_space<hbm>>) target(%arg8 : memref<56x128xi32, #tpu.memory_space<vmem>>) target_semaphore(%arg21 : memref<!tpu.dma_semaphore, #tpu.memory_space<semaphore_mem>>)
    %dma_start3A_16 = arith.constant 0 : i32
    %dma_start3A_17 = arith.constant 0 : i32
    %dma_start3A_18 = tpu.memref_slice %arg4[%add3A, %dma_start3A_16, %dma_start3A_17] : memref<32x56x128xi32, #tpu.memory_space<hbm>> -> memref<1x56x128xi32, #tpu.memory_space<hbm>>
    %dma_start3A_19 = tpu.memref_squeeze %dma_start3A_18 : memref<1x56x128xi32, #tpu.memory_space<hbm>> -> memref<56x128xi32, #tpu.memory_space<hbm>>
    %dma_start3A_20 = arith.constant 0 : i32
    %dma_start3A_21 = arith.constant 0 : i32
    %dma_start3A_22 = tpu.memref_slice %arg4[%add3A, %dma_start3A_20, %dma_start3A_21] : memref<32x56x128xi32, #tpu.memory_space<hbm>> -> memref<1x56x128xi32, #tpu.memory_space<hbm>>
    %dma_start3A_23 = tpu.memref_squeeze %dma_start3A_22 : memref<1x56x128xi32, #tpu.memory_space<hbm>> -> memref<56x128xi32, #tpu.memory_space<hbm>>
    tpu.enqueue_dma source(%dma_start3A_23 : memref<56x128xi32, #tpu.memory_space<hbm>>) target(%arg9 : memref<56x128xi32, #tpu.memory_space<vmem>>) target_semaphore(%arg21 : memref<!tpu.dma_semaphore, #tpu.memory_space<semaphore_mem>>)
    %broadcast_in_dim3A = arith.constant 0.000000e+00 : f32
    %broadcast_in_dim3A_24 = vector.broadcast %broadcast_in_dim3A : f32 to vector<16xf32>
    %scan3A = arith.constant 0 : i32
    %scan3A_25 = arith.constant 0 : i32
    %scan3A_26 = arith.constant 2048 : i32
    %scan3A_27 = arith.addi %scan3A_25, %scan3A_26 : i32
    %scan3A_28 = arith.constant 1 : i32
    scf.for %scan3A_184 = %scan3A_25 to %scan3A_27 step %scan3A_28  : i32 {
      %swap3A = arith.index_cast %scan3A_184 : i32 to index
      %swap3A_185 = arith.constant 0 : index
      %swap3A_186 = tpu.vector_load %arg11[%swap3A, %swap3A_185] {strides = array<i32>} : memref<2048x16xf32, #tpu.memory_space<vmem>>, vector<1x16xf32>,
      %swap3A_187 = vector.shape_cast %swap3A_186 : vector<1x16xf32> to vector<16xf32>
      %swap3A_188 = vector.shape_cast %broadcast_in_dim3A_24 : vector<16xf32> to vector<1x16xf32>
      tpu.vector_store %arg11[%swap3A, %swap3A_185], %swap3A_188 {strides = array<i32>} : memref<2048x16xf32, #tpu.memory_space<vmem>>, vector<1x16xf32>,
    }
    %scan3A_29 = arith.constant 2048 : i32
    %mul3A_30 = arith.constant 2048 : i32
    %mul3A_31 = arith.muli %arg1, %mul3A_30 : i32
    "tpu.region"() ({
      %run_scoped3A = tpu.sem_alloc : memref<!tpu.dma_semaphore, #tpu.memory_space<semaphore_mem>>
      %dma_start3A_184 = arith.constant 0 : i32
      %dma_start3A_185 = tpu.memref_slice %arg20[%mul3A_31, %dma_start3A_184] : memref<32768x16xf32, #tpu.memory_space<vmem_shared>> -> memref<2048x16xf32, #tpu.memory_space<vmem_shared>>
      %dma_start3A_186 = arith.constant 0 : i32
      %dma_start3A_187 = tpu.memref_slice %arg20[%mul3A_31, %dma_start3A_186] : memref<32768x16xf32, #tpu.memory_space<vmem_shared>> -> memref<2048x16xf32, #tpu.memory_space<vmem_shared>>
      tpu.enqueue_dma source(%arg11 : memref<2048x16xf32, #tpu.memory_space<vmem>>) target(%dma_start3A_187 : memref<2048x16xf32, #tpu.memory_space<vmem_shared>>) target_semaphore(%run_scoped3A : memref<!tpu.dma_semaphore, #tpu.memory_space<semaphore_mem>>)
      %dma_wait3A_188 = arith.constant 0 : i32
      %dma_wait3A_189 = tpu.memref_slice %arg20[%mul3A_31, %dma_wait3A_188] : memref<32768x16xf32, #tpu.memory_space<vmem_shared>> -> memref<2048x16xf32, #tpu.memory_space<vmem_shared>>
      %dma_wait3A_190 = arith.constant 0 : i32
      %dma_wait3A_191 = tpu.memref_slice %arg20[%mul3A_31, %dma_wait3A_190] : memref<32768x16xf32, #tpu.memory_space<vmem_shared>> -> memref<2048x16xf32, #tpu.memory_space<vmem_shared>>
      tpu.wait_dma2 semaphore(%run_scoped3A : memref<!tpu.dma_semaphore, #tpu.memory_space<semaphore_mem>>) src(%arg11 : memref<2048x16xf32, #tpu.memory_space<vmem>>) dst(%dma_wait3A_191 : memref<2048x16xf32, #tpu.memory_space<vmem_shared>>)
      tpu.yield
    }) : () -> ()
    %dma_wait3A = arith.constant 0 : i32
    %dma_wait3A_32 = arith.constant 0 : i32
    %dma_wait3A_33 = tpu.memref_slice %arg2[%add3A, %dma_wait3A, %dma_wait3A_32] : memref<32x56x128xi32, #tpu.memory_space<hbm>> -> memref<1x56x128xi32, #tpu.memory_space<hbm>>
    %dma_wait3A_34 = tpu.memref_squeeze %dma_wait3A_33 : memref<1x56x128xi32, #tpu.memory_space<hbm>> -> memref<56x128xi32, #tpu.memory_space<hbm>>
    %dma_wait3A_35 = arith.constant 0 : i32
    %dma_wait3A_36 = arith.constant 0 : i32
    %dma_wait3A_37 = tpu.memref_slice %arg2[%add3A, %dma_wait3A_35, %dma_wait3A_36] : memref<32x56x128xi32, #tpu.memory_space<hbm>> -> memref<1x56x128xi32, #tpu.memory_space<hbm>>
    %dma_wait3A_38 = tpu.memref_squeeze %dma_wait3A_37 : memref<1x56x128xi32, #tpu.memory_space<hbm>> -> memref<56x128xi32, #tpu.memory_space<hbm>>
    tpu.wait_dma2 semaphore(%arg21 : memref<!tpu.dma_semaphore, #tpu.memory_space<semaphore_mem>>) src(%dma_wait3A_38 : memref<56x128xi32, #tpu.memory_space<hbm>>) dst(%arg7 : memref<56x128xi32, #tpu.memory_space<vmem>>)
    %dma_wait3A_39 = arith.constant 0 : i32
    %dma_wait3A_40 = arith.constant 0 : i32
    %dma_wait3A_41 = tpu.memref_slice %arg3[%add3A, %dma_wait3A_39, %dma_wait3A_40] : memref<32x56x128xi32, #tpu.memory_space<hbm>> -> memref<1x56x128xi32, #tpu.memory_space<hbm>>
    %dma_wait3A_42 = tpu.memref_squeeze %dma_wait3A_41 : memref<1x56x128xi32, #tpu.memory_space<hbm>> -> memref<56x128xi32, #tpu.memory_space<hbm>>
    %dma_wait3A_43 = arith.constant 0 : i32
    %dma_wait3A_44 = arith.constant 0 : i32
    %dma_wait3A_45 = tpu.memref_slice %arg3[%add3A, %dma_wait3A_43, %dma_wait3A_44] : memref<32x56x128xi32, #tpu.memory_space<hbm>> -> memref<1x56x128xi32, #tpu.memory_space<hbm>>
    %dma_wait3A_46 = tpu.memref_squeeze %dma_wait3A_45 : memref<1x56x128xi32, #tpu.memory_space<hbm>> -> memref<56x128xi32, #tpu.memory_space<hbm>>
    tpu.wait_dma2 semaphore(%arg21 : memref<!tpu.dma_semaphore, #tpu.memory_space<semaphore_mem>>) src(%dma_wait3A_46 : memref<56x128xi32, #tpu.memory_space<hbm>>) dst(%arg8 : memref<56x128xi32, #tpu.memory_space<vmem>>)
    %dma_wait3A_47 = arith.constant 0 : i32
    %dma_wait3A_48 = arith.constant 0 : i32
    %dma_wait3A_49 = tpu.memref_slice %arg4[%add3A, %dma_wait3A_47, %dma_wait3A_48] : memref<32x56x128xi32, #tpu.memory_space<hbm>> -> memref<1x56x128xi32, #tpu.memory_space<hbm>>
    %dma_wait3A_50 = tpu.memref_squeeze %dma_wait3A_49 : memref<1x56x128xi32, #tpu.memory_space<hbm>> -> memref<56x128xi32, #tpu.memory_space<hbm>>
    %dma_wait3A_51 = arith.constant 0 : i32
    %dma_wait3A_52 = arith.constant 0 : i32
    %dma_wait3A_53 = tpu.memref_slice %arg4[%add3A, %dma_wait3A_51, %dma_wait3A_52] : memref<32x56x128xi32, #tpu.memory_space<hbm>> -> memref<1x56x128xi32, #tpu.memory_space<hbm>>
    %dma_wait3A_54 = tpu.memref_squeeze %dma_wait3A_53 : memref<1x56x128xi32, #tpu.memory_space<hbm>> -> memref<56x128xi32, #tpu.memory_space<hbm>>
    tpu.wait_dma2 semaphore(%arg21 : memref<!tpu.dma_semaphore, #tpu.memory_space<semaphore_mem>>) src(%dma_wait3A_54 : memref<56x128xi32, #tpu.memory_space<hbm>>) dst(%arg9 : memref<56x128xi32, #tpu.memory_space<vmem>>)
    %scan3A_55 = arith.constant 0 : i32
    %scan3A_56 = arith.constant 0 : i32
    %scan3A_57 = arith.constant 56 : i32
    %scan3A_58 = arith.addi %scan3A_56, %scan3A_57 : i32
    %scan3A_59 = arith.constant 1 : i32
    scf.for %scan3A_184 = %scan3A_56 to %scan3A_58 step %scan3A_59  : i32 {
      %get3A = arith.index_cast %scan3A_184 : i32 to index
      %get3A_185 = arith.constant 0 : index
      %get3A_186 = tpu.vector_load %arg7[%get3A, %get3A_185] {strides = array<i32>} : memref<56x128xi32, #tpu.memory_space<vmem>>, vector<1x16xi32>,
      %get3A_187 = vector.shape_cast %get3A_186 : vector<1x16xi32> to vector<16xi32>
      %get3A_188 = arith.index_cast %scan3A_184 : i32 to index
      %get3A_189 = arith.constant 0 : index
      %get3A_190 = tpu.vector_load %arg9[%get3A_188, %get3A_189] {strides = array<i32>} : memref<56x128xi32, #tpu.memory_space<vmem>>, vector<1x16xi32>,
      %get3A_191 = vector.shape_cast %get3A_190 : vector<1x16xi32> to vector<16xi32>
      %mul3A_192 = arith.constant 7 : i32
      %mul3A_193 = vector.broadcast %mul3A_192 : i32 to vector<16xi32>
      %mul3A_194 = arith.muli %get3A_187, %mul3A_193 : vector<16xi32>
      %add3A_195 = arith.addi %mul3A_194, %get3A_191 : vector<16xi32>
      %swap3A = arith.index_cast %scan3A_184 : i32 to index
      %swap3A_196 = arith.constant 0 : index
      %swap3A_197 = tpu.vector_load %arg10[%swap3A, %swap3A_196] {strides = array<i32>} : memref<56x128xi32, #tpu.memory_space<vmem>>, vector<1x16xi32>,
      %swap3A_198 = vector.shape_cast %swap3A_197 : vector<1x16xi32> to vector<16xi32>
      %swap3A_199 = vector.shape_cast %add3A_195 : vector<16xi32> to vector<1x16xi32>
      tpu.vector_store %arg10[%swap3A, %swap3A_196], %swap3A_199 {strides = array<i32>} : memref<56x128xi32, #tpu.memory_space<vmem>>, vector<1x16xi32>,
      %get3A_200 = arith.index_cast %scan3A_184 : i32 to index
      %get3A_201 = arith.constant 16 : index
      %get3A_202 = tpu.vector_load %arg7[%get3A_200, %get3A_201] {strides = array<i32>} : memref<56x128xi32, #tpu.memory_space<vmem>>, vector<1x16xi32>,
      %get3A_203 = vector.shape_cast %get3A_202 : vector<1x16xi32> to vector<16xi32>
      %get3A_204 = arith.index_cast %scan3A_184 : i32 to index
      %get3A_205 = arith.constant 16 : index
      %get3A_206 = tpu.vector_load %arg9[%get3A_204, %get3A_205] {strides = array<i32>} : memref<56x128xi32, #tpu.memory_space<vmem>>, vector<1x16xi32>,
      %get3A_207 = vector.shape_cast %get3A_206 : vector<1x16xi32> to vector<16xi32>
      %mul3A_208 = arith.constant 7 : i32
      %mul3A_209 = vector.broadcast %mul3A_208 : i32 to vector<16xi32>
      %mul3A_210 = arith.muli %get3A_203, %mul3A_209 : vector<16xi32>
      %add3A_211 = arith.addi %mul3A_210, %get3A_207 : vector<16xi32>
      %swap3A_212 = arith.index_cast %scan3A_184 : i32 to index
      %swap3A_213 = arith.constant 16 : index
      %swap3A_214 = tpu.vector_load %arg10[%swap3A_212, %swap3A_213] {strides = array<i32>} : memref<56x128xi32, #tpu.memory_space<vmem>>, vector<1x16xi32>,
      %swap3A_215 = vector.shape_cast %swap3A_214 : vector<1x16xi32> to vector<16xi32>
      %swap3A_216 = vector.shape_cast %add3A_211 : vector<16xi32> to vector<1x16xi32>
      tpu.vector_store %arg10[%swap3A_212, %swap3A_213], %swap3A_216 {strides = array<i32>} : memref<56x128xi32, #tpu.memory_space<vmem>>, vector<1x16xi32>,
      %get3A_217 = arith.index_cast %scan3A_184 : i32 to index
      %get3A_218 = arith.constant 32 : index
      %get3A_219 = tpu.vector_load %arg7[%get3A_217, %get3A_218] {strides = array<i32>} : memref<56x128xi32, #tpu.memory_space<vmem>>, vector<1x16xi32>,
      %get3A_220 = vector.shape_cast %get3A_219 : vector<1x16xi32> to vector<16xi32>
      %get3A_221 = arith.index_cast %scan3A_184 : i32 to index
      %get3A_222 = arith.constant 32 : index
      %get3A_223 = tpu.vector_load %arg9[%get3A_221, %get3A_222] {strides = array<i32>} : memref<56x128xi32, #tpu.memory_space<vmem>>, vector<1x16xi32>,
      %get3A_224 = vector.shape_cast %get3A_223 : vector<1x16xi32> to vector<16xi32>
      %mul3A_225 = arith.constant 7 : i32
      %mul3A_226 = vector.broadcast %mul3A_225 : i32 to vector<16xi32>
      %mul3A_227 = arith.muli %get3A_220, %mul3A_226 : vector<16xi32>
      %add3A_228 = arith.addi %mul3A_227, %get3A_224 : vector<16xi32>
      %swap3A_229 = arith.index_cast %scan3A_184 : i32 to index
      %swap3A_230 = arith.constant 32 : index
      %swap3A_231 = tpu.vector_load %arg10[%swap3A_229, %swap3A_230] {strides = array<i32>} : memref<56x128xi32, #tpu.memory_space<vmem>>, vector<1x16xi32>,
      %swap3A_232 = vector.shape_cast %swap3A_231 : vector<1x16xi32> to vector<16xi32>
      %swap3A_233 = vector.shape_cast %add3A_228 : vector<16xi32> to vector<1x16xi32>
      tpu.vector_store %arg10[%swap3A_229, %swap3A_230], %swap3A_233 {strides = array<i32>} : memref<56x128xi32, #tpu.memory_space<vmem>>, vector<1x16xi32>,
      %get3A_234 = arith.index_cast %scan3A_184 : i32 to index
      %get3A_235 = arith.constant 48 : index
      %get3A_236 = tpu.vector_load %arg7[%get3A_234, %get3A_235] {strides = array<i32>} : memref<56x128xi32, #tpu.memory_space<vmem>>, vector<1x16xi32>,
      %get3A_237 = vector.shape_cast %get3A_236 : vector<1x16xi32> to vector<16xi32>
      %get3A_238 = arith.index_cast %scan3A_184 : i32 to index
      %get3A_239 = arith.constant 48 : index
      %get3A_240 = tpu.vector_load %arg9[%get3A_238, %get3A_239] {strides = array<i32>} : memref<56x128xi32, #tpu.memory_space<vmem>>, vector<1x16xi32>,
      %get3A_241 = vector.shape_cast %get3A_240 : vector<1x16xi32> to vector<16xi32>
      %mul3A_242 = arith.constant 7 : i32
      %mul3A_243 = vector.broadcast %mul3A_242 : i32 to vector<16xi32>
      %mul3A_244 = arith.muli %get3A_237, %mul3A_243 : vector<16xi32>
      %add3A_245 = arith.addi %mul3A_244, %get3A_241 : vector<16xi32>
      %swap3A_246 = arith.index_cast %scan3A_184 : i32 to index
      %swap3A_247 = arith.constant 48 : index
      %swap3A_248 = tpu.vector_load %arg10[%swap3A_246, %swap3A_247] {strides = array<i32>} : memref<56x128xi32, #tpu.memory_space<vmem>>, vector<1x16xi32>,
      %swap3A_249 = vector.shape_cast %swap3A_248 : vector<1x16xi32> to vector<16xi32>
      %swap3A_250 = vector.shape_cast %add3A_245 : vector<16xi32> to vector<1x16xi32>
      tpu.vector_store %arg10[%swap3A_246, %swap3A_247], %swap3A_250 {strides = array<i32>} : memref<56x128xi32, #tpu.memory_space<vmem>>, vector<1x16xi32>,
      %get3A_251 = arith.index_cast %scan3A_184 : i32 to index
      %get3A_252 = arith.constant 64 : index
      %get3A_253 = tpu.vector_load %arg7[%get3A_251, %get3A_252] {strides = array<i32>} : memref<56x128xi32, #tpu.memory_space<vmem>>, vector<1x16xi32>,
      %get3A_254 = vector.shape_cast %get3A_253 : vector<1x16xi32> to vector<16xi32>
      %get3A_255 = arith.index_cast %scan3A_184 : i32 to index
      %get3A_256 = arith.constant 64 : index
      %get3A_257 = tpu.vector_load %arg9[%get3A_255, %get3A_256] {strides = array<i32>} : memref<56x128xi32, #tpu.memory_space<vmem>>, vector<1x16xi32>,
      %get3A_258 = vector.shape_cast %get3A_257 : vector<1x16xi32> to vector<16xi32>
      %mul3A_259 = arith.constant 7 : i32
      %mul3A_260 = vector.broadcast %mul3A_259 : i32 to vector<16xi32>
      %mul3A_261 = arith.muli %get3A_254, %mul3A_260 : vector<16xi32>
      %add3A_262 = arith.addi %mul3A_261, %get3A_258 : vector<16xi32>
      %swap3A_263 = arith.index_cast %scan3A_184 : i32 to index
      %swap3A_264 = arith.constant 64 : index
      %swap3A_265 = tpu.vector_load %arg10[%swap3A_263, %swap3A_264] {strides = array<i32>} : memref<56x128xi32, #tpu.memory_space<vmem>>, vector<1x16xi32>,
      %swap3A_266 = vector.shape_cast %swap3A_265 : vector<1x16xi32> to vector<16xi32>
      %swap3A_267 = vector.shape_cast %add3A_262 : vector<16xi32> to vector<1x16xi32>
      tpu.vector_store %arg10[%swap3A_263, %swap3A_264], %swap3A_267 {strides = array<i32>} : memref<56x128xi32, #tpu.memory_space<vmem>>, vector<1x16xi32>,
      %get3A_268 = arith.index_cast %scan3A_184 : i32 to index
      %get3A_269 = arith.constant 80 : index
      %get3A_270 = tpu.vector_load %arg7[%get3A_268, %get3A_269] {strides = array<i32>} : memref<56x128xi32, #tpu.memory_space<vmem>>, vector<1x16xi32>,
      %get3A_271 = vector.shape_cast %get3A_270 : vector<1x16xi32> to vector<16xi32>
      %get3A_272 = arith.index_cast %scan3A_184 : i32 to index
      %get3A_273 = arith.constant 80 : index
      %get3A_274 = tpu.vector_load %arg9[%get3A_272, %get3A_273] {strides = array<i32>} : memref<56x128xi32, #tpu.memory_space<vmem>>, vector<1x16xi32>,
      %get3A_275 = vector.shape_cast %get3A_274 : vector<1x16xi32> to vector<16xi32>
      %mul3A_276 = arith.constant 7 : i32
      %mul3A_277 = vector.broadcast %mul3A_276 : i32 to vector<16xi32>
      %mul3A_278 = arith.muli %get3A_271, %mul3A_277 : vector<16xi32>
      %add3A_279 = arith.addi %mul3A_278, %get3A_275 : vector<16xi32>
      %swap3A_280 = arith.index_cast %scan3A_184 : i32 to index
      %swap3A_281 = arith.constant 80 : index
      %swap3A_282 = tpu.vector_load %arg10[%swap3A_280, %swap3A_281] {strides = array<i32>} : memref<56x128xi32, #tpu.memory_space<vmem>>, vector<1x16xi32>,
      %swap3A_283 = vector.shape_cast %swap3A_282 : vector<1x16xi32> to vector<16xi32>
      %swap3A_284 = vector.shape_cast %add3A_279 : vector<16xi32> to vector<1x16xi32>
      tpu.vector_store %arg10[%swap3A_280, %swap3A_281], %swap3A_284 {strides = array<i32>} : memref<56x128xi32, #tpu.memory_space<vmem>>, vector<1x16xi32>,
      %get3A_285 = arith.index_cast %scan3A_184 : i32 to index
      %get3A_286 = arith.constant 96 : index
      %get3A_287 = tpu.vector_load %arg7[%get3A_285, %get3A_286] {strides = array<i32>} : memref<56x128xi32, #tpu.memory_space<vmem>>, vector<1x16xi32>,
      %get3A_288 = vector.shape_cast %get3A_287 : vector<1x16xi32> to vector<16xi32>
      %get3A_289 = arith.index_cast %scan3A_184 : i32 to index
      %get3A_290 = arith.constant 96 : index
      %get3A_291 = tpu.vector_load %arg9[%get3A_289, %get3A_290] {strides = array<i32>} : memref<56x128xi32, #tpu.memory_space<vmem>>, vector<1x16xi32>,
      %get3A_292 = vector.shape_cast %get3A_291 : vector<1x16xi32> to vector<16xi32>
      %mul3A_293 = arith.constant 7 : i32
      %mul3A_294 = vector.broadcast %mul3A_293 : i32 to vector<16xi32>
      %mul3A_295 = arith.muli %get3A_288, %mul3A_294 : vector<16xi32>
      %add3A_296 = arith.addi %mul3A_295, %get3A_292 : vector<16xi32>
      %swap3A_297 = arith.index_cast %scan3A_184 : i32 to index
      %swap3A_298 = arith.constant 96 : index
      %swap3A_299 = tpu.vector_load %arg10[%swap3A_297, %swap3A_298] {strides = array<i32>} : memref<56x128xi32, #tpu.memory_space<vmem>>, vector<1x16xi32>,
      %swap3A_300 = vector.shape_cast %swap3A_299 : vector<1x16xi32> to vector<16xi32>
      %swap3A_301 = vector.shape_cast %add3A_296 : vector<16xi32> to vector<1x16xi32>
      tpu.vector_store %arg10[%swap3A_297, %swap3A_298], %swap3A_301 {strides = array<i32>} : memref<56x128xi32, #tpu.memory_space<vmem>>, vector<1x16xi32>,
      %get3A_302 = arith.index_cast %scan3A_184 : i32 to index
      %get3A_303 = arith.constant 112 : index
      %get3A_304 = tpu.vector_load %arg7[%get3A_302, %get3A_303] {strides = array<i32>} : memref<56x128xi32, #tpu.memory_space<vmem>>, vector<1x16xi32>,
      %get3A_305 = vector.shape_cast %get3A_304 : vector<1x16xi32> to vector<16xi32>
      %get3A_306 = arith.index_cast %scan3A_184 : i32 to index
      %get3A_307 = arith.constant 112 : index
      %get3A_308 = tpu.vector_load %arg9[%get3A_306, %get3A_307] {strides = array<i32>} : memref<56x128xi32, #tpu.memory_space<vmem>>, vector<1x16xi32>,
      %get3A_309 = vector.shape_cast %get3A_308 : vector<1x16xi32> to vector<16xi32>
      %mul3A_310 = arith.constant 7 : i32
      %mul3A_311 = vector.broadcast %mul3A_310 : i32 to vector<16xi32>
      %mul3A_312 = arith.muli %get3A_305, %mul3A_311 : vector<16xi32>
      %add3A_313 = arith.addi %mul3A_312, %get3A_309 : vector<16xi32>
      %swap3A_314 = arith.index_cast %scan3A_184 : i32 to index
      %swap3A_315 = arith.constant 112 : index
      %swap3A_316 = tpu.vector_load %arg10[%swap3A_314, %swap3A_315] {strides = array<i32>} : memref<56x128xi32, #tpu.memory_space<vmem>>, vector<1x16xi32>,
      %swap3A_317 = vector.shape_cast %swap3A_316 : vector<1x16xi32> to vector<16xi32>
      %swap3A_318 = vector.shape_cast %add3A_313 : vector<16xi32> to vector<1x16xi32>
      tpu.vector_store %arg10[%swap3A_314, %swap3A_315], %swap3A_318 {strides = array<i32>} : memref<56x128xi32, #tpu.memory_space<vmem>>, vector<1x16xi32>,
    }
    %scan3A_60 = arith.constant 56 : i32
    %barrier3A = arith.constant 0 : index
    tpu.barrier barrier_id(%barrier3A)
    %dma_start3A_61 = arith.constant 0 : i32
    %dma_start3A_62 = arith.constant 0 : i32
    %dma_start3A_63 = tpu.memref_slice %arg10[%dma_start3A_61, %dma_start3A_62] : memref<56x128xi32, #tpu.memory_space<vmem>> -> memref<1x128xi32, #tpu.memory_space<vmem>>
    %dma_start3A_64 = tpu.memref_squeeze %dma_start3A_63 : memref<1x128xi32, #tpu.memory_space<vmem>> -> memref<128xi32, #tpu.memory_space<vmem>>
    %dma_start3A_65 = arith.constant 0 : i32
    %dma_start3A_66 = arith.constant 0 : i32
    %dma_start3A_67 = tpu.memref_slice %arg5[%dma_start3A_65, %dma_start3A_66] : memref<229376x16xf32, #tpu.memory_space<hbm>> -> memref<229376x16xf32, #tpu.memory_space<hbm>>
    tpu.enqueue_indirect_dma source(%dma_start3A_67 : memref<229376x16xf32, #tpu.memory_space<hbm>>) target(%arg12 : memref<128x16xf32, #tpu.memory_space<vmem>>) offsets(%dma_start3A_64 : memref<128xi32, #tpu.memory_space<vmem>>) semaphore(%arg22 : memref<!tpu.dma_semaphore, #tpu.memory_space<semaphore_mem>>)
    %dma_start3A_68 = arith.constant 1 : i32
    %dma_start3A_69 = arith.constant 0 : i32
    %dma_start3A_70 = tpu.memref_slice %arg10[%dma_start3A_68, %dma_start3A_69] : memref<56x128xi32, #tpu.memory_space<vmem>> -> memref<1x128xi32, #tpu.memory_space<vmem>>
    %dma_start3A_71 = tpu.memref_squeeze %dma_start3A_70 : memref<1x128xi32, #tpu.memory_space<vmem>> -> memref<128xi32, #tpu.memory_space<vmem>>
    %dma_start3A_72 = arith.constant 0 : i32
    %dma_start3A_73 = arith.constant 0 : i32
    %dma_start3A_74 = tpu.memref_slice %arg5[%dma_start3A_72, %dma_start3A_73] : memref<229376x16xf32, #tpu.memory_space<hbm>> -> memref<229376x16xf32, #tpu.memory_space<hbm>>
    tpu.enqueue_indirect_dma source(%dma_start3A_74 : memref<229376x16xf32, #tpu.memory_space<hbm>>) target(%arg13 : memref<128x16xf32, #tpu.memory_space<vmem>>) offsets(%dma_start3A_71 : memref<128xi32, #tpu.memory_space<vmem>>) semaphore(%arg23 : memref<!tpu.dma_semaphore, #tpu.memory_space<semaphore_mem>>)
    %dma_start3A_75 = arith.constant 2 : i32
    %dma_start3A_76 = arith.constant 0 : i32
    %dma_start3A_77 = tpu.memref_slice %arg10[%dma_start3A_75, %dma_start3A_76] : memref<56x128xi32, #tpu.memory_space<vmem>> -> memref<1x128xi32, #tpu.memory_space<vmem>>
    %dma_start3A_78 = tpu.memref_squeeze %dma_start3A_77 : memref<1x128xi32, #tpu.memory_space<vmem>> -> memref<128xi32, #tpu.memory_space<vmem>>
    %dma_start3A_79 = arith.constant 0 : i32
    %dma_start3A_80 = arith.constant 0 : i32
    %dma_start3A_81 = tpu.memref_slice %arg5[%dma_start3A_79, %dma_start3A_80] : memref<229376x16xf32, #tpu.memory_space<hbm>> -> memref<229376x16xf32, #tpu.memory_space<hbm>>
    tpu.enqueue_indirect_dma source(%dma_start3A_81 : memref<229376x16xf32, #tpu.memory_space<hbm>>) target(%arg14 : memref<128x16xf32, #tpu.memory_space<vmem>>) offsets(%dma_start3A_78 : memref<128xi32, #tpu.memory_space<vmem>>) semaphore(%arg24 : memref<!tpu.dma_semaphore, #tpu.memory_space<semaphore_mem>>)
    %dma_start3A_82 = arith.constant 3 : i32
    %dma_start3A_83 = arith.constant 0 : i32
    %dma_start3A_84 = tpu.memref_slice %arg10[%dma_start3A_82, %dma_start3A_83] : memref<56x128xi32, #tpu.memory_space<vmem>> -> memref<1x128xi32, #tpu.memory_space<vmem>>
    %dma_start3A_85 = tpu.memref_squeeze %dma_start3A_84 : memref<1x128xi32, #tpu.memory_space<vmem>> -> memref<128xi32, #tpu.memory_space<vmem>>
    %dma_start3A_86 = arith.constant 0 : i32
    %dma_start3A_87 = arith.constant 0 : i32
    %dma_start3A_88 = tpu.memref_slice %arg5[%dma_start3A_86, %dma_start3A_87] : memref<229376x16xf32, #tpu.memory_space<hbm>> -> memref<229376x16xf32, #tpu.memory_space<hbm>>
    tpu.enqueue_indirect_dma source(%dma_start3A_88 : memref<229376x16xf32, #tpu.memory_space<hbm>>) target(%arg15 : memref<128x16xf32, #tpu.memory_space<vmem>>) offsets(%dma_start3A_85 : memref<128xi32, #tpu.memory_space<vmem>>) semaphore(%arg25 : memref<!tpu.dma_semaphore, #tpu.memory_space<semaphore_mem>>)
    %dma_start3A_89 = arith.constant 4 : i32
    %dma_start3A_90 = arith.constant 0 : i32
    %dma_start3A_91 = tpu.memref_slice %arg10[%dma_start3A_89, %dma_start3A_90] : memref<56x128xi32, #tpu.memory_space<vmem>> -> memref<1x128xi32, #tpu.memory_space<vmem>>
    %dma_start3A_92 = tpu.memref_squeeze %dma_start3A_91 : memref<1x128xi32, #tpu.memory_space<vmem>> -> memref<128xi32, #tpu.memory_space<vmem>>
    %dma_start3A_93 = arith.constant 0 : i32
    %dma_start3A_94 = arith.constant 0 : i32
    %dma_start3A_95 = tpu.memref_slice %arg5[%dma_start3A_93, %dma_start3A_94] : memref<229376x16xf32, #tpu.memory_space<hbm>> -> memref<229376x16xf32, #tpu.memory_space<hbm>>
    tpu.enqueue_indirect_dma source(%dma_start3A_95 : memref<229376x16xf32, #tpu.memory_space<hbm>>) target(%arg16 : memref<128x16xf32, #tpu.memory_space<vmem>>) offsets(%dma_start3A_92 : memref<128xi32, #tpu.memory_space<vmem>>) semaphore(%arg26 : memref<!tpu.dma_semaphore, #tpu.memory_space<semaphore_mem>>)
    %dma_start3A_96 = arith.constant 5 : i32
    %dma_start3A_97 = arith.constant 0 : i32
    %dma_start3A_98 = tpu.memref_slice %arg10[%dma_start3A_96, %dma_start3A_97] : memref<56x128xi32, #tpu.memory_space<vmem>> -> memref<1x128xi32, #tpu.memory_space<vmem>>
    %dma_start3A_99 = tpu.memref_squeeze %dma_start3A_98 : memref<1x128xi32, #tpu.memory_space<vmem>> -> memref<128xi32, #tpu.memory_space<vmem>>
    %dma_start3A_100 = arith.constant 0 : i32
    %dma_start3A_101 = arith.constant 0 : i32
    %dma_start3A_102 = tpu.memref_slice %arg5[%dma_start3A_100, %dma_start3A_101] : memref<229376x16xf32, #tpu.memory_space<hbm>> -> memref<229376x16xf32, #tpu.memory_space<hbm>>
    tpu.enqueue_indirect_dma source(%dma_start3A_102 : memref<229376x16xf32, #tpu.memory_space<hbm>>) target(%arg17 : memref<128x16xf32, #tpu.memory_space<vmem>>) offsets(%dma_start3A_99 : memref<128xi32, #tpu.memory_space<vmem>>) semaphore(%arg27 : memref<!tpu.dma_semaphore, #tpu.memory_space<semaphore_mem>>)
    %dma_start3A_103 = arith.constant 6 : i32
    %dma_start3A_104 = arith.constant 0 : i32
    %dma_start3A_105 = tpu.memref_slice %arg10[%dma_start3A_103, %dma_start3A_104] : memref<56x128xi32, #tpu.memory_space<vmem>> -> memref<1x128xi32, #tpu.memory_space<vmem>>
    %dma_start3A_106 = tpu.memref_squeeze %dma_start3A_105 : memref<1x128xi32, #tpu.memory_space<vmem>> -> memref<128xi32, #tpu.memory_space<vmem>>
    %dma_start3A_107 = arith.constant 0 : i32
    %dma_start3A_108 = arith.constant 0 : i32
    %dma_start3A_109 = tpu.memref_slice %arg5[%dma_start3A_107, %dma_start3A_108] : memref<229376x16xf32, #tpu.memory_space<hbm>> -> memref<229376x16xf32, #tpu.memory_space<hbm>>
    tpu.enqueue_indirect_dma source(%dma_start3A_109 : memref<229376x16xf32, #tpu.memory_space<hbm>>) target(%arg18 : memref<128x16xf32, #tpu.memory_space<vmem>>) offsets(%dma_start3A_106 : memref<128xi32, #tpu.memory_space<vmem>>) semaphore(%arg28 : memref<!tpu.dma_semaphore, #tpu.memory_space<semaphore_mem>>)
    %dma_start3A_110 = arith.constant 7 : i32
    %dma_start3A_111 = arith.constant 0 : i32
    %dma_start3A_112 = tpu.memref_slice %arg10[%dma_start3A_110, %dma_start3A_111] : memref<56x128xi32, #tpu.memory_space<vmem>> -> memref<1x128xi32, #tpu.memory_space<vmem>>
    %dma_start3A_113 = tpu.memref_squeeze %dma_start3A_112 : memref<1x128xi32, #tpu.memory_space<vmem>> -> memref<128xi32, #tpu.memory_space<vmem>>
    %dma_start3A_114 = arith.constant 0 : i32
    %dma_start3A_115 = arith.constant 0 : i32
    %dma_start3A_116 = tpu.memref_slice %arg5[%dma_start3A_114, %dma_start3A_115] : memref<229376x16xf32, #tpu.memory_space<hbm>> -> memref<229376x16xf32, #tpu.memory_space<hbm>>
    tpu.enqueue_indirect_dma source(%dma_start3A_116 : memref<229376x16xf32, #tpu.memory_space<hbm>>) target(%arg19 : memref<128x16xf32, #tpu.memory_space<vmem>>) offsets(%dma_start3A_113 : memref<128xi32, #tpu.memory_space<vmem>>) semaphore(%arg29 : memref<!tpu.dma_semaphore, #tpu.memory_space<semaphore_mem>>)
    %scan3A_117 = arith.constant 0 : i32
    %scan3A_118 = arith.constant 0 : i32
    %scan3A_119 = arith.constant 7 : i32
    %scan3A_120 = arith.addi %scan3A_118, %scan3A_119 : i32
    %scan3A_121 = arith.constant 1 : i32
    scf.for %scan3A_184 = %scan3A_118 to %scan3A_120 step %scan3A_121  : i32 {
      %mul3A_185 = arith.constant 8 : i32
      %mul3A_186 = arith.muli %scan3A_184, %mul3A_185 : i32
      %add3A_187 = arith.constant 0 : i32
      %add3A_188 = arith.addi %mul3A_186, %add3A_187 : i32
      %dma_wait3A_189 = arith.constant 0 : i32
      %dma_wait3A_190 = arith.constant 0 : i32
      %dma_wait3A_191 = tpu.memref_slice %arg10[%dma_wait3A_189, %dma_wait3A_190] : memref<56x128xi32, #tpu.memory_space<vmem>> -> memref<1x128xi32, #tpu.memory_space<vmem>>
      %dma_wait3A_192 = tpu.memref_squeeze %dma_wait3A_191 : memref<1x128xi32, #tpu.memory_space<vmem>> -> memref<128xi32, #tpu.memory_space<vmem>>
      %dma_wait3A_193 = arith.constant 0 : i32
      %dma_wait3A_194 = arith.constant 0 : i32
      %dma_wait3A_195 = tpu.memref_slice %arg5[%dma_wait3A_193, %dma_wait3A_194] : memref<229376x16xf32, #tpu.memory_space<hbm>> -> memref<229376x16xf32, #tpu.memory_space<hbm>>
      tpu.wait_indirect_dma semaphore(%arg22 : memref<!tpu.dma_semaphore, #tpu.memory_space<semaphore_mem>>) src(%dma_wait3A_195 : memref<229376x16xf32, #tpu.memory_space<hbm>>) dst(%arg12 : memref<128x16xf32, #tpu.memory_space<vmem>>)
      %dma_start3A_196 = arith.constant 0 : i32
      %dma_start3A_197 = tpu.memref_slice %arg8[%add3A_188, %dma_start3A_196] : memref<56x128xi32, #tpu.memory_space<vmem>> -> memref<1x128xi32, #tpu.memory_space<vmem>>
      %dma_start3A_198 = tpu.memref_squeeze %dma_start3A_197 : memref<1x128xi32, #tpu.memory_space<vmem>> -> memref<128xi32, #tpu.memory_space<vmem>>
      %dma_start3A_199 = arith.constant 0 : i32
      %dma_start3A_200 = arith.constant 0 : i32
      %dma_start3A_201 = tpu.memref_slice %arg20[%dma_start3A_199, %dma_start3A_200] : memref<32768x16xf32, #tpu.memory_space<vmem_shared>> -> memref<32768x16xf32, #tpu.memory_space<vmem_shared>>
      tpu.enqueue_indirect_dma source(%arg12 : memref<128x16xf32, #tpu.memory_space<vmem>>) target(%dma_start3A_201 : memref<32768x16xf32, #tpu.memory_space<vmem_shared>>) offsets(%dma_start3A_198 : memref<128xi32, #tpu.memory_space<vmem>>) semaphore(%arg30 : memref<!tpu.dma_semaphore, #tpu.memory_space<semaphore_mem>>) {add = true}
      %add3A_202 = arith.constant 1 : i32
      %add3A_203 = arith.addi %mul3A_186, %add3A_202 : i32
      %dma_wait3A_204 = arith.constant 0 : i32
      %dma_wait3A_205 = arith.constant 0 : i32
      %dma_wait3A_206 = tpu.memref_slice %arg10[%dma_wait3A_204, %dma_wait3A_205] : memref<56x128xi32, #tpu.memory_space<vmem>> -> memref<1x128xi32, #tpu.memory_space<vmem>>
      %dma_wait3A_207 = tpu.memref_squeeze %dma_wait3A_206 : memref<1x128xi32, #tpu.memory_space<vmem>> -> memref<128xi32, #tpu.memory_space<vmem>>
      %dma_wait3A_208 = arith.constant 0 : i32
      %dma_wait3A_209 = arith.constant 0 : i32
      %dma_wait3A_210 = tpu.memref_slice %arg5[%dma_wait3A_208, %dma_wait3A_209] : memref<229376x16xf32, #tpu.memory_space<hbm>> -> memref<229376x16xf32, #tpu.memory_space<hbm>>
      tpu.wait_indirect_dma semaphore(%arg23 : memref<!tpu.dma_semaphore, #tpu.memory_space<semaphore_mem>>) src(%dma_wait3A_210 : memref<229376x16xf32, #tpu.memory_space<hbm>>) dst(%arg13 : memref<128x16xf32, #tpu.memory_space<vmem>>)
      %dma_start3A_211 = arith.constant 0 : i32
      %dma_start3A_212 = tpu.memref_slice %arg8[%add3A_203, %dma_start3A_211] : memref<56x128xi32, #tpu.memory_space<vmem>> -> memref<1x128xi32, #tpu.memory_space<vmem>>
      %dma_start3A_213 = tpu.memref_squeeze %dma_start3A_212 : memref<1x128xi32, #tpu.memory_space<vmem>> -> memref<128xi32, #tpu.memory_space<vmem>>
      %dma_start3A_214 = arith.constant 0 : i32
      %dma_start3A_215 = arith.constant 0 : i32
      %dma_start3A_216 = tpu.memref_slice %arg20[%dma_start3A_214, %dma_start3A_215] : memref<32768x16xf32, #tpu.memory_space<vmem_shared>> -> memref<32768x16xf32, #tpu.memory_space<vmem_shared>>
      tpu.enqueue_indirect_dma source(%arg13 : memref<128x16xf32, #tpu.memory_space<vmem>>) target(%dma_start3A_216 : memref<32768x16xf32, #tpu.memory_space<vmem_shared>>) offsets(%dma_start3A_213 : memref<128xi32, #tpu.memory_space<vmem>>) semaphore(%arg31 : memref<!tpu.dma_semaphore, #tpu.memory_space<semaphore_mem>>) {add = true}
      %add3A_217 = arith.constant 2 : i32
      %add3A_218 = arith.addi %mul3A_186, %add3A_217 : i32
      %dma_wait3A_219 = arith.constant 0 : i32
      %dma_wait3A_220 = arith.constant 0 : i32
      %dma_wait3A_221 = tpu.memref_slice %arg10[%dma_wait3A_219, %dma_wait3A_220] : memref<56x128xi32, #tpu.memory_space<vmem>> -> memref<1x128xi32, #tpu.memory_space<vmem>>
      %dma_wait3A_222 = tpu.memref_squeeze %dma_wait3A_221 : memref<1x128xi32, #tpu.memory_space<vmem>> -> memref<128xi32, #tpu.memory_space<vmem>>
      %dma_wait3A_223 = arith.constant 0 : i32
      %dma_wait3A_224 = arith.constant 0 : i32
      %dma_wait3A_225 = tpu.memref_slice %arg5[%dma_wait3A_223, %dma_wait3A_224] : memref<229376x16xf32, #tpu.memory_space<hbm>> -> memref<229376x16xf32, #tpu.memory_space<hbm>>
      tpu.wait_indirect_dma semaphore(%arg24 : memref<!tpu.dma_semaphore, #tpu.memory_space<semaphore_mem>>) src(%dma_wait3A_225 : memref<229376x16xf32, #tpu.memory_space<hbm>>) dst(%arg14 : memref<128x16xf32, #tpu.memory_space<vmem>>)
      %dma_start3A_226 = arith.constant 0 : i32
      %dma_start3A_227 = tpu.memref_slice %arg8[%add3A_218, %dma_start3A_226] : memref<56x128xi32, #tpu.memory_space<vmem>> -> memref<1x128xi32, #tpu.memory_space<vmem>>
      %dma_start3A_228 = tpu.memref_squeeze %dma_start3A_227 : memref<1x128xi32, #tpu.memory_space<vmem>> -> memref<128xi32, #tpu.memory_space<vmem>>
      %dma_start3A_229 = arith.constant 0 : i32
      %dma_start3A_230 = arith.constant 0 : i32
      %dma_start3A_231 = tpu.memref_slice %arg20[%dma_start3A_229, %dma_start3A_230] : memref<32768x16xf32, #tpu.memory_space<vmem_shared>> -> memref<32768x16xf32, #tpu.memory_space<vmem_shared>>
      tpu.enqueue_indirect_dma source(%arg14 : memref<128x16xf32, #tpu.memory_space<vmem>>) target(%dma_start3A_231 : memref<32768x16xf32, #tpu.memory_space<vmem_shared>>) offsets(%dma_start3A_228 : memref<128xi32, #tpu.memory_space<vmem>>) semaphore(%arg32 : memref<!tpu.dma_semaphore, #tpu.memory_space<semaphore_mem>>) {add = true}
      %add3A_232 = arith.constant 3 : i32
      %add3A_233 = arith.addi %mul3A_186, %add3A_232 : i32
      %dma_wait3A_234 = arith.constant 0 : i32
      %dma_wait3A_235 = arith.constant 0 : i32
      %dma_wait3A_236 = tpu.memref_slice %arg10[%dma_wait3A_234, %dma_wait3A_235] : memref<56x128xi32, #tpu.memory_space<vmem>> -> memref<1x128xi32, #tpu.memory_space<vmem>>
      %dma_wait3A_237 = tpu.memref_squeeze %dma_wait3A_236 : memref<1x128xi32, #tpu.memory_space<vmem>> -> memref<128xi32, #tpu.memory_space<vmem>>
      %dma_wait3A_238 = arith.constant 0 : i32
      %dma_wait3A_239 = arith.constant 0 : i32
      %dma_wait3A_240 = tpu.memref_slice %arg5[%dma_wait3A_238, %dma_wait3A_239] : memref<229376x16xf32, #tpu.memory_space<hbm>> -> memref<229376x16xf32, #tpu.memory_space<hbm>>
      tpu.wait_indirect_dma semaphore(%arg25 : memref<!tpu.dma_semaphore, #tpu.memory_space<semaphore_mem>>) src(%dma_wait3A_240 : memref<229376x16xf32, #tpu.memory_space<hbm>>) dst(%arg15 : memref<128x16xf32, #tpu.memory_space<vmem>>)
      %dma_start3A_241 = arith.constant 0 : i32
      %dma_start3A_242 = tpu.memref_slice %arg8[%add3A_233, %dma_start3A_241] : memref<56x128xi32, #tpu.memory_space<vmem>> -> memref<1x128xi32, #tpu.memory_space<vmem>>
      %dma_start3A_243 = tpu.memref_squeeze %dma_start3A_242 : memref<1x128xi32, #tpu.memory_space<vmem>> -> memref<128xi32, #tpu.memory_space<vmem>>
      %dma_start3A_244 = arith.constant 0 : i32
      %dma_start3A_245 = arith.constant 0 : i32
      %dma_start3A_246 = tpu.memref_slice %arg20[%dma_start3A_244, %dma_start3A_245] : memref<32768x16xf32, #tpu.memory_space<vmem_shared>> -> memref<32768x16xf32, #tpu.memory_space<vmem_shared>>
      tpu.enqueue_indirect_dma source(%arg15 : memref<128x16xf32, #tpu.memory_space<vmem>>) target(%dma_start3A_246 : memref<32768x16xf32, #tpu.memory_space<vmem_shared>>) offsets(%dma_start3A_243 : memref<128xi32, #tpu.memory_space<vmem>>) semaphore(%arg33 : memref<!tpu.dma_semaphore, #tpu.memory_space<semaphore_mem>>) {add = true}
      %add3A_247 = arith.constant 4 : i32
      %add3A_248 = arith.addi %mul3A_186, %add3A_247 : i32
      %dma_wait3A_249 = arith.constant 0 : i32
      %dma_wait3A_250 = arith.constant 0 : i32
      %dma_wait3A_251 = tpu.memref_slice %arg10[%dma_wait3A_249, %dma_wait3A_250] : memref<56x128xi32, #tpu.memory_space<vmem>> -> memref<1x128xi32, #tpu.memory_space<vmem>>
      %dma_wait3A_252 = tpu.memref_squeeze %dma_wait3A_251 : memref<1x128xi32, #tpu.memory_space<vmem>> -> memref<128xi32, #tpu.memory_space<vmem>>
      %dma_wait3A_253 = arith.constant 0 : i32
      %dma_wait3A_254 = arith.constant 0 : i32
      %dma_wait3A_255 = tpu.memref_slice %arg5[%dma_wait3A_253, %dma_wait3A_254] : memref<229376x16xf32, #tpu.memory_space<hbm>> -> memref<229376x16xf32, #tpu.memory_space<hbm>>
      tpu.wait_indirect_dma semaphore(%arg26 : memref<!tpu.dma_semaphore, #tpu.memory_space<semaphore_mem>>) src(%dma_wait3A_255 : memref<229376x16xf32, #tpu.memory_space<hbm>>) dst(%arg16 : memref<128x16xf32, #tpu.memory_space<vmem>>)
      %dma_start3A_256 = arith.constant 0 : i32
      %dma_start3A_257 = tpu.memref_slice %arg8[%add3A_248, %dma_start3A_256] : memref<56x128xi32, #tpu.memory_space<vmem>> -> memref<1x128xi32, #tpu.memory_space<vmem>>
      %dma_start3A_258 = tpu.memref_squeeze %dma_start3A_257 : memref<1x128xi32, #tpu.memory_space<vmem>> -> memref<128xi32, #tpu.memory_space<vmem>>
      %dma_start3A_259 = arith.constant 0 : i32
      %dma_start3A_260 = arith.constant 0 : i32
      %dma_start3A_261 = tpu.memref_slice %arg20[%dma_start3A_259, %dma_start3A_260] : memref<32768x16xf32, #tpu.memory_space<vmem_shared>> -> memref<32768x16xf32, #tpu.memory_space<vmem_shared>>
      tpu.enqueue_indirect_dma source(%arg16 : memref<128x16xf32, #tpu.memory_space<vmem>>) target(%dma_start3A_261 : memref<32768x16xf32, #tpu.memory_space<vmem_shared>>) offsets(%dma_start3A_258 : memref<128xi32, #tpu.memory_space<vmem>>) semaphore(%arg34 : memref<!tpu.dma_semaphore, #tpu.memory_space<semaphore_mem>>) {add = true}
      %add3A_262 = arith.constant 5 : i32
      %add3A_263 = arith.addi %mul3A_186, %add3A_262 : i32
      %dma_wait3A_264 = arith.constant 0 : i32
      %dma_wait3A_265 = arith.constant 0 : i32
      %dma_wait3A_266 = tpu.memref_slice %arg10[%dma_wait3A_264, %dma_wait3A_265] : memref<56x128xi32, #tpu.memory_space<vmem>> -> memref<1x128xi32, #tpu.memory_space<vmem>>
      %dma_wait3A_267 = tpu.memref_squeeze %dma_wait3A_266 : memref<1x128xi32, #tpu.memory_space<vmem>> -> memref<128xi32, #tpu.memory_space<vmem>>
      %dma_wait3A_268 = arith.constant 0 : i32
      %dma_wait3A_269 = arith.constant 0 : i32
      %dma_wait3A_270 = tpu.memref_slice %arg5[%dma_wait3A_268, %dma_wait3A_269] : memref<229376x16xf32, #tpu.memory_space<hbm>> -> memref<229376x16xf32, #tpu.memory_space<hbm>>
      tpu.wait_indirect_dma semaphore(%arg27 : memref<!tpu.dma_semaphore, #tpu.memory_space<semaphore_mem>>) src(%dma_wait3A_270 : memref<229376x16xf32, #tpu.memory_space<hbm>>) dst(%arg17 : memref<128x16xf32, #tpu.memory_space<vmem>>)
      %dma_start3A_271 = arith.constant 0 : i32
      %dma_start3A_272 = tpu.memref_slice %arg8[%add3A_263, %dma_start3A_271] : memref<56x128xi32, #tpu.memory_space<vmem>> -> memref<1x128xi32, #tpu.memory_space<vmem>>
      %dma_start3A_273 = tpu.memref_squeeze %dma_start3A_272 : memref<1x128xi32, #tpu.memory_space<vmem>> -> memref<128xi32, #tpu.memory_space<vmem>>
      %dma_start3A_274 = arith.constant 0 : i32
      %dma_start3A_275 = arith.constant 0 : i32
      %dma_start3A_276 = tpu.memref_slice %arg20[%dma_start3A_274, %dma_start3A_275] : memref<32768x16xf32, #tpu.memory_space<vmem_shared>> -> memref<32768x16xf32, #tpu.memory_space<vmem_shared>>
      tpu.enqueue_indirect_dma source(%arg17 : memref<128x16xf32, #tpu.memory_space<vmem>>) target(%dma_start3A_276 : memref<32768x16xf32, #tpu.memory_space<vmem_shared>>) offsets(%dma_start3A_273 : memref<128xi32, #tpu.memory_space<vmem>>) semaphore(%arg35 : memref<!tpu.dma_semaphore, #tpu.memory_space<semaphore_mem>>) {add = true}
      %add3A_277 = arith.constant 6 : i32
      %add3A_278 = arith.addi %mul3A_186, %add3A_277 : i32
      %dma_wait3A_279 = arith.constant 0 : i32
      %dma_wait3A_280 = arith.constant 0 : i32
      %dma_wait3A_281 = tpu.memref_slice %arg10[%dma_wait3A_279, %dma_wait3A_280] : memref<56x128xi32, #tpu.memory_space<vmem>> -> memref<1x128xi32, #tpu.memory_space<vmem>>
      %dma_wait3A_282 = tpu.memref_squeeze %dma_wait3A_281 : memref<1x128xi32, #tpu.memory_space<vmem>> -> memref<128xi32, #tpu.memory_space<vmem>>
      %dma_wait3A_283 = arith.constant 0 : i32
      %dma_wait3A_284 = arith.constant 0 : i32
      %dma_wait3A_285 = tpu.memref_slice %arg5[%dma_wait3A_283, %dma_wait3A_284] : memref<229376x16xf32, #tpu.memory_space<hbm>> -> memref<229376x16xf32, #tpu.memory_space<hbm>>
      tpu.wait_indirect_dma semaphore(%arg28 : memref<!tpu.dma_semaphore, #tpu.memory_space<semaphore_mem>>) src(%dma_wait3A_285 : memref<229376x16xf32, #tpu.memory_space<hbm>>) dst(%arg18 : memref<128x16xf32, #tpu.memory_space<vmem>>)
      %dma_start3A_286 = arith.constant 0 : i32
      %dma_start3A_287 = tpu.memref_slice %arg8[%add3A_278, %dma_start3A_286] : memref<56x128xi32, #tpu.memory_space<vmem>> -> memref<1x128xi32, #tpu.memory_space<vmem>>
      %dma_start3A_288 = tpu.memref_squeeze %dma_start3A_287 : memref<1x128xi32, #tpu.memory_space<vmem>> -> memref<128xi32, #tpu.memory_space<vmem>>
      %dma_start3A_289 = arith.constant 0 : i32
      %dma_start3A_290 = arith.constant 0 : i32
      %dma_start3A_291 = tpu.memref_slice %arg20[%dma_start3A_289, %dma_start3A_290] : memref<32768x16xf32, #tpu.memory_space<vmem_shared>> -> memref<32768x16xf32, #tpu.memory_space<vmem_shared>>
      tpu.enqueue_indirect_dma source(%arg18 : memref<128x16xf32, #tpu.memory_space<vmem>>) target(%dma_start3A_291 : memref<32768x16xf32, #tpu.memory_space<vmem_shared>>) offsets(%dma_start3A_288 : memref<128xi32, #tpu.memory_space<vmem>>) semaphore(%arg36 : memref<!tpu.dma_semaphore, #tpu.memory_space<semaphore_mem>>) {add = true}
      %add3A_292 = arith.constant 7 : i32
      %add3A_293 = arith.addi %mul3A_186, %add3A_292 : i32
      %dma_wait3A_294 = arith.constant 0 : i32
      %dma_wait3A_295 = arith.constant 0 : i32
      %dma_wait3A_296 = tpu.memref_slice %arg10[%dma_wait3A_294, %dma_wait3A_295] : memref<56x128xi32, #tpu.memory_space<vmem>> -> memref<1x128xi32, #tpu.memory_space<vmem>>
      %dma_wait3A_297 = tpu.memref_squeeze %dma_wait3A_296 : memref<1x128xi32, #tpu.memory_space<vmem>> -> memref<128xi32, #tpu.memory_space<vmem>>
      %dma_wait3A_298 = arith.constant 0 : i32
      %dma_wait3A_299 = arith.constant 0 : i32
      %dma_wait3A_300 = tpu.memref_slice %arg5[%dma_wait3A_298, %dma_wait3A_299] : memref<229376x16xf32, #tpu.memory_space<hbm>> -> memref<229376x16xf32, #tpu.memory_space<hbm>>
      tpu.wait_indirect_dma semaphore(%arg29 : memref<!tpu.dma_semaphore, #tpu.memory_space<semaphore_mem>>) src(%dma_wait3A_300 : memref<229376x16xf32, #tpu.memory_space<hbm>>) dst(%arg19 : memref<128x16xf32, #tpu.memory_space<vmem>>)
      %dma_start3A_301 = arith.constant 0 : i32
      %dma_start3A_302 = tpu.memref_slice %arg8[%add3A_293, %dma_start3A_301] : memref<56x128xi32, #tpu.memory_space<vmem>> -> memref<1x128xi32, #tpu.memory_space<vmem>>
      %dma_start3A_303 = tpu.memref_squeeze %dma_start3A_302 : memref<1x128xi32, #tpu.memory_space<vmem>> -> memref<128xi32, #tpu.memory_space<vmem>>
      %dma_start3A_304 = arith.constant 0 : i32
      %dma_start3A_305 = arith.constant 0 : i32
      %dma_start3A_306 = tpu.memref_slice %arg20[%dma_start3A_304, %dma_start3A_305] : memref<32768x16xf32, #tpu.memory_space<vmem_shared>> -> memref<32768x16xf32, #tpu.memory_space<vmem_shared>>
      tpu.enqueue_indirect_dma source(%arg19 : memref<128x16xf32, #tpu.memory_space<vmem>>) target(%dma_start3A_306 : memref<32768x16xf32, #tpu.memory_space<vmem_shared>>) offsets(%dma_start3A_303 : memref<128xi32, #tpu.memory_space<vmem>>) semaphore(%arg37 : memref<!tpu.dma_semaphore, #tpu.memory_space<semaphore_mem>>) {add = true}
      %add3A_307 = arith.constant 0 : i32
      %add3A_308 = arith.addi %mul3A_186, %add3A_307 : i32
      %dma_wait3A_309 = arith.constant 0 : i32
      %dma_wait3A_310 = arith.constant 0 : i32
      %dma_wait3A_311 = tpu.memref_slice %arg8[%dma_wait3A_309, %dma_wait3A_310] : memref<56x128xi32, #tpu.memory_space<vmem>> -> memref<1x128xi32, #tpu.memory_space<vmem>>
      %dma_wait3A_312 = tpu.memref_squeeze %dma_wait3A_311 : memref<1x128xi32, #tpu.memory_space<vmem>> -> memref<128xi32, #tpu.memory_space<vmem>>
      %dma_wait3A_313 = arith.constant 0 : i32
      %dma_wait3A_314 = arith.constant 0 : i32
      %dma_wait3A_315 = tpu.memref_slice %arg20[%dma_wait3A_313, %dma_wait3A_314] : memref<32768x16xf32, #tpu.memory_space<vmem_shared>> -> memref<32768x16xf32, #tpu.memory_space<vmem_shared>>
      tpu.wait_indirect_dma semaphore(%arg30 : memref<!tpu.dma_semaphore, #tpu.memory_space<semaphore_mem>>) src(%arg12 : memref<128x16xf32, #tpu.memory_space<vmem>>) dst(%dma_wait3A_315 : memref<32768x16xf32, #tpu.memory_space<vmem_shared>>)
      %add3A_316 = arith.constant 8 : i32
      %add3A_317 = arith.addi %add3A_308, %add3A_316 : i32
      %min3A = arith.constant 55 : i32
      %min3A_318 = arith.minsi %add3A_317, %min3A : i32
      %dma_start3A_319 = arith.constant 0 : i32
      %dma_start3A_320 = tpu.memref_slice %arg10[%min3A_318, %dma_start3A_319] : memref<56x128xi32, #tpu.memory_space<vmem>> -> memref<1x128xi32, #tpu.memory_space<vmem>>
      %dma_start3A_321 = tpu.memref_squeeze %dma_start3A_320 : memref<1x128xi32, #tpu.memory_space<vmem>> -> memref<128xi32, #tpu.memory_space<vmem>>
      %dma_start3A_322 = arith.constant 0 : i32
      %dma_start3A_323 = arith.constant 0 : i32
      %dma_start3A_324 = tpu.memref_slice %arg5[%dma_start3A_322, %dma_start3A_323] : memref<229376x16xf32, #tpu.memory_space<hbm>> -> memref<229376x16xf32, #tpu.memory_space<hbm>>
      tpu.enqueue_indirect_dma source(%dma_start3A_324 : memref<229376x16xf32, #tpu.memory_space<hbm>>) target(%arg12 : memref<128x16xf32, #tpu.memory_space<vmem>>) offsets(%dma_start3A_321 : memref<128xi32, #tpu.memory_space<vmem>>) semaphore(%arg22 : memref<!tpu.dma_semaphore, #tpu.memory_space<semaphore_mem>>)
      %add3A_325 = arith.constant 1 : i32
      %add3A_326 = arith.addi %mul3A_186, %add3A_325 : i32
      %dma_wait3A_327 = arith.constant 0 : i32
      %dma_wait3A_328 = arith.constant 0 : i32
      %dma_wait3A_329 = tpu.memref_slice %arg8[%dma_wait3A_327, %dma_wait3A_328] : memref<56x128xi32, #tpu.memory_space<vmem>> -> memref<1x128xi32, #tpu.memory_space<vmem>>
      %dma_wait3A_330 = tpu.memref_squeeze %dma_wait3A_329 : memref<1x128xi32, #tpu.memory_space<vmem>> -> memref<128xi32, #tpu.memory_space<vmem>>
      %dma_wait3A_331 = arith.constant 0 : i32
      %dma_wait3A_332 = arith.constant 0 : i32
      %dma_wait3A_333 = tpu.memref_slice %arg20[%dma_wait3A_331, %dma_wait3A_332] : memref<32768x16xf32, #tpu.memory_space<vmem_shared>> -> memref<32768x16xf32, #tpu.memory_space<vmem_shared>>
      tpu.wait_indirect_dma semaphore(%arg31 : memref<!tpu.dma_semaphore, #tpu.memory_space<semaphore_mem>>) src(%arg13 : memref<128x16xf32, #tpu.memory_space<vmem>>) dst(%dma_wait3A_333 : memref<32768x16xf32, #tpu.memory_space<vmem_shared>>)
      %add3A_334 = arith.constant 8 : i32
      %add3A_335 = arith.addi %add3A_326, %add3A_334 : i32
      %min3A_336 = arith.constant 55 : i32
      %min3A_337 = arith.minsi %add3A_335, %min3A_336 : i32
      %dma_start3A_338 = arith.constant 0 : i32
      %dma_start3A_339 = tpu.memref_slice %arg10[%min3A_337, %dma_start3A_338] : memref<56x128xi32, #tpu.memory_space<vmem>> -> memref<1x128xi32, #tpu.memory_space<vmem>>
      %dma_start3A_340 = tpu.memref_squeeze %dma_start3A_339 : memref<1x128xi32, #tpu.memory_space<vmem>> -> memref<128xi32, #tpu.memory_space<vmem>>
      %dma_start3A_341 = arith.constant 0 : i32
      %dma_start3A_342 = arith.constant 0 : i32
      %dma_start3A_343 = tpu.memref_slice %arg5[%dma_start3A_341, %dma_start3A_342] : memref<229376x16xf32, #tpu.memory_space<hbm>> -> memref<229376x16xf32, #tpu.memory_space<hbm>>
      tpu.enqueue_indirect_dma source(%dma_start3A_343 : memref<229376x16xf32, #tpu.memory_space<hbm>>) target(%arg13 : memref<128x16xf32, #tpu.memory_space<vmem>>) offsets(%dma_start3A_340 : memref<128xi32, #tpu.memory_space<vmem>>) semaphore(%arg23 : memref<!tpu.dma_semaphore, #tpu.memory_space<semaphore_mem>>)
      %add3A_344 = arith.constant 2 : i32
      %add3A_345 = arith.addi %mul3A_186, %add3A_344 : i32
      %dma_wait3A_346 = arith.constant 0 : i32
      %dma_wait3A_347 = arith.constant 0 : i32
      %dma_wait3A_348 = tpu.memref_slice %arg8[%dma_wait3A_346, %dma_wait3A_347] : memref<56x128xi32, #tpu.memory_space<vmem>> -> memref<1x128xi32, #tpu.memory_space<vmem>>
      %dma_wait3A_349 = tpu.memref_squeeze %dma_wait3A_348 : memref<1x128xi32, #tpu.memory_space<vmem>> -> memref<128xi32, #tpu.memory_space<vmem>>
      %dma_wait3A_350 = arith.constant 0 : i32
      %dma_wait3A_351 = arith.constant 0 : i32
      %dma_wait3A_352 = tpu.memref_slice %arg20[%dma_wait3A_350, %dma_wait3A_351] : memref<32768x16xf32, #tpu.memory_space<vmem_shared>> -> memref<32768x16xf32, #tpu.memory_space<vmem_shared>>
      tpu.wait_indirect_dma semaphore(%arg32 : memref<!tpu.dma_semaphore, #tpu.memory_space<semaphore_mem>>) src(%arg14 : memref<128x16xf32, #tpu.memory_space<vmem>>) dst(%dma_wait3A_352 : memref<32768x16xf32, #tpu.memory_space<vmem_shared>>)
      %add3A_353 = arith.constant 8 : i32
      %add3A_354 = arith.addi %add3A_345, %add3A_353 : i32
      %min3A_355 = arith.constant 55 : i32
      %min3A_356 = arith.minsi %add3A_354, %min3A_355 : i32
      %dma_start3A_357 = arith.constant 0 : i32
      %dma_start3A_358 = tpu.memref_slice %arg10[%min3A_356, %dma_start3A_357] : memref<56x128xi32, #tpu.memory_space<vmem>> -> memref<1x128xi32, #tpu.memory_space<vmem>>
      %dma_start3A_359 = tpu.memref_squeeze %dma_start3A_358 : memref<1x128xi32, #tpu.memory_space<vmem>> -> memref<128xi32, #tpu.memory_space<vmem>>
      %dma_start3A_360 = arith.constant 0 : i32
      %dma_start3A_361 = arith.constant 0 : i32
      %dma_start3A_362 = tpu.memref_slice %arg5[%dma_start3A_360, %dma_start3A_361] : memref<229376x16xf32, #tpu.memory_space<hbm>> -> memref<229376x16xf32, #tpu.memory_space<hbm>>
      tpu.enqueue_indirect_dma source(%dma_start3A_362 : memref<229376x16xf32, #tpu.memory_space<hbm>>) target(%arg14 : memref<128x16xf32, #tpu.memory_space<vmem>>) offsets(%dma_start3A_359 : memref<128xi32, #tpu.memory_space<vmem>>) semaphore(%arg24 : memref<!tpu.dma_semaphore, #tpu.memory_space<semaphore_mem>>)
      %add3A_363 = arith.constant 3 : i32
      %add3A_364 = arith.addi %mul3A_186, %add3A_363 : i32
      %dma_wait3A_365 = arith.constant 0 : i32
      %dma_wait3A_366 = arith.constant 0 : i32
      %dma_wait3A_367 = tpu.memref_slice %arg8[%dma_wait3A_365, %dma_wait3A_366] : memref<56x128xi32, #tpu.memory_space<vmem>> -> memref<1x128xi32, #tpu.memory_space<vmem>>
      %dma_wait3A_368 = tpu.memref_squeeze %dma_wait3A_367 : memref<1x128xi32, #tpu.memory_space<vmem>> -> memref<128xi32, #tpu.memory_space<vmem>>
      %dma_wait3A_369 = arith.constant 0 : i32
      %dma_wait3A_370 = arith.constant 0 : i32
      %dma_wait3A_371 = tpu.memref_slice %arg20[%dma_wait3A_369, %dma_wait3A_370] : memref<32768x16xf32, #tpu.memory_space<vmem_shared>> -> memref<32768x16xf32, #tpu.memory_space<vmem_shared>>
      tpu.wait_indirect_dma semaphore(%arg33 : memref<!tpu.dma_semaphore, #tpu.memory_space<semaphore_mem>>) src(%arg15 : memref<128x16xf32, #tpu.memory_space<vmem>>) dst(%dma_wait3A_371 : memref<32768x16xf32, #tpu.memory_space<vmem_shared>>)
      %add3A_372 = arith.constant 8 : i32
      %add3A_373 = arith.addi %add3A_364, %add3A_372 : i32
      %min3A_374 = arith.constant 55 : i32
      %min3A_375 = arith.minsi %add3A_373, %min3A_374 : i32
      %dma_start3A_376 = arith.constant 0 : i32
      %dma_start3A_377 = tpu.memref_slice %arg10[%min3A_375, %dma_start3A_376] : memref<56x128xi32, #tpu.memory_space<vmem>> -> memref<1x128xi32, #tpu.memory_space<vmem>>
      %dma_start3A_378 = tpu.memref_squeeze %dma_start3A_377 : memref<1x128xi32, #tpu.memory_space<vmem>> -> memref<128xi32, #tpu.memory_space<vmem>>
      %dma_start3A_379 = arith.constant 0 : i32
      %dma_start3A_380 = arith.constant 0 : i32
      %dma_start3A_381 = tpu.memref_slice %arg5[%dma_start3A_379, %dma_start3A_380] : memref<229376x16xf32, #tpu.memory_space<hbm>> -> memref<229376x16xf32, #tpu.memory_space<hbm>>
      tpu.enqueue_indirect_dma source(%dma_start3A_381 : memref<229376x16xf32, #tpu.memory_space<hbm>>) target(%arg15 : memref<128x16xf32, #tpu.memory_space<vmem>>) offsets(%dma_start3A_378 : memref<128xi32, #tpu.memory_space<vmem>>) semaphore(%arg25 : memref<!tpu.dma_semaphore, #tpu.memory_space<semaphore_mem>>)
      %add3A_382 = arith.constant 4 : i32
      %add3A_383 = arith.addi %mul3A_186, %add3A_382 : i32
      %dma_wait3A_384 = arith.constant 0 : i32
      %dma_wait3A_385 = arith.constant 0 : i32
      %dma_wait3A_386 = tpu.memref_slice %arg8[%dma_wait3A_384, %dma_wait3A_385] : memref<56x128xi32, #tpu.memory_space<vmem>> -> memref<1x128xi32, #tpu.memory_space<vmem>>
      %dma_wait3A_387 = tpu.memref_squeeze %dma_wait3A_386 : memref<1x128xi32, #tpu.memory_space<vmem>> -> memref<128xi32, #tpu.memory_space<vmem>>
      %dma_wait3A_388 = arith.constant 0 : i32
      %dma_wait3A_389 = arith.constant 0 : i32
      %dma_wait3A_390 = tpu.memref_slice %arg20[%dma_wait3A_388, %dma_wait3A_389] : memref<32768x16xf32, #tpu.memory_space<vmem_shared>> -> memref<32768x16xf32, #tpu.memory_space<vmem_shared>>
      tpu.wait_indirect_dma semaphore(%arg34 : memref<!tpu.dma_semaphore, #tpu.memory_space<semaphore_mem>>) src(%arg16 : memref<128x16xf32, #tpu.memory_space<vmem>>) dst(%dma_wait3A_390 : memref<32768x16xf32, #tpu.memory_space<vmem_shared>>)
      %add3A_391 = arith.constant 8 : i32
      %add3A_392 = arith.addi %add3A_383, %add3A_391 : i32
      %min3A_393 = arith.constant 55 : i32
      %min3A_394 = arith.minsi %add3A_392, %min3A_393 : i32
      %dma_start3A_395 = arith.constant 0 : i32
      %dma_start3A_396 = tpu.memref_slice %arg10[%min3A_394, %dma_start3A_395] : memref<56x128xi32, #tpu.memory_space<vmem>> -> memref<1x128xi32, #tpu.memory_space<vmem>>
      %dma_start3A_397 = tpu.memref_squeeze %dma_start3A_396 : memref<1x128xi32, #tpu.memory_space<vmem>> -> memref<128xi32, #tpu.memory_space<vmem>>
      %dma_start3A_398 = arith.constant 0 : i32
      %dma_start3A_399 = arith.constant 0 : i32
      %dma_start3A_400 = tpu.memref_slice %arg5[%dma_start3A_398, %dma_start3A_399] : memref<229376x16xf32, #tpu.memory_space<hbm>> -> memref<229376x16xf32, #tpu.memory_space<hbm>>
      tpu.enqueue_indirect_dma source(%dma_start3A_400 : memref<229376x16xf32, #tpu.memory_space<hbm>>) target(%arg16 : memref<128x16xf32, #tpu.memory_space<vmem>>) offsets(%dma_start3A_397 : memref<128xi32, #tpu.memory_space<vmem>>) semaphore(%arg26 : memref<!tpu.dma_semaphore, #tpu.memory_space<semaphore_mem>>)
      %add3A_401 = arith.constant 5 : i32
      %add3A_402 = arith.addi %mul3A_186, %add3A_401 : i32
      %dma_wait3A_403 = arith.constant 0 : i32
      %dma_wait3A_404 = arith.constant 0 : i32
      %dma_wait3A_405 = tpu.memref_slice %arg8[%dma_wait3A_403, %dma_wait3A_404] : memref<56x128xi32, #tpu.memory_space<vmem>> -> memref<1x128xi32, #tpu.memory_space<vmem>>
      %dma_wait3A_406 = tpu.memref_squeeze %dma_wait3A_405 : memref<1x128xi32, #tpu.memory_space<vmem>> -> memref<128xi32, #tpu.memory_space<vmem>>
      %dma_wait3A_407 = arith.constant 0 : i32
      %dma_wait3A_408 = arith.constant 0 : i32
      %dma_wait3A_409 = tpu.memref_slice %arg20[%dma_wait3A_407, %dma_wait3A_408] : memref<32768x16xf32, #tpu.memory_space<vmem_shared>> -> memref<32768x16xf32, #tpu.memory_space<vmem_shared>>
      tpu.wait_indirect_dma semaphore(%arg35 : memref<!tpu.dma_semaphore, #tpu.memory_space<semaphore_mem>>) src(%arg17 : memref<128x16xf32, #tpu.memory_space<vmem>>) dst(%dma_wait3A_409 : memref<32768x16xf32, #tpu.memory_space<vmem_shared>>)
      %add3A_410 = arith.constant 8 : i32
      %add3A_411 = arith.addi %add3A_402, %add3A_410 : i32
      %min3A_412 = arith.constant 55 : i32
      %min3A_413 = arith.minsi %add3A_411, %min3A_412 : i32
      %dma_start3A_414 = arith.constant 0 : i32
      %dma_start3A_415 = tpu.memref_slice %arg10[%min3A_413, %dma_start3A_414] : memref<56x128xi32, #tpu.memory_space<vmem>> -> memref<1x128xi32, #tpu.memory_space<vmem>>
      %dma_start3A_416 = tpu.memref_squeeze %dma_start3A_415 : memref<1x128xi32, #tpu.memory_space<vmem>> -> memref<128xi32, #tpu.memory_space<vmem>>
      %dma_start3A_417 = arith.constant 0 : i32
      %dma_start3A_418 = arith.constant 0 : i32
      %dma_start3A_419 = tpu.memref_slice %arg5[%dma_start3A_417, %dma_start3A_418] : memref<229376x16xf32, #tpu.memory_space<hbm>> -> memref<229376x16xf32, #tpu.memory_space<hbm>>
      tpu.enqueue_indirect_dma source(%dma_start3A_419 : memref<229376x16xf32, #tpu.memory_space<hbm>>) target(%arg17 : memref<128x16xf32, #tpu.memory_space<vmem>>) offsets(%dma_start3A_416 : memref<128xi32, #tpu.memory_space<vmem>>) semaphore(%arg27 : memref<!tpu.dma_semaphore, #tpu.memory_space<semaphore_mem>>)
      %add3A_420 = arith.constant 6 : i32
      %add3A_421 = arith.addi %mul3A_186, %add3A_420 : i32
      %dma_wait3A_422 = arith.constant 0 : i32
      %dma_wait3A_423 = arith.constant 0 : i32
      %dma_wait3A_424 = tpu.memref_slice %arg8[%dma_wait3A_422, %dma_wait3A_423] : memref<56x128xi32, #tpu.memory_space<vmem>> -> memref<1x128xi32, #tpu.memory_space<vmem>>
      %dma_wait3A_425 = tpu.memref_squeeze %dma_wait3A_424 : memref<1x128xi32, #tpu.memory_space<vmem>> -> memref<128xi32, #tpu.memory_space<vmem>>
      %dma_wait3A_426 = arith.constant 0 : i32
      %dma_wait3A_427 = arith.constant 0 : i32
      %dma_wait3A_428 = tpu.memref_slice %arg20[%dma_wait3A_426, %dma_wait3A_427] : memref<32768x16xf32, #tpu.memory_space<vmem_shared>> -> memref<32768x16xf32, #tpu.memory_space<vmem_shared>>
      tpu.wait_indirect_dma semaphore(%arg36 : memref<!tpu.dma_semaphore, #tpu.memory_space<semaphore_mem>>) src(%arg18 : memref<128x16xf32, #tpu.memory_space<vmem>>) dst(%dma_wait3A_428 : memref<32768x16xf32, #tpu.memory_space<vmem_shared>>)
      %add3A_429 = arith.constant 8 : i32
      %add3A_430 = arith.addi %add3A_421, %add3A_429 : i32
      %min3A_431 = arith.constant 55 : i32
      %min3A_432 = arith.minsi %add3A_430, %min3A_431 : i32
      %dma_start3A_433 = arith.constant 0 : i32
      %dma_start3A_434 = tpu.memref_slice %arg10[%min3A_432, %dma_start3A_433] : memref<56x128xi32, #tpu.memory_space<vmem>> -> memref<1x128xi32, #tpu.memory_space<vmem>>
      %dma_start3A_435 = tpu.memref_squeeze %dma_start3A_434 : memref<1x128xi32, #tpu.memory_space<vmem>> -> memref<128xi32, #tpu.memory_space<vmem>>
      %dma_start3A_436 = arith.constant 0 : i32
      %dma_start3A_437 = arith.constant 0 : i32
      %dma_start3A_438 = tpu.memref_slice %arg5[%dma_start3A_436, %dma_start3A_437] : memref<229376x16xf32, #tpu.memory_space<hbm>> -> memref<229376x16xf32, #tpu.memory_space<hbm>>
      tpu.enqueue_indirect_dma source(%dma_start3A_438 : memref<229376x16xf32, #tpu.memory_space<hbm>>) target(%arg18 : memref<128x16xf32, #tpu.memory_space<vmem>>) offsets(%dma_start3A_435 : memref<128xi32, #tpu.memory_space<vmem>>) semaphore(%arg28 : memref<!tpu.dma_semaphore, #tpu.memory_space<semaphore_mem>>)
      %add3A_439 = arith.constant 7 : i32
      %add3A_440 = arith.addi %mul3A_186, %add3A_439 : i32
      %dma_wait3A_441 = arith.constant 0 : i32
      %dma_wait3A_442 = arith.constant 0 : i32
      %dma_wait3A_443 = tpu.memref_slice %arg8[%dma_wait3A_441, %dma_wait3A_442] : memref<56x128xi32, #tpu.memory_space<vmem>> -> memref<1x128xi32, #tpu.memory_space<vmem>>
      %dma_wait3A_444 = tpu.memref_squeeze %dma_wait3A_443 : memref<1x128xi32, #tpu.memory_space<vmem>> -> memref<128xi32, #tpu.memory_space<vmem>>
      %dma_wait3A_445 = arith.constant 0 : i32
      %dma_wait3A_446 = arith.constant 0 : i32
      %dma_wait3A_447 = tpu.memref_slice %arg20[%dma_wait3A_445, %dma_wait3A_446] : memref<32768x16xf32, #tpu.memory_space<vmem_shared>> -> memref<32768x16xf32, #tpu.memory_space<vmem_shared>>
      tpu.wait_indirect_dma semaphore(%arg37 : memref<!tpu.dma_semaphore, #tpu.memory_space<semaphore_mem>>) src(%arg19 : memref<128x16xf32, #tpu.memory_space<vmem>>) dst(%dma_wait3A_447 : memref<32768x16xf32, #tpu.memory_space<vmem_shared>>)
      %add3A_448 = arith.constant 8 : i32
      %add3A_449 = arith.addi %add3A_440, %add3A_448 : i32
      %min3A_450 = arith.constant 55 : i32
      %min3A_451 = arith.minsi %add3A_449, %min3A_450 : i32
      %dma_start3A_452 = arith.constant 0 : i32
      %dma_start3A_453 = tpu.memref_slice %arg10[%min3A_451, %dma_start3A_452] : memref<56x128xi32, #tpu.memory_space<vmem>> -> memref<1x128xi32, #tpu.memory_space<vmem>>
      %dma_start3A_454 = tpu.memref_squeeze %dma_start3A_453 : memref<1x128xi32, #tpu.memory_space<vmem>> -> memref<128xi32, #tpu.memory_space<vmem>>
      %dma_start3A_455 = arith.constant 0 : i32
      %dma_start3A_456 = arith.constant 0 : i32
      %dma_start3A_457 = tpu.memref_slice %arg5[%dma_start3A_455, %dma_start3A_456] : memref<229376x16xf32, #tpu.memory_space<hbm>> -> memref<229376x16xf32, #tpu.memory_space<hbm>>
      tpu.enqueue_indirect_dma source(%dma_start3A_457 : memref<229376x16xf32, #tpu.memory_space<hbm>>) target(%arg19 : memref<128x16xf32, #tpu.memory_space<vmem>>) offsets(%dma_start3A_454 : memref<128xi32, #tpu.memory_space<vmem>>) semaphore(%arg29 : memref<!tpu.dma_semaphore, #tpu.memory_space<semaphore_mem>>)
    }
    %scan3A_122 = arith.constant 7 : i32
    %dma_wait3A_123 = arith.constant 0 : i32
    %dma_wait3A_124 = arith.constant 0 : i32
    %dma_wait3A_125 = tpu.memref_slice %arg10[%dma_wait3A_123, %dma_wait3A_124] : memref<56x128xi32, #tpu.memory_space<vmem>> -> memref<1x128xi32, #tpu.memory_space<vmem>>
    %dma_wait3A_126 = tpu.memref_squeeze %dma_wait3A_125 : memref<1x128xi32, #tpu.memory_space<vmem>> -> memref<128xi32, #tpu.memory_space<vmem>>
    %dma_wait3A_127 = arith.constant 0 : i32
    %dma_wait3A_128 = arith.constant 0 : i32
    %dma_wait3A_129 = tpu.memref_slice %arg5[%dma_wait3A_127, %dma_wait3A_128] : memref<229376x16xf32, #tpu.memory_space<hbm>> -> memref<229376x16xf32, #tpu.memory_space<hbm>>
    tpu.wait_indirect_dma semaphore(%arg22 : memref<!tpu.dma_semaphore, #tpu.memory_space<semaphore_mem>>) src(%dma_wait3A_129 : memref<229376x16xf32, #tpu.memory_space<hbm>>) dst(%arg12 : memref<128x16xf32, #tpu.memory_space<vmem>>)
    %dma_wait3A_130 = arith.constant 0 : i32
    %dma_wait3A_131 = arith.constant 0 : i32
    %dma_wait3A_132 = tpu.memref_slice %arg10[%dma_wait3A_130, %dma_wait3A_131] : memref<56x128xi32, #tpu.memory_space<vmem>> -> memref<1x128xi32, #tpu.memory_space<vmem>>
    %dma_wait3A_133 = tpu.memref_squeeze %dma_wait3A_132 : memref<1x128xi32, #tpu.memory_space<vmem>> -> memref<128xi32, #tpu.memory_space<vmem>>
    %dma_wait3A_134 = arith.constant 0 : i32
    %dma_wait3A_135 = arith.constant 0 : i32
    %dma_wait3A_136 = tpu.memref_slice %arg5[%dma_wait3A_134, %dma_wait3A_135] : memref<229376x16xf32, #tpu.memory_space<hbm>> -> memref<229376x16xf32, #tpu.memory_space<hbm>>
    tpu.wait_indirect_dma semaphore(%arg23 : memref<!tpu.dma_semaphore, #tpu.memory_space<semaphore_mem>>) src(%dma_wait3A_136 : memref<229376x16xf32, #tpu.memory_space<hbm>>) dst(%arg13 : memref<128x16xf32, #tpu.memory_space<vmem>>)
    %dma_wait3A_137 = arith.constant 0 : i32
    %dma_wait3A_138 = arith.constant 0 : i32
    %dma_wait3A_139 = tpu.memref_slice %arg10[%dma_wait3A_137, %dma_wait3A_138] : memref<56x128xi32, #tpu.memory_space<vmem>> -> memref<1x128xi32, #tpu.memory_space<vmem>>
    %dma_wait3A_140 = tpu.memref_squeeze %dma_wait3A_139 : memref<1x128xi32, #tpu.memory_space<vmem>> -> memref<128xi32, #tpu.memory_space<vmem>>
    %dma_wait3A_141 = arith.constant 0 : i32
    %dma_wait3A_142 = arith.constant 0 : i32
    %dma_wait3A_143 = tpu.memref_slice %arg5[%dma_wait3A_141, %dma_wait3A_142] : memref<229376x16xf32, #tpu.memory_space<hbm>> -> memref<229376x16xf32, #tpu.memory_space<hbm>>
    tpu.wait_indirect_dma semaphore(%arg24 : memref<!tpu.dma_semaphore, #tpu.memory_space<semaphore_mem>>) src(%dma_wait3A_143 : memref<229376x16xf32, #tpu.memory_space<hbm>>) dst(%arg14 : memref<128x16xf32, #tpu.memory_space<vmem>>)
    %dma_wait3A_144 = arith.constant 0 : i32
    %dma_wait3A_145 = arith.constant 0 : i32
    %dma_wait3A_146 = tpu.memref_slice %arg10[%dma_wait3A_144, %dma_wait3A_145] : memref<56x128xi32, #tpu.memory_space<vmem>> -> memref<1x128xi32, #tpu.memory_space<vmem>>
    %dma_wait3A_147 = tpu.memref_squeeze %dma_wait3A_146 : memref<1x128xi32, #tpu.memory_space<vmem>> -> memref<128xi32, #tpu.memory_space<vmem>>
    %dma_wait3A_148 = arith.constant 0 : i32
    %dma_wait3A_149 = arith.constant 0 : i32
    %dma_wait3A_150 = tpu.memref_slice %arg5[%dma_wait3A_148, %dma_wait3A_149] : memref<229376x16xf32, #tpu.memory_space<hbm>> -> memref<229376x16xf32, #tpu.memory_space<hbm>>
    tpu.wait_indirect_dma semaphore(%arg25 : memref<!tpu.dma_semaphore, #tpu.memory_space<semaphore_mem>>) src(%dma_wait3A_150 : memref<229376x16xf32, #tpu.memory_space<hbm>>) dst(%arg15 : memref<128x16xf32, #tpu.memory_space<vmem>>)
    %dma_wait3A_151 = arith.constant 0 : i32
    %dma_wait3A_152 = arith.constant 0 : i32
    %dma_wait3A_153 = tpu.memref_slice %arg10[%dma_wait3A_151, %dma_wait3A_152] : memref<56x128xi32, #tpu.memory_space<vmem>> -> memref<1x128xi32, #tpu.memory_space<vmem>>
    %dma_wait3A_154 = tpu.memref_squeeze %dma_wait3A_153 : memref<1x128xi32, #tpu.memory_space<vmem>> -> memref<128xi32, #tpu.memory_space<vmem>>
    %dma_wait3A_155 = arith.constant 0 : i32
    %dma_wait3A_156 = arith.constant 0 : i32
    %dma_wait3A_157 = tpu.memref_slice %arg5[%dma_wait3A_155, %dma_wait3A_156] : memref<229376x16xf32, #tpu.memory_space<hbm>> -> memref<229376x16xf32, #tpu.memory_space<hbm>>
    tpu.wait_indirect_dma semaphore(%arg26 : memref<!tpu.dma_semaphore, #tpu.memory_space<semaphore_mem>>) src(%dma_wait3A_157 : memref<229376x16xf32, #tpu.memory_space<hbm>>) dst(%arg16 : memref<128x16xf32, #tpu.memory_space<vmem>>)
    %dma_wait3A_158 = arith.constant 0 : i32
    %dma_wait3A_159 = arith.constant 0 : i32
    %dma_wait3A_160 = tpu.memref_slice %arg10[%dma_wait3A_158, %dma_wait3A_159] : memref<56x128xi32, #tpu.memory_space<vmem>> -> memref<1x128xi32, #tpu.memory_space<vmem>>
    %dma_wait3A_161 = tpu.memref_squeeze %dma_wait3A_160 : memref<1x128xi32, #tpu.memory_space<vmem>> -> memref<128xi32, #tpu.memory_space<vmem>>
    %dma_wait3A_162 = arith.constant 0 : i32
    %dma_wait3A_163 = arith.constant 0 : i32
    %dma_wait3A_164 = tpu.memref_slice %arg5[%dma_wait3A_162, %dma_wait3A_163] : memref<229376x16xf32, #tpu.memory_space<hbm>> -> memref<229376x16xf32, #tpu.memory_space<hbm>>
    tpu.wait_indirect_dma semaphore(%arg27 : memref<!tpu.dma_semaphore, #tpu.memory_space<semaphore_mem>>) src(%dma_wait3A_164 : memref<229376x16xf32, #tpu.memory_space<hbm>>) dst(%arg17 : memref<128x16xf32, #tpu.memory_space<vmem>>)
    %dma_wait3A_165 = arith.constant 0 : i32
    %dma_wait3A_166 = arith.constant 0 : i32
    %dma_wait3A_167 = tpu.memref_slice %arg10[%dma_wait3A_165, %dma_wait3A_166] : memref<56x128xi32, #tpu.memory_space<vmem>> -> memref<1x128xi32, #tpu.memory_space<vmem>>
    %dma_wait3A_168 = tpu.memref_squeeze %dma_wait3A_167 : memref<1x128xi32, #tpu.memory_space<vmem>> -> memref<128xi32, #tpu.memory_space<vmem>>
    %dma_wait3A_169 = arith.constant 0 : i32
    %dma_wait3A_170 = arith.constant 0 : i32
    %dma_wait3A_171 = tpu.memref_slice %arg5[%dma_wait3A_169, %dma_wait3A_170] : memref<229376x16xf32, #tpu.memory_space<hbm>> -> memref<229376x16xf32, #tpu.memory_space<hbm>>
    tpu.wait_indirect_dma semaphore(%arg28 : memref<!tpu.dma_semaphore, #tpu.memory_space<semaphore_mem>>) src(%dma_wait3A_171 : memref<229376x16xf32, #tpu.memory_space<hbm>>) dst(%arg18 : memref<128x16xf32, #tpu.memory_space<vmem>>)
    %dma_wait3A_172 = arith.constant 0 : i32
    %dma_wait3A_173 = arith.constant 0 : i32
    %dma_wait3A_174 = tpu.memref_slice %arg10[%dma_wait3A_172, %dma_wait3A_173] : memref<56x128xi32, #tpu.memory_space<vmem>> -> memref<1x128xi32, #tpu.memory_space<vmem>>
    %dma_wait3A_175 = tpu.memref_squeeze %dma_wait3A_174 : memref<1x128xi32, #tpu.memory_space<vmem>> -> memref<128xi32, #tpu.memory_space<vmem>>
    %dma_wait3A_176 = arith.constant 0 : i32
    %dma_wait3A_177 = arith.constant 0 : i32
    %dma_wait3A_178 = tpu.memref_slice %arg5[%dma_wait3A_176, %dma_wait3A_177] : memref<229376x16xf32, #tpu.memory_space<hbm>> -> memref<229376x16xf32, #tpu.memory_space<hbm>>
    tpu.wait_indirect_dma semaphore(%arg29 : memref<!tpu.dma_semaphore, #tpu.memory_space<semaphore_mem>>) src(%dma_wait3A_178 : memref<229376x16xf32, #tpu.memory_space<hbm>>) dst(%arg19 : memref<128x16xf32, #tpu.memory_space<vmem>>)
    %barrier3A_179 = arith.constant 0 : index
    tpu.barrier barrier_id(%barrier3A_179)
    %mul3A_180 = arith.constant 2048 : i32
    %mul3A_181 = arith.muli %arg1, %mul3A_180 : i32
    %mul3A_182 = arith.constant 2048 : i32
    %mul3A_183 = arith.muli %arg1, %mul3A_182 : i32
    "tpu.region"() ({
      %run_scoped3A = tpu.sem_alloc : memref<!tpu.dma_semaphore, #tpu.memory_space<semaphore_mem>>
      %dma_start3A_184 = arith.constant 0 : i32
      %dma_start3A_185 = tpu.memref_slice %arg6[%arg0, %mul3A_183, %dma_start3A_184] : memref<2x32768x16xf32, #tpu.memory_space<hbm>> -> memref<1x2048x16xf32, #tpu.memory_space<hbm>>
      %dma_start3A_186 = tpu.memref_squeeze %dma_start3A_185 : memref<1x2048x16xf32, #tpu.memory_space<hbm>> -> memref<2048x16xf32, #tpu.memory_space<hbm>>
      %dma_start3A_187 = arith.constant 0 : i32
      %dma_start3A_188 = tpu.memref_slice %arg20[%mul3A_181, %dma_start3A_187] : memref<32768x16xf32, #tpu.memory_space<vmem_shared>> -> memref<2048x16xf32, #tpu.memory_space<vmem_shared>>
      tpu.enqueue_dma source(%dma_start3A_188 : memref<2048x16xf32, #tpu.memory_space<vmem_shared>>) target(%dma_start3A_186 : memref<2048x16xf32, #tpu.memory_space<hbm>>) target_semaphore(%run_scoped3A : memref<!tpu.dma_semaphore, #tpu.memory_space<semaphore_mem>>)
      %dma_wait3A_189 = arith.constant 0 : i32
      %dma_wait3A_190 = tpu.memref_slice %arg6[%arg0, %mul3A_183, %dma_wait3A_189] : memref<2x32768x16xf32, #tpu.memory_space<hbm>> -> memref<1x2048x16xf32, #tpu.memory_space<hbm>>
      %dma_wait3A_191 = tpu.memref_squeeze %dma_wait3A_190 : memref<1x2048x16xf32, #tpu.memory_space<hbm>> -> memref<2048x16xf32, #tpu.memory_space<hbm>>
      %dma_wait3A_192 = arith.constant 0 : i32
      %dma_wait3A_193 = tpu.memref_slice %arg20[%mul3A_181, %dma_wait3A_192] : memref<32768x16xf32, #tpu.memory_space<vmem_shared>> -> memref<2048x16xf32, #tpu.memory_space<vmem_shared>>
      tpu.wait_dma2 semaphore(%run_scoped3A : memref<!tpu.dma_semaphore, #tpu.memory_space<semaphore_mem>>) src(%dma_wait3A_193 : memref<2048x16xf32, #tpu.memory_space<vmem_shared>>) dst(%dma_wait3A_191 : memref<2048x16xf32, #tpu.memory_space<hbm>>)
      tpu.yield
    }) : () -> ()
    return
  }
}

#map = affine_map<(d0, d1) -> (0, 0, 0)>
#map1 = affine_map<(d0, d1) -> (0, 0)>
module attributes {stable_mosaic.version = 14 : i64} {
  func.func @body(%arg0: i32, %arg1: i32, %arg2: memref<32x1x112xi32, #tpu.memory_space<hbm>>, %arg3: memref<32x1x112xi32, #tpu.memory_space<hbm>>, %arg4: memref<32x1x112xi32, #tpu.memory_space<hbm>>, %arg5: memref<3584x64xf32, #tpu.memory_space<hbm>>, %arg6: memref<2x512x64xf32, #tpu.memory_space<hbm>>, %arg7: memref<1x112xi32, #tpu.memory_space<vmem>>, %arg8: memref<1x112xi32, #tpu.memory_space<vmem>>, %arg9: memref<1x112xi32, #tpu.memory_space<vmem>>, %arg10: memref<1x112xi32, #tpu.memory_space<vmem>>, %arg11: memref<32x64xf32, #tpu.memory_space<vmem>>, %arg12: memref<112x64xf32, #tpu.memory_space<vmem>>, %arg13: memref<512x64xf32, #tpu.memory_space<vmem_shared>>, %arg14: memref<!tpu.dma_semaphore, #tpu.memory_space<semaphore_mem>>, %arg15: memref<!tpu.dma_semaphore, #tpu.memory_space<semaphore_mem>>, %arg16: memref<!tpu.dma_semaphore, #tpu.memory_space<semaphore_mem>>) attributes {dimension_semantics = [#tpu.dimension_semantics<core_parallel>, #tpu.dimension_semantics<subcore_parallel>], iteration_bounds = array<i64: 2, 16>, scalar_prefetch = 0 : i64, scratch_operands = 10 : i64, tpu.core_type = #tpu.core_type<sc_vector_subcore>, window_params = [{transform_indices = #map}, {transform_indices = #map}, {transform_indices = #map}, {transform_indices = #map1}, {transform_indices = #map}]} {
    %mul3A = arith.constant 2 : i32
    %mul3A_0 = arith.muli %arg1, %mul3A : i32
    %add3A = arith.addi %mul3A_0, %arg0 : i32
    %dma_start3A = arith.constant 0 : i32
    %dma_start3A_1 = arith.constant 0 : i32
    %dma_start3A_2 = tpu.memref_slice %arg2[%add3A, %dma_start3A, %dma_start3A_1] : memref<32x1x112xi32, #tpu.memory_space<hbm>> -> memref<1x1x112xi32, #tpu.memory_space<hbm>>
    %dma_start3A_3 = tpu.memref_squeeze %dma_start3A_2 : memref<1x1x112xi32, #tpu.memory_space<hbm>> -> memref<1x112xi32, #tpu.memory_space<hbm>>
    %dma_start3A_4 = arith.constant 0 : i32
    %dma_start3A_5 = arith.constant 0 : i32
    %dma_start3A_6 = tpu.memref_slice %arg2[%add3A, %dma_start3A_4, %dma_start3A_5] : memref<32x1x112xi32, #tpu.memory_space<hbm>> -> memref<1x1x112xi32, #tpu.memory_space<hbm>>
    %dma_start3A_7 = tpu.memref_squeeze %dma_start3A_6 : memref<1x1x112xi32, #tpu.memory_space<hbm>> -> memref<1x112xi32, #tpu.memory_space<hbm>>
    tpu.enqueue_dma source(%dma_start3A_7 : memref<1x112xi32, #tpu.memory_space<hbm>>) target(%arg7 : memref<1x112xi32, #tpu.memory_space<vmem>>) target_semaphore(%arg14 : memref<!tpu.dma_semaphore, #tpu.memory_space<semaphore_mem>>)
    %dma_start3A_8 = arith.constant 0 : i32
    %dma_start3A_9 = arith.constant 0 : i32
    %dma_start3A_10 = tpu.memref_slice %arg3[%add3A, %dma_start3A_8, %dma_start3A_9] : memref<32x1x112xi32, #tpu.memory_space<hbm>> -> memref<1x1x112xi32, #tpu.memory_space<hbm>>
    %dma_start3A_11 = tpu.memref_squeeze %dma_start3A_10 : memref<1x1x112xi32, #tpu.memory_space<hbm>> -> memref<1x112xi32, #tpu.memory_space<hbm>>
    %dma_start3A_12 = arith.constant 0 : i32
    %dma_start3A_13 = arith.constant 0 : i32
    %dma_start3A_14 = tpu.memref_slice %arg3[%add3A, %dma_start3A_12, %dma_start3A_13] : memref<32x1x112xi32, #tpu.memory_space<hbm>> -> memref<1x1x112xi32, #tpu.memory_space<hbm>>
    %dma_start3A_15 = tpu.memref_squeeze %dma_start3A_14 : memref<1x1x112xi32, #tpu.memory_space<hbm>> -> memref<1x112xi32, #tpu.memory_space<hbm>>
    tpu.enqueue_dma source(%dma_start3A_15 : memref<1x112xi32, #tpu.memory_space<hbm>>) target(%arg8 : memref<1x112xi32, #tpu.memory_space<vmem>>) target_semaphore(%arg14 : memref<!tpu.dma_semaphore, #tpu.memory_space<semaphore_mem>>)
    %dma_start3A_16 = arith.constant 0 : i32
    %dma_start3A_17 = arith.constant 0 : i32
    %dma_start3A_18 = tpu.memref_slice %arg4[%add3A, %dma_start3A_16, %dma_start3A_17] : memref<32x1x112xi32, #tpu.memory_space<hbm>> -> memref<1x1x112xi32, #tpu.memory_space<hbm>>
    %dma_start3A_19 = tpu.memref_squeeze %dma_start3A_18 : memref<1x1x112xi32, #tpu.memory_space<hbm>> -> memref<1x112xi32, #tpu.memory_space<hbm>>
    %dma_start3A_20 = arith.constant 0 : i32
    %dma_start3A_21 = arith.constant 0 : i32
    %dma_start3A_22 = tpu.memref_slice %arg4[%add3A, %dma_start3A_20, %dma_start3A_21] : memref<32x1x112xi32, #tpu.memory_space<hbm>> -> memref<1x1x112xi32, #tpu.memory_space<hbm>>
    %dma_start3A_23 = tpu.memref_squeeze %dma_start3A_22 : memref<1x1x112xi32, #tpu.memory_space<hbm>> -> memref<1x112xi32, #tpu.memory_space<hbm>>
    tpu.enqueue_dma source(%dma_start3A_23 : memref<1x112xi32, #tpu.memory_space<hbm>>) target(%arg9 : memref<1x112xi32, #tpu.memory_space<vmem>>) target_semaphore(%arg14 : memref<!tpu.dma_semaphore, #tpu.memory_space<semaphore_mem>>)
    %broadcast_in_dim3A = arith.constant 0.000000e+00 : f32
    %broadcast_in_dim3A_24 = vector.broadcast %broadcast_in_dim3A : f32 to vector<16xf32>
    %scan3A = arith.constant 0 : i32
    %scan3A_25 = arith.constant 0 : i32
    %scan3A_26 = arith.constant 32 : i32
    %scan3A_27 = arith.addi %scan3A_25, %scan3A_26 : i32
    %scan3A_28 = arith.constant 1 : i32
    scf.for %scan3A_232 = %scan3A_25 to %scan3A_27 step %scan3A_28  : i32 {
      %swap3A_233 = arith.index_cast %scan3A_232 : i32 to index
      %swap3A_234 = arith.constant 0 : index
      %swap3A_235 = tpu.vector_load %arg11[%swap3A_233, %swap3A_234] {strides = array<i32>} : memref<32x64xf32, #tpu.memory_space<vmem>>, vector<1x16xf32>,
      %swap3A_236 = vector.shape_cast %swap3A_235 : vector<1x16xf32> to vector<16xf32>
      %swap3A_237 = vector.shape_cast %broadcast_in_dim3A_24 : vector<16xf32> to vector<1x16xf32>
      tpu.vector_store %arg11[%swap3A_233, %swap3A_234], %swap3A_237 {strides = array<i32>} : memref<32x64xf32, #tpu.memory_space<vmem>>, vector<1x16xf32>,
      %swap3A_238 = arith.index_cast %scan3A_232 : i32 to index
      %swap3A_239 = arith.constant 16 : index
      %swap3A_240 = tpu.vector_load %arg11[%swap3A_238, %swap3A_239] {strides = array<i32>} : memref<32x64xf32, #tpu.memory_space<vmem>>, vector<1x16xf32>,
      %swap3A_241 = vector.shape_cast %swap3A_240 : vector<1x16xf32> to vector<16xf32>
      %swap3A_242 = vector.shape_cast %broadcast_in_dim3A_24 : vector<16xf32> to vector<1x16xf32>
      tpu.vector_store %arg11[%swap3A_238, %swap3A_239], %swap3A_242 {strides = array<i32>} : memref<32x64xf32, #tpu.memory_space<vmem>>, vector<1x16xf32>,
      %swap3A_243 = arith.index_cast %scan3A_232 : i32 to index
      %swap3A_244 = arith.constant 32 : index
      %swap3A_245 = tpu.vector_load %arg11[%swap3A_243, %swap3A_244] {strides = array<i32>} : memref<32x64xf32, #tpu.memory_space<vmem>>, vector<1x16xf32>,
      %swap3A_246 = vector.shape_cast %swap3A_245 : vector<1x16xf32> to vector<16xf32>
      %swap3A_247 = vector.shape_cast %broadcast_in_dim3A_24 : vector<16xf32> to vector<1x16xf32>
      tpu.vector_store %arg11[%swap3A_243, %swap3A_244], %swap3A_247 {strides = array<i32>} : memref<32x64xf32, #tpu.memory_space<vmem>>, vector<1x16xf32>,
      %swap3A_248 = arith.index_cast %scan3A_232 : i32 to index
      %swap3A_249 = arith.constant 48 : index
      %swap3A_250 = tpu.vector_load %arg11[%swap3A_248, %swap3A_249] {strides = array<i32>} : memref<32x64xf32, #tpu.memory_space<vmem>>, vector<1x16xf32>,
      %swap3A_251 = vector.shape_cast %swap3A_250 : vector<1x16xf32> to vector<16xf32>
      %swap3A_252 = vector.shape_cast %broadcast_in_dim3A_24 : vector<16xf32> to vector<1x16xf32>
      tpu.vector_store %arg11[%swap3A_248, %swap3A_249], %swap3A_252 {strides = array<i32>} : memref<32x64xf32, #tpu.memory_space<vmem>>, vector<1x16xf32>,
    }
    %scan3A_29 = arith.constant 32 : i32
    %mul3A_30 = arith.constant 32 : i32
    %mul3A_31 = arith.muli %arg1, %mul3A_30 : i32
    "tpu.region"() ({
      %run_scoped3A = tpu.sem_alloc : memref<!tpu.dma_semaphore, #tpu.memory_space<semaphore_mem>>
      %dma_start3A_232 = arith.constant 0 : i32
      %dma_start3A_233 = tpu.memref_slice %arg13[%mul3A_31, %dma_start3A_232] : memref<512x64xf32, #tpu.memory_space<vmem_shared>> -> memref<32x64xf32, #tpu.memory_space<vmem_shared>>
      %dma_start3A_234 = arith.constant 0 : i32
      %dma_start3A_235 = tpu.memref_slice %arg13[%mul3A_31, %dma_start3A_234] : memref<512x64xf32, #tpu.memory_space<vmem_shared>> -> memref<32x64xf32, #tpu.memory_space<vmem_shared>>
      tpu.enqueue_dma source(%arg11 : memref<32x64xf32, #tpu.memory_space<vmem>>) target(%dma_start3A_235 : memref<32x64xf32, #tpu.memory_space<vmem_shared>>) target_semaphore(%run_scoped3A : memref<!tpu.dma_semaphore, #tpu.memory_space<semaphore_mem>>)
      %dma_wait3A_236 = arith.constant 0 : i32
      %dma_wait3A_237 = tpu.memref_slice %arg13[%mul3A_31, %dma_wait3A_236] : memref<512x64xf32, #tpu.memory_space<vmem_shared>> -> memref<32x64xf32, #tpu.memory_space<vmem_shared>>
      %dma_wait3A_238 = arith.constant 0 : i32
      %dma_wait3A_239 = tpu.memref_slice %arg13[%mul3A_31, %dma_wait3A_238] : memref<512x64xf32, #tpu.memory_space<vmem_shared>> -> memref<32x64xf32, #tpu.memory_space<vmem_shared>>
      tpu.wait_dma2 semaphore(%run_scoped3A : memref<!tpu.dma_semaphore, #tpu.memory_space<semaphore_mem>>) src(%arg11 : memref<32x64xf32, #tpu.memory_space<vmem>>) dst(%dma_wait3A_239 : memref<32x64xf32, #tpu.memory_space<vmem_shared>>)
      tpu.yield
    }) : () -> ()
    %dma_wait3A = arith.constant 0 : i32
    %dma_wait3A_32 = arith.constant 0 : i32
    %dma_wait3A_33 = tpu.memref_slice %arg2[%add3A, %dma_wait3A, %dma_wait3A_32] : memref<32x1x112xi32, #tpu.memory_space<hbm>> -> memref<1x1x112xi32, #tpu.memory_space<hbm>>
    %dma_wait3A_34 = tpu.memref_squeeze %dma_wait3A_33 : memref<1x1x112xi32, #tpu.memory_space<hbm>> -> memref<1x112xi32, #tpu.memory_space<hbm>>
    %dma_wait3A_35 = arith.constant 0 : i32
    %dma_wait3A_36 = arith.constant 0 : i32
    %dma_wait3A_37 = tpu.memref_slice %arg2[%add3A, %dma_wait3A_35, %dma_wait3A_36] : memref<32x1x112xi32, #tpu.memory_space<hbm>> -> memref<1x1x112xi32, #tpu.memory_space<hbm>>
    %dma_wait3A_38 = tpu.memref_squeeze %dma_wait3A_37 : memref<1x1x112xi32, #tpu.memory_space<hbm>> -> memref<1x112xi32, #tpu.memory_space<hbm>>
    tpu.wait_dma2 semaphore(%arg14 : memref<!tpu.dma_semaphore, #tpu.memory_space<semaphore_mem>>) src(%dma_wait3A_38 : memref<1x112xi32, #tpu.memory_space<hbm>>) dst(%arg7 : memref<1x112xi32, #tpu.memory_space<vmem>>)
    %dma_wait3A_39 = arith.constant 0 : i32
    %dma_wait3A_40 = arith.constant 0 : i32
    %dma_wait3A_41 = tpu.memref_slice %arg3[%add3A, %dma_wait3A_39, %dma_wait3A_40] : memref<32x1x112xi32, #tpu.memory_space<hbm>> -> memref<1x1x112xi32, #tpu.memory_space<hbm>>
    %dma_wait3A_42 = tpu.memref_squeeze %dma_wait3A_41 : memref<1x1x112xi32, #tpu.memory_space<hbm>> -> memref<1x112xi32, #tpu.memory_space<hbm>>
    %dma_wait3A_43 = arith.constant 0 : i32
    %dma_wait3A_44 = arith.constant 0 : i32
    %dma_wait3A_45 = tpu.memref_slice %arg3[%add3A, %dma_wait3A_43, %dma_wait3A_44] : memref<32x1x112xi32, #tpu.memory_space<hbm>> -> memref<1x1x112xi32, #tpu.memory_space<hbm>>
    %dma_wait3A_46 = tpu.memref_squeeze %dma_wait3A_45 : memref<1x1x112xi32, #tpu.memory_space<hbm>> -> memref<1x112xi32, #tpu.memory_space<hbm>>
    tpu.wait_dma2 semaphore(%arg14 : memref<!tpu.dma_semaphore, #tpu.memory_space<semaphore_mem>>) src(%dma_wait3A_46 : memref<1x112xi32, #tpu.memory_space<hbm>>) dst(%arg8 : memref<1x112xi32, #tpu.memory_space<vmem>>)
    %dma_wait3A_47 = arith.constant 0 : i32
    %dma_wait3A_48 = arith.constant 0 : i32
    %dma_wait3A_49 = tpu.memref_slice %arg4[%add3A, %dma_wait3A_47, %dma_wait3A_48] : memref<32x1x112xi32, #tpu.memory_space<hbm>> -> memref<1x1x112xi32, #tpu.memory_space<hbm>>
    %dma_wait3A_50 = tpu.memref_squeeze %dma_wait3A_49 : memref<1x1x112xi32, #tpu.memory_space<hbm>> -> memref<1x112xi32, #tpu.memory_space<hbm>>
    %dma_wait3A_51 = arith.constant 0 : i32
    %dma_wait3A_52 = arith.constant 0 : i32
    %dma_wait3A_53 = tpu.memref_slice %arg4[%add3A, %dma_wait3A_51, %dma_wait3A_52] : memref<32x1x112xi32, #tpu.memory_space<hbm>> -> memref<1x1x112xi32, #tpu.memory_space<hbm>>
    %dma_wait3A_54 = tpu.memref_squeeze %dma_wait3A_53 : memref<1x1x112xi32, #tpu.memory_space<hbm>> -> memref<1x112xi32, #tpu.memory_space<hbm>>
    tpu.wait_dma2 semaphore(%arg14 : memref<!tpu.dma_semaphore, #tpu.memory_space<semaphore_mem>>) src(%dma_wait3A_54 : memref<1x112xi32, #tpu.memory_space<hbm>>) dst(%arg9 : memref<1x112xi32, #tpu.memory_space<vmem>>)
    %scan3A_55 = arith.constant 0 : i32
    %scan3A_56 = arith.constant 0 : i32
    %get3A = arith.index_cast %scan3A_56 : i32 to index
    %get3A_57 = arith.constant 0 : index
    %get3A_58 = tpu.vector_load %arg7[%get3A, %get3A_57] {strides = array<i32>} : memref<1x112xi32, #tpu.memory_space<vmem>>, vector<1x16xi32>,
    %get3A_59 = vector.shape_cast %get3A_58 : vector<1x16xi32> to vector<16xi32>
    %get3A_60 = arith.index_cast %scan3A_56 : i32 to index
    %get3A_61 = arith.constant 0 : index
    %get3A_62 = tpu.vector_load %arg9[%get3A_60, %get3A_61] {strides = array<i32>} : memref<1x112xi32, #tpu.memory_space<vmem>>, vector<1x16xi32>,
    %get3A_63 = vector.shape_cast %get3A_62 : vector<1x16xi32> to vector<16xi32>
    %mul3A_64 = arith.constant 7 : i32
    %mul3A_65 = vector.broadcast %mul3A_64 : i32 to vector<16xi32>
    %mul3A_66 = arith.muli %get3A_59, %mul3A_65 : vector<16xi32>
    %add3A_67 = arith.addi %mul3A_66, %get3A_63 : vector<16xi32>
    %swap3A = arith.index_cast %scan3A_56 : i32 to index
    %swap3A_68 = arith.constant 0 : index
    %swap3A_69 = tpu.vector_load %arg10[%swap3A, %swap3A_68] {strides = array<i32>} : memref<1x112xi32, #tpu.memory_space<vmem>>, vector<1x16xi32>,
    %swap3A_70 = vector.shape_cast %swap3A_69 : vector<1x16xi32> to vector<16xi32>
    %swap3A_71 = vector.shape_cast %add3A_67 : vector<16xi32> to vector<1x16xi32>
    tpu.vector_store %arg10[%swap3A, %swap3A_68], %swap3A_71 {strides = array<i32>} : memref<1x112xi32, #tpu.memory_space<vmem>>, vector<1x16xi32>,
    %get3A_72 = arith.index_cast %scan3A_56 : i32 to index
    %get3A_73 = arith.constant 16 : index
    %get3A_74 = tpu.vector_load %arg7[%get3A_72, %get3A_73] {strides = array<i32>} : memref<1x112xi32, #tpu.memory_space<vmem>>, vector<1x16xi32>,
    %get3A_75 = vector.shape_cast %get3A_74 : vector<1x16xi32> to vector<16xi32>
    %get3A_76 = arith.index_cast %scan3A_56 : i32 to index
    %get3A_77 = arith.constant 16 : index
    %get3A_78 = tpu.vector_load %arg9[%get3A_76, %get3A_77] {strides = array<i32>} : memref<1x112xi32, #tpu.memory_space<vmem>>, vector<1x16xi32>,
    %get3A_79 = vector.shape_cast %get3A_78 : vector<1x16xi32> to vector<16xi32>
    %mul3A_80 = arith.constant 7 : i32
    %mul3A_81 = vector.broadcast %mul3A_80 : i32 to vector<16xi32>
    %mul3A_82 = arith.muli %get3A_75, %mul3A_81 : vector<16xi32>
    %add3A_83 = arith.addi %mul3A_82, %get3A_79 : vector<16xi32>
    %swap3A_84 = arith.index_cast %scan3A_56 : i32 to index
    %swap3A_85 = arith.constant 16 : index
    %swap3A_86 = tpu.vector_load %arg10[%swap3A_84, %swap3A_85] {strides = array<i32>} : memref<1x112xi32, #tpu.memory_space<vmem>>, vector<1x16xi32>,
    %swap3A_87 = vector.shape_cast %swap3A_86 : vector<1x16xi32> to vector<16xi32>
    %swap3A_88 = vector.shape_cast %add3A_83 : vector<16xi32> to vector<1x16xi32>
    tpu.vector_store %arg10[%swap3A_84, %swap3A_85], %swap3A_88 {strides = array<i32>} : memref<1x112xi32, #tpu.memory_space<vmem>>, vector<1x16xi32>,
    %get3A_89 = arith.index_cast %scan3A_56 : i32 to index
    %get3A_90 = arith.constant 32 : index
    %get3A_91 = tpu.vector_load %arg7[%get3A_89, %get3A_90] {strides = array<i32>} : memref<1x112xi32, #tpu.memory_space<vmem>>, vector<1x16xi32>,
    %get3A_92 = vector.shape_cast %get3A_91 : vector<1x16xi32> to vector<16xi32>
    %get3A_93 = arith.index_cast %scan3A_56 : i32 to index
    %get3A_94 = arith.constant 32 : index
    %get3A_95 = tpu.vector_load %arg9[%get3A_93, %get3A_94] {strides = array<i32>} : memref<1x112xi32, #tpu.memory_space<vmem>>, vector<1x16xi32>,
    %get3A_96 = vector.shape_cast %get3A_95 : vector<1x16xi32> to vector<16xi32>
    %mul3A_97 = arith.constant 7 : i32
    %mul3A_98 = vector.broadcast %mul3A_97 : i32 to vector<16xi32>
    %mul3A_99 = arith.muli %get3A_92, %mul3A_98 : vector<16xi32>
    %add3A_100 = arith.addi %mul3A_99, %get3A_96 : vector<16xi32>
    %swap3A_101 = arith.index_cast %scan3A_56 : i32 to index
    %swap3A_102 = arith.constant 32 : index
    %swap3A_103 = tpu.vector_load %arg10[%swap3A_101, %swap3A_102] {strides = array<i32>} : memref<1x112xi32, #tpu.memory_space<vmem>>, vector<1x16xi32>,
    %swap3A_104 = vector.shape_cast %swap3A_103 : vector<1x16xi32> to vector<16xi32>
    %swap3A_105 = vector.shape_cast %add3A_100 : vector<16xi32> to vector<1x16xi32>
    tpu.vector_store %arg10[%swap3A_101, %swap3A_102], %swap3A_105 {strides = array<i32>} : memref<1x112xi32, #tpu.memory_space<vmem>>, vector<1x16xi32>,
    %get3A_106 = arith.index_cast %scan3A_56 : i32 to index
    %get3A_107 = arith.constant 48 : index
    %get3A_108 = tpu.vector_load %arg7[%get3A_106, %get3A_107] {strides = array<i32>} : memref<1x112xi32, #tpu.memory_space<vmem>>, vector<1x16xi32>,
    %get3A_109 = vector.shape_cast %get3A_108 : vector<1x16xi32> to vector<16xi32>
    %get3A_110 = arith.index_cast %scan3A_56 : i32 to index
    %get3A_111 = arith.constant 48 : index
    %get3A_112 = tpu.vector_load %arg9[%get3A_110, %get3A_111] {strides = array<i32>} : memref<1x112xi32, #tpu.memory_space<vmem>>, vector<1x16xi32>,
    %get3A_113 = vector.shape_cast %get3A_112 : vector<1x16xi32> to vector<16xi32>
    %mul3A_114 = arith.constant 7 : i32
    %mul3A_115 = vector.broadcast %mul3A_114 : i32 to vector<16xi32>
    %mul3A_116 = arith.muli %get3A_109, %mul3A_115 : vector<16xi32>
    %add3A_117 = arith.addi %mul3A_116, %get3A_113 : vector<16xi32>
    %swap3A_118 = arith.index_cast %scan3A_56 : i32 to index
    %swap3A_119 = arith.constant 48 : index
    %swap3A_120 = tpu.vector_load %arg10[%swap3A_118, %swap3A_119] {strides = array<i32>} : memref<1x112xi32, #tpu.memory_space<vmem>>, vector<1x16xi32>,
    %swap3A_121 = vector.shape_cast %swap3A_120 : vector<1x16xi32> to vector<16xi32>
    %swap3A_122 = vector.shape_cast %add3A_117 : vector<16xi32> to vector<1x16xi32>
    tpu.vector_store %arg10[%swap3A_118, %swap3A_119], %swap3A_122 {strides = array<i32>} : memref<1x112xi32, #tpu.memory_space<vmem>>, vector<1x16xi32>,
    %get3A_123 = arith.index_cast %scan3A_56 : i32 to index
    %get3A_124 = arith.constant 64 : index
    %get3A_125 = tpu.vector_load %arg7[%get3A_123, %get3A_124] {strides = array<i32>} : memref<1x112xi32, #tpu.memory_space<vmem>>, vector<1x16xi32>,
    %get3A_126 = vector.shape_cast %get3A_125 : vector<1x16xi32> to vector<16xi32>
    %get3A_127 = arith.index_cast %scan3A_56 : i32 to index
    %get3A_128 = arith.constant 64 : index
    %get3A_129 = tpu.vector_load %arg9[%get3A_127, %get3A_128] {strides = array<i32>} : memref<1x112xi32, #tpu.memory_space<vmem>>, vector<1x16xi32>,
    %get3A_130 = vector.shape_cast %get3A_129 : vector<1x16xi32> to vector<16xi32>
    %mul3A_131 = arith.constant 7 : i32
    %mul3A_132 = vector.broadcast %mul3A_131 : i32 to vector<16xi32>
    %mul3A_133 = arith.muli %get3A_126, %mul3A_132 : vector<16xi32>
    %add3A_134 = arith.addi %mul3A_133, %get3A_130 : vector<16xi32>
    %swap3A_135 = arith.index_cast %scan3A_56 : i32 to index
    %swap3A_136 = arith.constant 64 : index
    %swap3A_137 = tpu.vector_load %arg10[%swap3A_135, %swap3A_136] {strides = array<i32>} : memref<1x112xi32, #tpu.memory_space<vmem>>, vector<1x16xi32>,
    %swap3A_138 = vector.shape_cast %swap3A_137 : vector<1x16xi32> to vector<16xi32>
    %swap3A_139 = vector.shape_cast %add3A_134 : vector<16xi32> to vector<1x16xi32>
    tpu.vector_store %arg10[%swap3A_135, %swap3A_136], %swap3A_139 {strides = array<i32>} : memref<1x112xi32, #tpu.memory_space<vmem>>, vector<1x16xi32>,
    %get3A_140 = arith.index_cast %scan3A_56 : i32 to index
    %get3A_141 = arith.constant 80 : index
    %get3A_142 = tpu.vector_load %arg7[%get3A_140, %get3A_141] {strides = array<i32>} : memref<1x112xi32, #tpu.memory_space<vmem>>, vector<1x16xi32>,
    %get3A_143 = vector.shape_cast %get3A_142 : vector<1x16xi32> to vector<16xi32>
    %get3A_144 = arith.index_cast %scan3A_56 : i32 to index
    %get3A_145 = arith.constant 80 : index
    %get3A_146 = tpu.vector_load %arg9[%get3A_144, %get3A_145] {strides = array<i32>} : memref<1x112xi32, #tpu.memory_space<vmem>>, vector<1x16xi32>,
    %get3A_147 = vector.shape_cast %get3A_146 : vector<1x16xi32> to vector<16xi32>
    %mul3A_148 = arith.constant 7 : i32
    %mul3A_149 = vector.broadcast %mul3A_148 : i32 to vector<16xi32>
    %mul3A_150 = arith.muli %get3A_143, %mul3A_149 : vector<16xi32>
    %add3A_151 = arith.addi %mul3A_150, %get3A_147 : vector<16xi32>
    %swap3A_152 = arith.index_cast %scan3A_56 : i32 to index
    %swap3A_153 = arith.constant 80 : index
    %swap3A_154 = tpu.vector_load %arg10[%swap3A_152, %swap3A_153] {strides = array<i32>} : memref<1x112xi32, #tpu.memory_space<vmem>>, vector<1x16xi32>,
    %swap3A_155 = vector.shape_cast %swap3A_154 : vector<1x16xi32> to vector<16xi32>
    %swap3A_156 = vector.shape_cast %add3A_151 : vector<16xi32> to vector<1x16xi32>
    tpu.vector_store %arg10[%swap3A_152, %swap3A_153], %swap3A_156 {strides = array<i32>} : memref<1x112xi32, #tpu.memory_space<vmem>>, vector<1x16xi32>,
    %get3A_157 = arith.index_cast %scan3A_56 : i32 to index
    %get3A_158 = arith.constant 96 : index
    %get3A_159 = tpu.vector_load %arg7[%get3A_157, %get3A_158] {strides = array<i32>} : memref<1x112xi32, #tpu.memory_space<vmem>>, vector<1x16xi32>,
    %get3A_160 = vector.shape_cast %get3A_159 : vector<1x16xi32> to vector<16xi32>
    %get3A_161 = arith.index_cast %scan3A_56 : i32 to index
    %get3A_162 = arith.constant 96 : index
    %get3A_163 = tpu.vector_load %arg9[%get3A_161, %get3A_162] {strides = array<i32>} : memref<1x112xi32, #tpu.memory_space<vmem>>, vector<1x16xi32>,
    %get3A_164 = vector.shape_cast %get3A_163 : vector<1x16xi32> to vector<16xi32>
    %mul3A_165 = arith.constant 7 : i32
    %mul3A_166 = vector.broadcast %mul3A_165 : i32 to vector<16xi32>
    %mul3A_167 = arith.muli %get3A_160, %mul3A_166 : vector<16xi32>
    %add3A_168 = arith.addi %mul3A_167, %get3A_164 : vector<16xi32>
    %swap3A_169 = arith.index_cast %scan3A_56 : i32 to index
    %swap3A_170 = arith.constant 96 : index
    %swap3A_171 = tpu.vector_load %arg10[%swap3A_169, %swap3A_170] {strides = array<i32>} : memref<1x112xi32, #tpu.memory_space<vmem>>, vector<1x16xi32>,
    %swap3A_172 = vector.shape_cast %swap3A_171 : vector<1x16xi32> to vector<16xi32>
    %swap3A_173 = vector.shape_cast %add3A_168 : vector<16xi32> to vector<1x16xi32>
    tpu.vector_store %arg10[%swap3A_169, %swap3A_170], %swap3A_173 {strides = array<i32>} : memref<1x112xi32, #tpu.memory_space<vmem>>, vector<1x16xi32>,
    %scan3A_174 = arith.constant 1 : i32
    %barrier3A = arith.constant 0 : index
    tpu.barrier barrier_id(%barrier3A)
    %dma_start3A_175 = arith.constant 0 : i32
    %dma_start3A_176 = arith.constant 0 : i32
    %dma_start3A_177 = tpu.memref_slice %arg10[%dma_start3A_175, %dma_start3A_176] : memref<1x112xi32, #tpu.memory_space<vmem>> -> memref<1x112xi32, #tpu.memory_space<vmem>>
    %dma_start3A_178 = tpu.memref_squeeze %dma_start3A_177 : memref<1x112xi32, #tpu.memory_space<vmem>> -> memref<112xi32, #tpu.memory_space<vmem>>
    %dma_start3A_179 = arith.constant 0 : i32
    %dma_start3A_180 = arith.constant 0 : i32
    %dma_start3A_181 = tpu.memref_slice %arg5[%dma_start3A_179, %dma_start3A_180] : memref<3584x64xf32, #tpu.memory_space<hbm>> -> memref<3584x64xf32, #tpu.memory_space<hbm>>
    tpu.enqueue_indirect_dma source(%dma_start3A_181 : memref<3584x64xf32, #tpu.memory_space<hbm>>) target(%arg12 : memref<112x64xf32, #tpu.memory_space<vmem>>) offsets(%dma_start3A_178 : memref<112xi32, #tpu.memory_space<vmem>>) semaphore(%arg15 : memref<!tpu.dma_semaphore, #tpu.memory_space<semaphore_mem>>)
    %scan3A_182 = arith.constant 0 : i32
    %scan3A_183 = arith.constant 0 : i32
    %mul3A_184 = arith.constant 1 : i32
    %mul3A_185 = arith.muli %scan3A_183, %mul3A_184 : i32
    %add3A_186 = arith.constant 0 : i32
    %add3A_187 = arith.addi %mul3A_185, %add3A_186 : i32
    %dma_wait3A_188 = arith.constant 0 : i32
    %dma_wait3A_189 = arith.constant 0 : i32
    %dma_wait3A_190 = tpu.memref_slice %arg10[%dma_wait3A_188, %dma_wait3A_189] : memref<1x112xi32, #tpu.memory_space<vmem>> -> memref<1x112xi32, #tpu.memory_space<vmem>>
    %dma_wait3A_191 = tpu.memref_squeeze %dma_wait3A_190 : memref<1x112xi32, #tpu.memory_space<vmem>> -> memref<112xi32, #tpu.memory_space<vmem>>
    %dma_wait3A_192 = arith.constant 0 : i32
    %dma_wait3A_193 = arith.constant 0 : i32
    %dma_wait3A_194 = tpu.memref_slice %arg5[%dma_wait3A_192, %dma_wait3A_193] : memref<3584x64xf32, #tpu.memory_space<hbm>> -> memref<3584x64xf32, #tpu.memory_space<hbm>>
    tpu.wait_indirect_dma semaphore(%arg15 : memref<!tpu.dma_semaphore, #tpu.memory_space<semaphore_mem>>) src(%dma_wait3A_194 : memref<3584x64xf32, #tpu.memory_space<hbm>>) dst(%arg12 : memref<112x64xf32, #tpu.memory_space<vmem>>)
    %dma_start3A_195 = arith.constant 0 : i32
    %dma_start3A_196 = tpu.memref_slice %arg8[%add3A_187, %dma_start3A_195] : memref<1x112xi32, #tpu.memory_space<vmem>> -> memref<1x112xi32, #tpu.memory_space<vmem>>
    %dma_start3A_197 = tpu.memref_squeeze %dma_start3A_196 : memref<1x112xi32, #tpu.memory_space<vmem>> -> memref<112xi32, #tpu.memory_space<vmem>>
    %dma_start3A_198 = arith.constant 0 : i32
    %dma_start3A_199 = arith.constant 0 : i32
    %dma_start3A_200 = tpu.memref_slice %arg13[%dma_start3A_198, %dma_start3A_199] : memref<512x64xf32, #tpu.memory_space<vmem_shared>> -> memref<512x64xf32, #tpu.memory_space<vmem_shared>>
    tpu.enqueue_indirect_dma source(%arg12 : memref<112x64xf32, #tpu.memory_space<vmem>>) target(%dma_start3A_200 : memref<512x64xf32, #tpu.memory_space<vmem_shared>>) offsets(%dma_start3A_197 : memref<112xi32, #tpu.memory_space<vmem>>) semaphore(%arg16 : memref<!tpu.dma_semaphore, #tpu.memory_space<semaphore_mem>>) {add = true}
    %add3A_201 = arith.constant 0 : i32
    %add3A_202 = arith.addi %mul3A_185, %add3A_201 : i32
    %dma_wait3A_203 = arith.constant 0 : i32
    %dma_wait3A_204 = arith.constant 0 : i32
    %dma_wait3A_205 = tpu.memref_slice %arg8[%dma_wait3A_203, %dma_wait3A_204] : memref<1x112xi32, #tpu.memory_space<vmem>> -> memref<1x112xi32, #tpu.memory_space<vmem>>
    %dma_wait3A_206 = tpu.memref_squeeze %dma_wait3A_205 : memref<1x112xi32, #tpu.memory_space<vmem>> -> memref<112xi32, #tpu.memory_space<vmem>>
    %dma_wait3A_207 = arith.constant 0 : i32
    %dma_wait3A_208 = arith.constant 0 : i32
    %dma_wait3A_209 = tpu.memref_slice %arg13[%dma_wait3A_207, %dma_wait3A_208] : memref<512x64xf32, #tpu.memory_space<vmem_shared>> -> memref<512x64xf32, #tpu.memory_space<vmem_shared>>
    tpu.wait_indirect_dma semaphore(%arg16 : memref<!tpu.dma_semaphore, #tpu.memory_space<semaphore_mem>>) src(%arg12 : memref<112x64xf32, #tpu.memory_space<vmem>>) dst(%dma_wait3A_209 : memref<512x64xf32, #tpu.memory_space<vmem_shared>>)
    %add3A_210 = arith.constant 1 : i32
    %add3A_211 = arith.addi %add3A_202, %add3A_210 : i32
    %min3A = arith.constant 0 : i32
    %min3A_212 = arith.minsi %add3A_211, %min3A : i32
    %dma_start3A_213 = arith.constant 0 : i32
    %dma_start3A_214 = tpu.memref_slice %arg10[%min3A_212, %dma_start3A_213] : memref<1x112xi32, #tpu.memory_space<vmem>> -> memref<1x112xi32, #tpu.memory_space<vmem>>
    %dma_start3A_215 = tpu.memref_squeeze %dma_start3A_214 : memref<1x112xi32, #tpu.memory_space<vmem>> -> memref<112xi32, #tpu.memory_space<vmem>>
    %dma_start3A_216 = arith.constant 0 : i32
    %dma_start3A_217 = arith.constant 0 : i32
    %dma_start3A_218 = tpu.memref_slice %arg5[%dma_start3A_216, %dma_start3A_217] : memref<3584x64xf32, #tpu.memory_space<hbm>> -> memref<3584x64xf32, #tpu.memory_space<hbm>>
    tpu.enqueue_indirect_dma source(%dma_start3A_218 : memref<3584x64xf32, #tpu.memory_space<hbm>>) target(%arg12 : memref<112x64xf32, #tpu.memory_space<vmem>>) offsets(%dma_start3A_215 : memref<112xi32, #tpu.memory_space<vmem>>) semaphore(%arg15 : memref<!tpu.dma_semaphore, #tpu.memory_space<semaphore_mem>>)
    %scan3A_219 = arith.constant 1 : i32
    %dma_wait3A_220 = arith.constant 0 : i32
    %dma_wait3A_221 = arith.constant 0 : i32
    %dma_wait3A_222 = tpu.memref_slice %arg10[%dma_wait3A_220, %dma_wait3A_221] : memref<1x112xi32, #tpu.memory_space<vmem>> -> memref<1x112xi32, #tpu.memory_space<vmem>>
    %dma_wait3A_223 = tpu.memref_squeeze %dma_wait3A_222 : memref<1x112xi32, #tpu.memory_space<vmem>> -> memref<112xi32, #tpu.memory_space<vmem>>
    %dma_wait3A_224 = arith.constant 0 : i32
    %dma_wait3A_225 = arith.constant 0 : i32
    %dma_wait3A_226 = tpu.memref_slice %arg5[%dma_wait3A_224, %dma_wait3A_225] : memref<3584x64xf32, #tpu.memory_space<hbm>> -> memref<3584x64xf32, #tpu.memory_space<hbm>>
    tpu.wait_indirect_dma semaphore(%arg15 : memref<!tpu.dma_semaphore, #tpu.memory_space<semaphore_mem>>) src(%dma_wait3A_226 : memref<3584x64xf32, #tpu.memory_space<hbm>>) dst(%arg12 : memref<112x64xf32, #tpu.memory_space<vmem>>)
    %barrier3A_227 = arith.constant 0 : index
    tpu.barrier barrier_id(%barrier3A_227)
    %mul3A_228 = arith.constant 32 : i32
    %mul3A_229 = arith.muli %arg1, %mul3A_228 : i32
    %mul3A_230 = arith.constant 32 : i32
    %mul3A_231 = arith.muli %arg1, %mul3A_230 : i32
    "tpu.region"() ({
      %run_scoped3A = tpu.sem_alloc : memref<!tpu.dma_semaphore, #tpu.memory_space<semaphore_mem>>
      %dma_start3A_232 = arith.constant 0 : i32
      %dma_start3A_233 = tpu.memref_slice %arg6[%arg0, %mul3A_231, %dma_start3A_232] : memref<2x512x64xf32, #tpu.memory_space<hbm>> -> memref<1x32x64xf32, #tpu.memory_space<hbm>>
      %dma_start3A_234 = tpu.memref_squeeze %dma_start3A_233 : memref<1x32x64xf32, #tpu.memory_space<hbm>> -> memref<32x64xf32, #tpu.memory_space<hbm>>
      %dma_start3A_235 = arith.constant 0 : i32
      %dma_start3A_236 = tpu.memref_slice %arg13[%mul3A_229, %dma_start3A_235] : memref<512x64xf32, #tpu.memory_space<vmem_shared>> -> memref<32x64xf32, #tpu.memory_space<vmem_shared>>
      tpu.enqueue_dma source(%dma_start3A_236 : memref<32x64xf32, #tpu.memory_space<vmem_shared>>) target(%dma_start3A_234 : memref<32x64xf32, #tpu.memory_space<hbm>>) target_semaphore(%run_scoped3A : memref<!tpu.dma_semaphore, #tpu.memory_space<semaphore_mem>>)
      %dma_wait3A_237 = arith.constant 0 : i32
      %dma_wait3A_238 = tpu.memref_slice %arg6[%arg0, %mul3A_231, %dma_wait3A_237] : memref<2x512x64xf32, #tpu.memory_space<hbm>> -> memref<1x32x64xf32, #tpu.memory_space<hbm>>
      %dma_wait3A_239 = tpu.memref_squeeze %dma_wait3A_238 : memref<1x32x64xf32, #tpu.memory_space<hbm>> -> memref<32x64xf32, #tpu.memory_space<hbm>>
      %dma_wait3A_240 = arith.constant 0 : i32
      %dma_wait3A_241 = tpu.memref_slice %arg13[%mul3A_229, %dma_wait3A_240] : memref<512x64xf32, #tpu.memory_space<vmem_shared>> -> memref<32x64xf32, #tpu.memory_space<vmem_shared>>
      tpu.wait_dma2 semaphore(%run_scoped3A : memref<!tpu.dma_semaphore, #tpu.memory_space<semaphore_mem>>) src(%dma_wait3A_241 : memref<32x64xf32, #tpu.memory_space<vmem_shared>>) dst(%dma_wait3A_239 : memref<32x64xf32, #tpu.memory_space<hbm>>)
      tpu.yield
    }) : () -> ()
    return
  }
}

#map = affine_map<(d0, d1) -> (0, 0, 0)>
#map1 = affine_map<(d0, d1) -> (0, 0)>
module attributes {stable_mosaic.version = 14 : i64} {
  func.func @body(%arg0: i32, %arg1: i32, %arg2: memref<32x8x112xi32, #tpu.memory_space<hbm>>, %arg3: memref<32x8x112xi32, #tpu.memory_space<hbm>>, %arg4: memref<32x8x112xi32, #tpu.memory_space<hbm>>, %arg5: memref<28672x32xf32, #tpu.memory_space<hbm>>, %arg6: memref<2x4096x32xf32, #tpu.memory_space<hbm>>, %arg7: memref<8x112xi32, #tpu.memory_space<vmem>>, %arg8: memref<8x112xi32, #tpu.memory_space<vmem>>, %arg9: memref<8x112xi32, #tpu.memory_space<vmem>>, %arg10: memref<8x112xi32, #tpu.memory_space<vmem>>, %arg11: memref<256x32xf32, #tpu.memory_space<vmem>>, %arg12: memref<112x32xf32, #tpu.memory_space<vmem>>, %arg13: memref<112x32xf32, #tpu.memory_space<vmem>>, %arg14: memref<112x32xf32, #tpu.memory_space<vmem>>, %arg15: memref<112x32xf32, #tpu.memory_space<vmem>>, %arg16: memref<112x32xf32, #tpu.memory_space<vmem>>, %arg17: memref<112x32xf32, #tpu.memory_space<vmem>>, %arg18: memref<112x32xf32, #tpu.memory_space<vmem>>, %arg19: memref<112x32xf32, #tpu.memory_space<vmem>>, %arg20: memref<4096x32xf32, #tpu.memory_space<vmem_shared>>, %arg21: memref<!tpu.dma_semaphore, #tpu.memory_space<semaphore_mem>>, %arg22: memref<!tpu.dma_semaphore, #tpu.memory_space<semaphore_mem>>, %arg23: memref<!tpu.dma_semaphore, #tpu.memory_space<semaphore_mem>>, %arg24: memref<!tpu.dma_semaphore, #tpu.memory_space<semaphore_mem>>, %arg25: memref<!tpu.dma_semaphore, #tpu.memory_space<semaphore_mem>>, %arg26: memref<!tpu.dma_semaphore, #tpu.memory_space<semaphore_mem>>, %arg27: memref<!tpu.dma_semaphore, #tpu.memory_space<semaphore_mem>>, %arg28: memref<!tpu.dma_semaphore, #tpu.memory_space<semaphore_mem>>, %arg29: memref<!tpu.dma_semaphore, #tpu.memory_space<semaphore_mem>>, %arg30: memref<!tpu.dma_semaphore, #tpu.memory_space<semaphore_mem>>, %arg31: memref<!tpu.dma_semaphore, #tpu.memory_space<semaphore_mem>>, %arg32: memref<!tpu.dma_semaphore, #tpu.memory_space<semaphore_mem>>, %arg33: memref<!tpu.dma_semaphore, #tpu.memory_space<semaphore_mem>>, %arg34: memref<!tpu.dma_semaphore, #tpu.memory_space<semaphore_mem>>, %arg35: memref<!tpu.dma_semaphore, #tpu.memory_space<semaphore_mem>>, %arg36: memref<!tpu.dma_semaphore, #tpu.memory_space<semaphore_mem>>, %arg37: memref<!tpu.dma_semaphore, #tpu.memory_space<semaphore_mem>>) attributes {dimension_semantics = [#tpu.dimension_semantics<core_parallel>, #tpu.dimension_semantics<subcore_parallel>], iteration_bounds = array<i64: 2, 16>, scalar_prefetch = 0 : i64, scratch_operands = 31 : i64, tpu.core_type = #tpu.core_type<sc_vector_subcore>, window_params = [{transform_indices = #map}, {transform_indices = #map}, {transform_indices = #map}, {transform_indices = #map1}, {transform_indices = #map}]} {
    %mul3A = arith.constant 2 : i32
    %mul3A_0 = arith.muli %arg1, %mul3A : i32
    %add3A = arith.addi %mul3A_0, %arg0 : i32
    %dma_start3A = arith.constant 0 : i32
    %dma_start3A_1 = arith.constant 0 : i32
    %dma_start3A_2 = tpu.memref_slice %arg2[%add3A, %dma_start3A, %dma_start3A_1] : memref<32x8x112xi32, #tpu.memory_space<hbm>> -> memref<1x8x112xi32, #tpu.memory_space<hbm>>
    %dma_start3A_3 = tpu.memref_squeeze %dma_start3A_2 : memref<1x8x112xi32, #tpu.memory_space<hbm>> -> memref<8x112xi32, #tpu.memory_space<hbm>>
    %dma_start3A_4 = arith.constant 0 : i32
    %dma_start3A_5 = arith.constant 0 : i32
    %dma_start3A_6 = tpu.memref_slice %arg2[%add3A, %dma_start3A_4, %dma_start3A_5] : memref<32x8x112xi32, #tpu.memory_space<hbm>> -> memref<1x8x112xi32, #tpu.memory_space<hbm>>
    %dma_start3A_7 = tpu.memref_squeeze %dma_start3A_6 : memref<1x8x112xi32, #tpu.memory_space<hbm>> -> memref<8x112xi32, #tpu.memory_space<hbm>>
    tpu.enqueue_dma source(%dma_start3A_7 : memref<8x112xi32, #tpu.memory_space<hbm>>) target(%arg7 : memref<8x112xi32, #tpu.memory_space<vmem>>) target_semaphore(%arg21 : memref<!tpu.dma_semaphore, #tpu.memory_space<semaphore_mem>>)
    %dma_start3A_8 = arith.constant 0 : i32
    %dma_start3A_9 = arith.constant 0 : i32
    %dma_start3A_10 = tpu.memref_slice %arg3[%add3A, %dma_start3A_8, %dma_start3A_9] : memref<32x8x112xi32, #tpu.memory_space<hbm>> -> memref<1x8x112xi32, #tpu.memory_space<hbm>>
    %dma_start3A_11 = tpu.memref_squeeze %dma_start3A_10 : memref<1x8x112xi32, #tpu.memory_space<hbm>> -> memref<8x112xi32, #tpu.memory_space<hbm>>
    %dma_start3A_12 = arith.constant 0 : i32
    %dma_start3A_13 = arith.constant 0 : i32
    %dma_start3A_14 = tpu.memref_slice %arg3[%add3A, %dma_start3A_12, %dma_start3A_13] : memref<32x8x112xi32, #tpu.memory_space<hbm>> -> memref<1x8x112xi32, #tpu.memory_space<hbm>>
    %dma_start3A_15 = tpu.memref_squeeze %dma_start3A_14 : memref<1x8x112xi32, #tpu.memory_space<hbm>> -> memref<8x112xi32, #tpu.memory_space<hbm>>
    tpu.enqueue_dma source(%dma_start3A_15 : memref<8x112xi32, #tpu.memory_space<hbm>>) target(%arg8 : memref<8x112xi32, #tpu.memory_space<vmem>>) target_semaphore(%arg21 : memref<!tpu.dma_semaphore, #tpu.memory_space<semaphore_mem>>)
    %dma_start3A_16 = arith.constant 0 : i32
    %dma_start3A_17 = arith.constant 0 : i32
    %dma_start3A_18 = tpu.memref_slice %arg4[%add3A, %dma_start3A_16, %dma_start3A_17] : memref<32x8x112xi32, #tpu.memory_space<hbm>> -> memref<1x8x112xi32, #tpu.memory_space<hbm>>
    %dma_start3A_19 = tpu.memref_squeeze %dma_start3A_18 : memref<1x8x112xi32, #tpu.memory_space<hbm>> -> memref<8x112xi32, #tpu.memory_space<hbm>>
    %dma_start3A_20 = arith.constant 0 : i32
    %dma_start3A_21 = arith.constant 0 : i32
    %dma_start3A_22 = tpu.memref_slice %arg4[%add3A, %dma_start3A_20, %dma_start3A_21] : memref<32x8x112xi32, #tpu.memory_space<hbm>> -> memref<1x8x112xi32, #tpu.memory_space<hbm>>
    %dma_start3A_23 = tpu.memref_squeeze %dma_start3A_22 : memref<1x8x112xi32, #tpu.memory_space<hbm>> -> memref<8x112xi32, #tpu.memory_space<hbm>>
    tpu.enqueue_dma source(%dma_start3A_23 : memref<8x112xi32, #tpu.memory_space<hbm>>) target(%arg9 : memref<8x112xi32, #tpu.memory_space<vmem>>) target_semaphore(%arg21 : memref<!tpu.dma_semaphore, #tpu.memory_space<semaphore_mem>>)
    %broadcast_in_dim3A = arith.constant 0.000000e+00 : f32
    %broadcast_in_dim3A_24 = vector.broadcast %broadcast_in_dim3A : f32 to vector<16xf32>
    %scan3A = arith.constant 0 : i32
    %scan3A_25 = arith.constant 0 : i32
    %scan3A_26 = arith.constant 256 : i32
    %scan3A_27 = arith.addi %scan3A_25, %scan3A_26 : i32
    %scan3A_28 = arith.constant 1 : i32
    scf.for %scan3A_454 = %scan3A_25 to %scan3A_27 step %scan3A_28  : i32 {
      %swap3A = arith.index_cast %scan3A_454 : i32 to index
      %swap3A_455 = arith.constant 0 : index
      %swap3A_456 = tpu.vector_load %arg11[%swap3A, %swap3A_455] {strides = array<i32>} : memref<256x32xf32, #tpu.memory_space<vmem>>, vector<1x16xf32>,
      %swap3A_457 = vector.shape_cast %swap3A_456 : vector<1x16xf32> to vector<16xf32>
      %swap3A_458 = vector.shape_cast %broadcast_in_dim3A_24 : vector<16xf32> to vector<1x16xf32>
      tpu.vector_store %arg11[%swap3A, %swap3A_455], %swap3A_458 {strides = array<i32>} : memref<256x32xf32, #tpu.memory_space<vmem>>, vector<1x16xf32>,
      %swap3A_459 = arith.index_cast %scan3A_454 : i32 to index
      %swap3A_460 = arith.constant 16 : index
      %swap3A_461 = tpu.vector_load %arg11[%swap3A_459, %swap3A_460] {strides = array<i32>} : memref<256x32xf32, #tpu.memory_space<vmem>>, vector<1x16xf32>,
      %swap3A_462 = vector.shape_cast %swap3A_461 : vector<1x16xf32> to vector<16xf32>
      %swap3A_463 = vector.shape_cast %broadcast_in_dim3A_24 : vector<16xf32> to vector<1x16xf32>
      tpu.vector_store %arg11[%swap3A_459, %swap3A_460], %swap3A_463 {strides = array<i32>} : memref<256x32xf32, #tpu.memory_space<vmem>>, vector<1x16xf32>,
    }
    %scan3A_29 = arith.constant 256 : i32
    %mul3A_30 = arith.constant 256 : i32
    %mul3A_31 = arith.muli %arg1, %mul3A_30 : i32
    "tpu.region"() ({
      %run_scoped3A = tpu.sem_alloc : memref<!tpu.dma_semaphore, #tpu.memory_space<semaphore_mem>>
      %dma_start3A_454 = arith.constant 0 : i32
      %dma_start3A_455 = tpu.memref_slice %arg20[%mul3A_31, %dma_start3A_454] : memref<4096x32xf32, #tpu.memory_space<vmem_shared>> -> memref<256x32xf32, #tpu.memory_space<vmem_shared>>
      %dma_start3A_456 = arith.constant 0 : i32
      %dma_start3A_457 = tpu.memref_slice %arg20[%mul3A_31, %dma_start3A_456] : memref<4096x32xf32, #tpu.memory_space<vmem_shared>> -> memref<256x32xf32, #tpu.memory_space<vmem_shared>>
      tpu.enqueue_dma source(%arg11 : memref<256x32xf32, #tpu.memory_space<vmem>>) target(%dma_start3A_457 : memref<256x32xf32, #tpu.memory_space<vmem_shared>>) target_semaphore(%run_scoped3A : memref<!tpu.dma_semaphore, #tpu.memory_space<semaphore_mem>>)
      %dma_wait3A_458 = arith.constant 0 : i32
      %dma_wait3A_459 = tpu.memref_slice %arg20[%mul3A_31, %dma_wait3A_458] : memref<4096x32xf32, #tpu.memory_space<vmem_shared>> -> memref<256x32xf32, #tpu.memory_space<vmem_shared>>
      %dma_wait3A_460 = arith.constant 0 : i32
      %dma_wait3A_461 = tpu.memref_slice %arg20[%mul3A_31, %dma_wait3A_460] : memref<4096x32xf32, #tpu.memory_space<vmem_shared>> -> memref<256x32xf32, #tpu.memory_space<vmem_shared>>
      tpu.wait_dma2 semaphore(%run_scoped3A : memref<!tpu.dma_semaphore, #tpu.memory_space<semaphore_mem>>) src(%arg11 : memref<256x32xf32, #tpu.memory_space<vmem>>) dst(%dma_wait3A_461 : memref<256x32xf32, #tpu.memory_space<vmem_shared>>)
      tpu.yield
    }) : () -> ()
    %dma_wait3A = arith.constant 0 : i32
    %dma_wait3A_32 = arith.constant 0 : i32
    %dma_wait3A_33 = tpu.memref_slice %arg2[%add3A, %dma_wait3A, %dma_wait3A_32] : memref<32x8x112xi32, #tpu.memory_space<hbm>> -> memref<1x8x112xi32, #tpu.memory_space<hbm>>
    %dma_wait3A_34 = tpu.memref_squeeze %dma_wait3A_33 : memref<1x8x112xi32, #tpu.memory_space<hbm>> -> memref<8x112xi32, #tpu.memory_space<hbm>>
    %dma_wait3A_35 = arith.constant 0 : i32
    %dma_wait3A_36 = arith.constant 0 : i32
    %dma_wait3A_37 = tpu.memref_slice %arg2[%add3A, %dma_wait3A_35, %dma_wait3A_36] : memref<32x8x112xi32, #tpu.memory_space<hbm>> -> memref<1x8x112xi32, #tpu.memory_space<hbm>>
    %dma_wait3A_38 = tpu.memref_squeeze %dma_wait3A_37 : memref<1x8x112xi32, #tpu.memory_space<hbm>> -> memref<8x112xi32, #tpu.memory_space<hbm>>
    tpu.wait_dma2 semaphore(%arg21 : memref<!tpu.dma_semaphore, #tpu.memory_space<semaphore_mem>>) src(%dma_wait3A_38 : memref<8x112xi32, #tpu.memory_space<hbm>>) dst(%arg7 : memref<8x112xi32, #tpu.memory_space<vmem>>)
    %dma_wait3A_39 = arith.constant 0 : i32
    %dma_wait3A_40 = arith.constant 0 : i32
    %dma_wait3A_41 = tpu.memref_slice %arg3[%add3A, %dma_wait3A_39, %dma_wait3A_40] : memref<32x8x112xi32, #tpu.memory_space<hbm>> -> memref<1x8x112xi32, #tpu.memory_space<hbm>>
    %dma_wait3A_42 = tpu.memref_squeeze %dma_wait3A_41 : memref<1x8x112xi32, #tpu.memory_space<hbm>> -> memref<8x112xi32, #tpu.memory_space<hbm>>
    %dma_wait3A_43 = arith.constant 0 : i32
    %dma_wait3A_44 = arith.constant 0 : i32
    %dma_wait3A_45 = tpu.memref_slice %arg3[%add3A, %dma_wait3A_43, %dma_wait3A_44] : memref<32x8x112xi32, #tpu.memory_space<hbm>> -> memref<1x8x112xi32, #tpu.memory_space<hbm>>
    %dma_wait3A_46 = tpu.memref_squeeze %dma_wait3A_45 : memref<1x8x112xi32, #tpu.memory_space<hbm>> -> memref<8x112xi32, #tpu.memory_space<hbm>>
    tpu.wait_dma2 semaphore(%arg21 : memref<!tpu.dma_semaphore, #tpu.memory_space<semaphore_mem>>) src(%dma_wait3A_46 : memref<8x112xi32, #tpu.memory_space<hbm>>) dst(%arg8 : memref<8x112xi32, #tpu.memory_space<vmem>>)
    %dma_wait3A_47 = arith.constant 0 : i32
    %dma_wait3A_48 = arith.constant 0 : i32
    %dma_wait3A_49 = tpu.memref_slice %arg4[%add3A, %dma_wait3A_47, %dma_wait3A_48] : memref<32x8x112xi32, #tpu.memory_space<hbm>> -> memref<1x8x112xi32, #tpu.memory_space<hbm>>
    %dma_wait3A_50 = tpu.memref_squeeze %dma_wait3A_49 : memref<1x8x112xi32, #tpu.memory_space<hbm>> -> memref<8x112xi32, #tpu.memory_space<hbm>>
    %dma_wait3A_51 = arith.constant 0 : i32
    %dma_wait3A_52 = arith.constant 0 : i32
    %dma_wait3A_53 = tpu.memref_slice %arg4[%add3A, %dma_wait3A_51, %dma_wait3A_52] : memref<32x8x112xi32, #tpu.memory_space<hbm>> -> memref<1x8x112xi32, #tpu.memory_space<hbm>>
    %dma_wait3A_54 = tpu.memref_squeeze %dma_wait3A_53 : memref<1x8x112xi32, #tpu.memory_space<hbm>> -> memref<8x112xi32, #tpu.memory_space<hbm>>
    tpu.wait_dma2 semaphore(%arg21 : memref<!tpu.dma_semaphore, #tpu.memory_space<semaphore_mem>>) src(%dma_wait3A_54 : memref<8x112xi32, #tpu.memory_space<hbm>>) dst(%arg9 : memref<8x112xi32, #tpu.memory_space<vmem>>)
    %scan3A_55 = arith.constant 0 : i32
    %scan3A_56 = arith.constant 0 : i32
    %scan3A_57 = arith.constant 8 : i32
    %scan3A_58 = arith.addi %scan3A_56, %scan3A_57 : i32
    %scan3A_59 = arith.constant 1 : i32
    scf.for %scan3A_454 = %scan3A_56 to %scan3A_58 step %scan3A_59  : i32 {
      %get3A = arith.index_cast %scan3A_454 : i32 to index
      %get3A_455 = arith.constant 0 : index
      %get3A_456 = tpu.vector_load %arg7[%get3A, %get3A_455] {strides = array<i32>} : memref<8x112xi32, #tpu.memory_space<vmem>>, vector<1x16xi32>,
      %get3A_457 = vector.shape_cast %get3A_456 : vector<1x16xi32> to vector<16xi32>
      %get3A_458 = arith.index_cast %scan3A_454 : i32 to index
      %get3A_459 = arith.constant 0 : index
      %get3A_460 = tpu.vector_load %arg9[%get3A_458, %get3A_459] {strides = array<i32>} : memref<8x112xi32, #tpu.memory_space<vmem>>, vector<1x16xi32>,
      %get3A_461 = vector.shape_cast %get3A_460 : vector<1x16xi32> to vector<16xi32>
      %mul3A_462 = arith.constant 7 : i32
      %mul3A_463 = vector.broadcast %mul3A_462 : i32 to vector<16xi32>
      %mul3A_464 = arith.muli %get3A_457, %mul3A_463 : vector<16xi32>
      %add3A_465 = arith.addi %mul3A_464, %get3A_461 : vector<16xi32>
      %swap3A = arith.index_cast %scan3A_454 : i32 to index
      %swap3A_466 = arith.constant 0 : index
      %swap3A_467 = tpu.vector_load %arg10[%swap3A, %swap3A_466] {strides = array<i32>} : memref<8x112xi32, #tpu.memory_space<vmem>>, vector<1x16xi32>,
      %swap3A_468 = vector.shape_cast %swap3A_467 : vector<1x16xi32> to vector<16xi32>
      %swap3A_469 = vector.shape_cast %add3A_465 : vector<16xi32> to vector<1x16xi32>
      tpu.vector_store %arg10[%swap3A, %swap3A_466], %swap3A_469 {strides = array<i32>} : memref<8x112xi32, #tpu.memory_space<vmem>>, vector<1x16xi32>,
      %get3A_470 = arith.index_cast %scan3A_454 : i32 to index
      %get3A_471 = arith.constant 16 : index
      %get3A_472 = tpu.vector_load %arg7[%get3A_470, %get3A_471] {strides = array<i32>} : memref<8x112xi32, #tpu.memory_space<vmem>>, vector<1x16xi32>,
      %get3A_473 = vector.shape_cast %get3A_472 : vector<1x16xi32> to vector<16xi32>
      %get3A_474 = arith.index_cast %scan3A_454 : i32 to index
      %get3A_475 = arith.constant 16 : index
      %get3A_476 = tpu.vector_load %arg9[%get3A_474, %get3A_475] {strides = array<i32>} : memref<8x112xi32, #tpu.memory_space<vmem>>, vector<1x16xi32>,
      %get3A_477 = vector.shape_cast %get3A_476 : vector<1x16xi32> to vector<16xi32>
      %mul3A_478 = arith.constant 7 : i32
      %mul3A_479 = vector.broadcast %mul3A_478 : i32 to vector<16xi32>
      %mul3A_480 = arith.muli %get3A_473, %mul3A_479 : vector<16xi32>
      %add3A_481 = arith.addi %mul3A_480, %get3A_477 : vector<16xi32>
      %swap3A_482 = arith.index_cast %scan3A_454 : i32 to index
      %swap3A_483 = arith.constant 16 : index
      %swap3A_484 = tpu.vector_load %arg10[%swap3A_482, %swap3A_483] {strides = array<i32>} : memref<8x112xi32, #tpu.memory_space<vmem>>, vector<1x16xi32>,
      %swap3A_485 = vector.shape_cast %swap3A_484 : vector<1x16xi32> to vector<16xi32>
      %swap3A_486 = vector.shape_cast %add3A_481 : vector<16xi32> to vector<1x16xi32>
      tpu.vector_store %arg10[%swap3A_482, %swap3A_483], %swap3A_486 {strides = array<i32>} : memref<8x112xi32, #tpu.memory_space<vmem>>, vector<1x16xi32>,
      %get3A_487 = arith.index_cast %scan3A_454 : i32 to index
      %get3A_488 = arith.constant 32 : index
      %get3A_489 = tpu.vector_load %arg7[%get3A_487, %get3A_488] {strides = array<i32>} : memref<8x112xi32, #tpu.memory_space<vmem>>, vector<1x16xi32>,
      %get3A_490 = vector.shape_cast %get3A_489 : vector<1x16xi32> to vector<16xi32>
      %get3A_491 = arith.index_cast %scan3A_454 : i32 to index
      %get3A_492 = arith.constant 32 : index
      %get3A_493 = tpu.vector_load %arg9[%get3A_491, %get3A_492] {strides = array<i32>} : memref<8x112xi32, #tpu.memory_space<vmem>>, vector<1x16xi32>,
      %get3A_494 = vector.shape_cast %get3A_493 : vector<1x16xi32> to vector<16xi32>
      %mul3A_495 = arith.constant 7 : i32
      %mul3A_496 = vector.broadcast %mul3A_495 : i32 to vector<16xi32>
      %mul3A_497 = arith.muli %get3A_490, %mul3A_496 : vector<16xi32>
      %add3A_498 = arith.addi %mul3A_497, %get3A_494 : vector<16xi32>
      %swap3A_499 = arith.index_cast %scan3A_454 : i32 to index
      %swap3A_500 = arith.constant 32 : index
      %swap3A_501 = tpu.vector_load %arg10[%swap3A_499, %swap3A_500] {strides = array<i32>} : memref<8x112xi32, #tpu.memory_space<vmem>>, vector<1x16xi32>,
      %swap3A_502 = vector.shape_cast %swap3A_501 : vector<1x16xi32> to vector<16xi32>
      %swap3A_503 = vector.shape_cast %add3A_498 : vector<16xi32> to vector<1x16xi32>
      tpu.vector_store %arg10[%swap3A_499, %swap3A_500], %swap3A_503 {strides = array<i32>} : memref<8x112xi32, #tpu.memory_space<vmem>>, vector<1x16xi32>,
      %get3A_504 = arith.index_cast %scan3A_454 : i32 to index
      %get3A_505 = arith.constant 48 : index
      %get3A_506 = tpu.vector_load %arg7[%get3A_504, %get3A_505] {strides = array<i32>} : memref<8x112xi32, #tpu.memory_space<vmem>>, vector<1x16xi32>,
      %get3A_507 = vector.shape_cast %get3A_506 : vector<1x16xi32> to vector<16xi32>
      %get3A_508 = arith.index_cast %scan3A_454 : i32 to index
      %get3A_509 = arith.constant 48 : index
      %get3A_510 = tpu.vector_load %arg9[%get3A_508, %get3A_509] {strides = array<i32>} : memref<8x112xi32, #tpu.memory_space<vmem>>, vector<1x16xi32>,
      %get3A_511 = vector.shape_cast %get3A_510 : vector<1x16xi32> to vector<16xi32>
      %mul3A_512 = arith.constant 7 : i32
      %mul3A_513 = vector.broadcast %mul3A_512 : i32 to vector<16xi32>
      %mul3A_514 = arith.muli %get3A_507, %mul3A_513 : vector<16xi32>
      %add3A_515 = arith.addi %mul3A_514, %get3A_511 : vector<16xi32>
      %swap3A_516 = arith.index_cast %scan3A_454 : i32 to index
      %swap3A_517 = arith.constant 48 : index
      %swap3A_518 = tpu.vector_load %arg10[%swap3A_516, %swap3A_517] {strides = array<i32>} : memref<8x112xi32, #tpu.memory_space<vmem>>, vector<1x16xi32>,
      %swap3A_519 = vector.shape_cast %swap3A_518 : vector<1x16xi32> to vector<16xi32>
      %swap3A_520 = vector.shape_cast %add3A_515 : vector<16xi32> to vector<1x16xi32>
      tpu.vector_store %arg10[%swap3A_516, %swap3A_517], %swap3A_520 {strides = array<i32>} : memref<8x112xi32, #tpu.memory_space<vmem>>, vector<1x16xi32>,
      %get3A_521 = arith.index_cast %scan3A_454 : i32 to index
      %get3A_522 = arith.constant 64 : index
      %get3A_523 = tpu.vector_load %arg7[%get3A_521, %get3A_522] {strides = array<i32>} : memref<8x112xi32, #tpu.memory_space<vmem>>, vector<1x16xi32>,
      %get3A_524 = vector.shape_cast %get3A_523 : vector<1x16xi32> to vector<16xi32>
      %get3A_525 = arith.index_cast %scan3A_454 : i32 to index
      %get3A_526 = arith.constant 64 : index
      %get3A_527 = tpu.vector_load %arg9[%get3A_525, %get3A_526] {strides = array<i32>} : memref<8x112xi32, #tpu.memory_space<vmem>>, vector<1x16xi32>,
      %get3A_528 = vector.shape_cast %get3A_527 : vector<1x16xi32> to vector<16xi32>
      %mul3A_529 = arith.constant 7 : i32
      %mul3A_530 = vector.broadcast %mul3A_529 : i32 to vector<16xi32>
      %mul3A_531 = arith.muli %get3A_524, %mul3A_530 : vector<16xi32>
      %add3A_532 = arith.addi %mul3A_531, %get3A_528 : vector<16xi32>
      %swap3A_533 = arith.index_cast %scan3A_454 : i32 to index
      %swap3A_534 = arith.constant 64 : index
      %swap3A_535 = tpu.vector_load %arg10[%swap3A_533, %swap3A_534] {strides = array<i32>} : memref<8x112xi32, #tpu.memory_space<vmem>>, vector<1x16xi32>,
      %swap3A_536 = vector.shape_cast %swap3A_535 : vector<1x16xi32> to vector<16xi32>
      %swap3A_537 = vector.shape_cast %add3A_532 : vector<16xi32> to vector<1x16xi32>
      tpu.vector_store %arg10[%swap3A_533, %swap3A_534], %swap3A_537 {strides = array<i32>} : memref<8x112xi32, #tpu.memory_space<vmem>>, vector<1x16xi32>,
      %get3A_538 = arith.index_cast %scan3A_454 : i32 to index
      %get3A_539 = arith.constant 80 : index
      %get3A_540 = tpu.vector_load %arg7[%get3A_538, %get3A_539] {strides = array<i32>} : memref<8x112xi32, #tpu.memory_space<vmem>>, vector<1x16xi32>,
      %get3A_541 = vector.shape_cast %get3A_540 : vector<1x16xi32> to vector<16xi32>
      %get3A_542 = arith.index_cast %scan3A_454 : i32 to index
      %get3A_543 = arith.constant 80 : index
      %get3A_544 = tpu.vector_load %arg9[%get3A_542, %get3A_543] {strides = array<i32>} : memref<8x112xi32, #tpu.memory_space<vmem>>, vector<1x16xi32>,
      %get3A_545 = vector.shape_cast %get3A_544 : vector<1x16xi32> to vector<16xi32>
      %mul3A_546 = arith.constant 7 : i32
      %mul3A_547 = vector.broadcast %mul3A_546 : i32 to vector<16xi32>
      %mul3A_548 = arith.muli %get3A_541, %mul3A_547 : vector<16xi32>
      %add3A_549 = arith.addi %mul3A_548, %get3A_545 : vector<16xi32>
      %swap3A_550 = arith.index_cast %scan3A_454 : i32 to index
      %swap3A_551 = arith.constant 80 : index
      %swap3A_552 = tpu.vector_load %arg10[%swap3A_550, %swap3A_551] {strides = array<i32>} : memref<8x112xi32, #tpu.memory_space<vmem>>, vector<1x16xi32>,
      %swap3A_553 = vector.shape_cast %swap3A_552 : vector<1x16xi32> to vector<16xi32>
      %swap3A_554 = vector.shape_cast %add3A_549 : vector<16xi32> to vector<1x16xi32>
      tpu.vector_store %arg10[%swap3A_550, %swap3A_551], %swap3A_554 {strides = array<i32>} : memref<8x112xi32, #tpu.memory_space<vmem>>, vector<1x16xi32>,
      %get3A_555 = arith.index_cast %scan3A_454 : i32 to index
      %get3A_556 = arith.constant 96 : index
      %get3A_557 = tpu.vector_load %arg7[%get3A_555, %get3A_556] {strides = array<i32>} : memref<8x112xi32, #tpu.memory_space<vmem>>, vector<1x16xi32>,
      %get3A_558 = vector.shape_cast %get3A_557 : vector<1x16xi32> to vector<16xi32>
      %get3A_559 = arith.index_cast %scan3A_454 : i32 to index
      %get3A_560 = arith.constant 96 : index
      %get3A_561 = tpu.vector_load %arg9[%get3A_559, %get3A_560] {strides = array<i32>} : memref<8x112xi32, #tpu.memory_space<vmem>>, vector<1x16xi32>,
      %get3A_562 = vector.shape_cast %get3A_561 : vector<1x16xi32> to vector<16xi32>
      %mul3A_563 = arith.constant 7 : i32
      %mul3A_564 = vector.broadcast %mul3A_563 : i32 to vector<16xi32>
      %mul3A_565 = arith.muli %get3A_558, %mul3A_564 : vector<16xi32>
      %add3A_566 = arith.addi %mul3A_565, %get3A_562 : vector<16xi32>
      %swap3A_567 = arith.index_cast %scan3A_454 : i32 to index
      %swap3A_568 = arith.constant 96 : index
      %swap3A_569 = tpu.vector_load %arg10[%swap3A_567, %swap3A_568] {strides = array<i32>} : memref<8x112xi32, #tpu.memory_space<vmem>>, vector<1x16xi32>,
      %swap3A_570 = vector.shape_cast %swap3A_569 : vector<1x16xi32> to vector<16xi32>
      %swap3A_571 = vector.shape_cast %add3A_566 : vector<16xi32> to vector<1x16xi32>
      tpu.vector_store %arg10[%swap3A_567, %swap3A_568], %swap3A_571 {strides = array<i32>} : memref<8x112xi32, #tpu.memory_space<vmem>>, vector<1x16xi32>,
    }
    %scan3A_60 = arith.constant 8 : i32
    %barrier3A = arith.constant 0 : index
    tpu.barrier barrier_id(%barrier3A)
    %dma_start3A_61 = arith.constant 0 : i32
    %dma_start3A_62 = arith.constant 0 : i32
    %dma_start3A_63 = tpu.memref_slice %arg10[%dma_start3A_61, %dma_start3A_62] : memref<8x112xi32, #tpu.memory_space<vmem>> -> memref<1x112xi32, #tpu.memory_space<vmem>>
    %dma_start3A_64 = tpu.memref_squeeze %dma_start3A_63 : memref<1x112xi32, #tpu.memory_space<vmem>> -> memref<112xi32, #tpu.memory_space<vmem>>
    %dma_start3A_65 = arith.constant 0 : i32
    %dma_start3A_66 = arith.constant 0 : i32
    %dma_start3A_67 = tpu.memref_slice %arg5[%dma_start3A_65, %dma_start3A_66] : memref<28672x32xf32, #tpu.memory_space<hbm>> -> memref<28672x32xf32, #tpu.memory_space<hbm>>
    tpu.enqueue_indirect_dma source(%dma_start3A_67 : memref<28672x32xf32, #tpu.memory_space<hbm>>) target(%arg12 : memref<112x32xf32, #tpu.memory_space<vmem>>) offsets(%dma_start3A_64 : memref<112xi32, #tpu.memory_space<vmem>>) semaphore(%arg22 : memref<!tpu.dma_semaphore, #tpu.memory_space<semaphore_mem>>)
    %dma_start3A_68 = arith.constant 1 : i32
    %dma_start3A_69 = arith.constant 0 : i32
    %dma_start3A_70 = tpu.memref_slice %arg10[%dma_start3A_68, %dma_start3A_69] : memref<8x112xi32, #tpu.memory_space<vmem>> -> memref<1x112xi32, #tpu.memory_space<vmem>>
    %dma_start3A_71 = tpu.memref_squeeze %dma_start3A_70 : memref<1x112xi32, #tpu.memory_space<vmem>> -> memref<112xi32, #tpu.memory_space<vmem>>
    %dma_start3A_72 = arith.constant 0 : i32
    %dma_start3A_73 = arith.constant 0 : i32
    %dma_start3A_74 = tpu.memref_slice %arg5[%dma_start3A_72, %dma_start3A_73] : memref<28672x32xf32, #tpu.memory_space<hbm>> -> memref<28672x32xf32, #tpu.memory_space<hbm>>
    tpu.enqueue_indirect_dma source(%dma_start3A_74 : memref<28672x32xf32, #tpu.memory_space<hbm>>) target(%arg13 : memref<112x32xf32, #tpu.memory_space<vmem>>) offsets(%dma_start3A_71 : memref<112xi32, #tpu.memory_space<vmem>>) semaphore(%arg23 : memref<!tpu.dma_semaphore, #tpu.memory_space<semaphore_mem>>)
    %dma_start3A_75 = arith.constant 2 : i32
    %dma_start3A_76 = arith.constant 0 : i32
    %dma_start3A_77 = tpu.memref_slice %arg10[%dma_start3A_75, %dma_start3A_76] : memref<8x112xi32, #tpu.memory_space<vmem>> -> memref<1x112xi32, #tpu.memory_space<vmem>>
    %dma_start3A_78 = tpu.memref_squeeze %dma_start3A_77 : memref<1x112xi32, #tpu.memory_space<vmem>> -> memref<112xi32, #tpu.memory_space<vmem>>
    %dma_start3A_79 = arith.constant 0 : i32
    %dma_start3A_80 = arith.constant 0 : i32
    %dma_start3A_81 = tpu.memref_slice %arg5[%dma_start3A_79, %dma_start3A_80] : memref<28672x32xf32, #tpu.memory_space<hbm>> -> memref<28672x32xf32, #tpu.memory_space<hbm>>
    tpu.enqueue_indirect_dma source(%dma_start3A_81 : memref<28672x32xf32, #tpu.memory_space<hbm>>) target(%arg14 : memref<112x32xf32, #tpu.memory_space<vmem>>) offsets(%dma_start3A_78 : memref<112xi32, #tpu.memory_space<vmem>>) semaphore(%arg24 : memref<!tpu.dma_semaphore, #tpu.memory_space<semaphore_mem>>)
    %dma_start3A_82 = arith.constant 3 : i32
    %dma_start3A_83 = arith.constant 0 : i32
    %dma_start3A_84 = tpu.memref_slice %arg10[%dma_start3A_82, %dma_start3A_83] : memref<8x112xi32, #tpu.memory_space<vmem>> -> memref<1x112xi32, #tpu.memory_space<vmem>>
    %dma_start3A_85 = tpu.memref_squeeze %dma_start3A_84 : memref<1x112xi32, #tpu.memory_space<vmem>> -> memref<112xi32, #tpu.memory_space<vmem>>
    %dma_start3A_86 = arith.constant 0 : i32
    %dma_start3A_87 = arith.constant 0 : i32
    %dma_start3A_88 = tpu.memref_slice %arg5[%dma_start3A_86, %dma_start3A_87] : memref<28672x32xf32, #tpu.memory_space<hbm>> -> memref<28672x32xf32, #tpu.memory_space<hbm>>
    tpu.enqueue_indirect_dma source(%dma_start3A_88 : memref<28672x32xf32, #tpu.memory_space<hbm>>) target(%arg15 : memref<112x32xf32, #tpu.memory_space<vmem>>) offsets(%dma_start3A_85 : memref<112xi32, #tpu.memory_space<vmem>>) semaphore(%arg25 : memref<!tpu.dma_semaphore, #tpu.memory_space<semaphore_mem>>)
    %dma_start3A_89 = arith.constant 4 : i32
    %dma_start3A_90 = arith.constant 0 : i32
    %dma_start3A_91 = tpu.memref_slice %arg10[%dma_start3A_89, %dma_start3A_90] : memref<8x112xi32, #tpu.memory_space<vmem>> -> memref<1x112xi32, #tpu.memory_space<vmem>>
    %dma_start3A_92 = tpu.memref_squeeze %dma_start3A_91 : memref<1x112xi32, #tpu.memory_space<vmem>> -> memref<112xi32, #tpu.memory_space<vmem>>
    %dma_start3A_93 = arith.constant 0 : i32
    %dma_start3A_94 = arith.constant 0 : i32
    %dma_start3A_95 = tpu.memref_slice %arg5[%dma_start3A_93, %dma_start3A_94] : memref<28672x32xf32, #tpu.memory_space<hbm>> -> memref<28672x32xf32, #tpu.memory_space<hbm>>
    tpu.enqueue_indirect_dma source(%dma_start3A_95 : memref<28672x32xf32, #tpu.memory_space<hbm>>) target(%arg16 : memref<112x32xf32, #tpu.memory_space<vmem>>) offsets(%dma_start3A_92 : memref<112xi32, #tpu.memory_space<vmem>>) semaphore(%arg26 : memref<!tpu.dma_semaphore, #tpu.memory_space<semaphore_mem>>)
    %dma_start3A_96 = arith.constant 5 : i32
    %dma_start3A_97 = arith.constant 0 : i32
    %dma_start3A_98 = tpu.memref_slice %arg10[%dma_start3A_96, %dma_start3A_97] : memref<8x112xi32, #tpu.memory_space<vmem>> -> memref<1x112xi32, #tpu.memory_space<vmem>>
    %dma_start3A_99 = tpu.memref_squeeze %dma_start3A_98 : memref<1x112xi32, #tpu.memory_space<vmem>> -> memref<112xi32, #tpu.memory_space<vmem>>
    %dma_start3A_100 = arith.constant 0 : i32
    %dma_start3A_101 = arith.constant 0 : i32
    %dma_start3A_102 = tpu.memref_slice %arg5[%dma_start3A_100, %dma_start3A_101] : memref<28672x32xf32, #tpu.memory_space<hbm>> -> memref<28672x32xf32, #tpu.memory_space<hbm>>
    tpu.enqueue_indirect_dma source(%dma_start3A_102 : memref<28672x32xf32, #tpu.memory_space<hbm>>) target(%arg17 : memref<112x32xf32, #tpu.memory_space<vmem>>) offsets(%dma_start3A_99 : memref<112xi32, #tpu.memory_space<vmem>>) semaphore(%arg27 : memref<!tpu.dma_semaphore, #tpu.memory_space<semaphore_mem>>)
    %dma_start3A_103 = arith.constant 6 : i32
    %dma_start3A_104 = arith.constant 0 : i32
    %dma_start3A_105 = tpu.memref_slice %arg10[%dma_start3A_103, %dma_start3A_104] : memref<8x112xi32, #tpu.memory_space<vmem>> -> memref<1x112xi32, #tpu.memory_space<vmem>>
    %dma_start3A_106 = tpu.memref_squeeze %dma_start3A_105 : memref<1x112xi32, #tpu.memory_space<vmem>> -> memref<112xi32, #tpu.memory_space<vmem>>
    %dma_start3A_107 = arith.constant 0 : i32
    %dma_start3A_108 = arith.constant 0 : i32
    %dma_start3A_109 = tpu.memref_slice %arg5[%dma_start3A_107, %dma_start3A_108] : memref<28672x32xf32, #tpu.memory_space<hbm>> -> memref<28672x32xf32, #tpu.memory_space<hbm>>
    tpu.enqueue_indirect_dma source(%dma_start3A_109 : memref<28672x32xf32, #tpu.memory_space<hbm>>) target(%arg18 : memref<112x32xf32, #tpu.memory_space<vmem>>) offsets(%dma_start3A_106 : memref<112xi32, #tpu.memory_space<vmem>>) semaphore(%arg28 : memref<!tpu.dma_semaphore, #tpu.memory_space<semaphore_mem>>)
    %dma_start3A_110 = arith.constant 7 : i32
    %dma_start3A_111 = arith.constant 0 : i32
    %dma_start3A_112 = tpu.memref_slice %arg10[%dma_start3A_110, %dma_start3A_111] : memref<8x112xi32, #tpu.memory_space<vmem>> -> memref<1x112xi32, #tpu.memory_space<vmem>>
    %dma_start3A_113 = tpu.memref_squeeze %dma_start3A_112 : memref<1x112xi32, #tpu.memory_space<vmem>> -> memref<112xi32, #tpu.memory_space<vmem>>
    %dma_start3A_114 = arith.constant 0 : i32
    %dma_start3A_115 = arith.constant 0 : i32
    %dma_start3A_116 = tpu.memref_slice %arg5[%dma_start3A_114, %dma_start3A_115] : memref<28672x32xf32, #tpu.memory_space<hbm>> -> memref<28672x32xf32, #tpu.memory_space<hbm>>
    tpu.enqueue_indirect_dma source(%dma_start3A_116 : memref<28672x32xf32, #tpu.memory_space<hbm>>) target(%arg19 : memref<112x32xf32, #tpu.memory_space<vmem>>) offsets(%dma_start3A_113 : memref<112xi32, #tpu.memory_space<vmem>>) semaphore(%arg29 : memref<!tpu.dma_semaphore, #tpu.memory_space<semaphore_mem>>)
    %scan3A_117 = arith.constant 0 : i32
    %scan3A_118 = arith.constant 0 : i32
    %mul3A_119 = arith.constant 8 : i32
    %mul3A_120 = arith.muli %scan3A_118, %mul3A_119 : i32
    %add3A_121 = arith.constant 0 : i32
    %add3A_122 = arith.addi %mul3A_120, %add3A_121 : i32
    %dma_wait3A_123 = arith.constant 0 : i32
    %dma_wait3A_124 = arith.constant 0 : i32
    %dma_wait3A_125 = tpu.memref_slice %arg10[%dma_wait3A_123, %dma_wait3A_124] : memref<8x112xi32, #tpu.memory_space<vmem>> -> memref<1x112xi32, #tpu.memory_space<vmem>>
    %dma_wait3A_126 = tpu.memref_squeeze %dma_wait3A_125 : memref<1x112xi32, #tpu.memory_space<vmem>> -> memref<112xi32, #tpu.memory_space<vmem>>
    %dma_wait3A_127 = arith.constant 0 : i32
    %dma_wait3A_128 = arith.constant 0 : i32
    %dma_wait3A_129 = tpu.memref_slice %arg5[%dma_wait3A_127, %dma_wait3A_128] : memref<28672x32xf32, #tpu.memory_space<hbm>> -> memref<28672x32xf32, #tpu.memory_space<hbm>>
    tpu.wait_indirect_dma semaphore(%arg22 : memref<!tpu.dma_semaphore, #tpu.memory_space<semaphore_mem>>) src(%dma_wait3A_129 : memref<28672x32xf32, #tpu.memory_space<hbm>>) dst(%arg12 : memref<112x32xf32, #tpu.memory_space<vmem>>)
    %dma_start3A_130 = arith.constant 0 : i32
    %dma_start3A_131 = tpu.memref_slice %arg8[%add3A_122, %dma_start3A_130] : memref<8x112xi32, #tpu.memory_space<vmem>> -> memref<1x112xi32, #tpu.memory_space<vmem>>
    %dma_start3A_132 = tpu.memref_squeeze %dma_start3A_131 : memref<1x112xi32, #tpu.memory_space<vmem>> -> memref<112xi32, #tpu.memory_space<vmem>>
    %dma_start3A_133 = arith.constant 0 : i32
    %dma_start3A_134 = arith.constant 0 : i32
    %dma_start3A_135 = tpu.memref_slice %arg20[%dma_start3A_133, %dma_start3A_134] : memref<4096x32xf32, #tpu.memory_space<vmem_shared>> -> memref<4096x32xf32, #tpu.memory_space<vmem_shared>>
    tpu.enqueue_indirect_dma source(%arg12 : memref<112x32xf32, #tpu.memory_space<vmem>>) target(%dma_start3A_135 : memref<4096x32xf32, #tpu.memory_space<vmem_shared>>) offsets(%dma_start3A_132 : memref<112xi32, #tpu.memory_space<vmem>>) semaphore(%arg30 : memref<!tpu.dma_semaphore, #tpu.memory_space<semaphore_mem>>) {add = true}
    %add3A_136 = arith.constant 1 : i32
    %add3A_137 = arith.addi %mul3A_120, %add3A_136 : i32
    %dma_wait3A_138 = arith.constant 0 : i32
    %dma_wait3A_139 = arith.constant 0 : i32
    %dma_wait3A_140 = tpu.memref_slice %arg10[%dma_wait3A_138, %dma_wait3A_139] : memref<8x112xi32, #tpu.memory_space<vmem>> -> memref<1x112xi32, #tpu.memory_space<vmem>>
    %dma_wait3A_141 = tpu.memref_squeeze %dma_wait3A_140 : memref<1x112xi32, #tpu.memory_space<vmem>> -> memref<112xi32, #tpu.memory_space<vmem>>
    %dma_wait3A_142 = arith.constant 0 : i32
    %dma_wait3A_143 = arith.constant 0 : i32
    %dma_wait3A_144 = tpu.memref_slice %arg5[%dma_wait3A_142, %dma_wait3A_143] : memref<28672x32xf32, #tpu.memory_space<hbm>> -> memref<28672x32xf32, #tpu.memory_space<hbm>>
    tpu.wait_indirect_dma semaphore(%arg23 : memref<!tpu.dma_semaphore, #tpu.memory_space<semaphore_mem>>) src(%dma_wait3A_144 : memref<28672x32xf32, #tpu.memory_space<hbm>>) dst(%arg13 : memref<112x32xf32, #tpu.memory_space<vmem>>)
    %dma_start3A_145 = arith.constant 0 : i32
    %dma_start3A_146 = tpu.memref_slice %arg8[%add3A_137, %dma_start3A_145] : memref<8x112xi32, #tpu.memory_space<vmem>> -> memref<1x112xi32, #tpu.memory_space<vmem>>
    %dma_start3A_147 = tpu.memref_squeeze %dma_start3A_146 : memref<1x112xi32, #tpu.memory_space<vmem>> -> memref<112xi32, #tpu.memory_space<vmem>>
    %dma_start3A_148 = arith.constant 0 : i32
    %dma_start3A_149 = arith.constant 0 : i32
    %dma_start3A_150 = tpu.memref_slice %arg20[%dma_start3A_148, %dma_start3A_149] : memref<4096x32xf32, #tpu.memory_space<vmem_shared>> -> memref<4096x32xf32, #tpu.memory_space<vmem_shared>>
    tpu.enqueue_indirect_dma source(%arg13 : memref<112x32xf32, #tpu.memory_space<vmem>>) target(%dma_start3A_150 : memref<4096x32xf32, #tpu.memory_space<vmem_shared>>) offsets(%dma_start3A_147 : memref<112xi32, #tpu.memory_space<vmem>>) semaphore(%arg31 : memref<!tpu.dma_semaphore, #tpu.memory_space<semaphore_mem>>) {add = true}
    %add3A_151 = arith.constant 2 : i32
    %add3A_152 = arith.addi %mul3A_120, %add3A_151 : i32
    %dma_wait3A_153 = arith.constant 0 : i32
    %dma_wait3A_154 = arith.constant 0 : i32
    %dma_wait3A_155 = tpu.memref_slice %arg10[%dma_wait3A_153, %dma_wait3A_154] : memref<8x112xi32, #tpu.memory_space<vmem>> -> memref<1x112xi32, #tpu.memory_space<vmem>>
    %dma_wait3A_156 = tpu.memref_squeeze %dma_wait3A_155 : memref<1x112xi32, #tpu.memory_space<vmem>> -> memref<112xi32, #tpu.memory_space<vmem>>
    %dma_wait3A_157 = arith.constant 0 : i32
    %dma_wait3A_158 = arith.constant 0 : i32
    %dma_wait3A_159 = tpu.memref_slice %arg5[%dma_wait3A_157, %dma_wait3A_158] : memref<28672x32xf32, #tpu.memory_space<hbm>> -> memref<28672x32xf32, #tpu.memory_space<hbm>>
    tpu.wait_indirect_dma semaphore(%arg24 : memref<!tpu.dma_semaphore, #tpu.memory_space<semaphore_mem>>) src(%dma_wait3A_159 : memref<28672x32xf32, #tpu.memory_space<hbm>>) dst(%arg14 : memref<112x32xf32, #tpu.memory_space<vmem>>)
    %dma_start3A_160 = arith.constant 0 : i32
    %dma_start3A_161 = tpu.memref_slice %arg8[%add3A_152, %dma_start3A_160] : memref<8x112xi32, #tpu.memory_space<vmem>> -> memref<1x112xi32, #tpu.memory_space<vmem>>
    %dma_start3A_162 = tpu.memref_squeeze %dma_start3A_161 : memref<1x112xi32, #tpu.memory_space<vmem>> -> memref<112xi32, #tpu.memory_space<vmem>>
    %dma_start3A_163 = arith.constant 0 : i32
    %dma_start3A_164 = arith.constant 0 : i32
    %dma_start3A_165 = tpu.memref_slice %arg20[%dma_start3A_163, %dma_start3A_164] : memref<4096x32xf32, #tpu.memory_space<vmem_shared>> -> memref<4096x32xf32, #tpu.memory_space<vmem_shared>>
    tpu.enqueue_indirect_dma source(%arg14 : memref<112x32xf32, #tpu.memory_space<vmem>>) target(%dma_start3A_165 : memref<4096x32xf32, #tpu.memory_space<vmem_shared>>) offsets(%dma_start3A_162 : memref<112xi32, #tpu.memory_space<vmem>>) semaphore(%arg32 : memref<!tpu.dma_semaphore, #tpu.memory_space<semaphore_mem>>) {add = true}
    %add3A_166 = arith.constant 3 : i32
    %add3A_167 = arith.addi %mul3A_120, %add3A_166 : i32
    %dma_wait3A_168 = arith.constant 0 : i32
    %dma_wait3A_169 = arith.constant 0 : i32
    %dma_wait3A_170 = tpu.memref_slice %arg10[%dma_wait3A_168, %dma_wait3A_169] : memref<8x112xi32, #tpu.memory_space<vmem>> -> memref<1x112xi32, #tpu.memory_space<vmem>>
    %dma_wait3A_171 = tpu.memref_squeeze %dma_wait3A_170 : memref<1x112xi32, #tpu.memory_space<vmem>> -> memref<112xi32, #tpu.memory_space<vmem>>
    %dma_wait3A_172 = arith.constant 0 : i32
    %dma_wait3A_173 = arith.constant 0 : i32
    %dma_wait3A_174 = tpu.memref_slice %arg5[%dma_wait3A_172, %dma_wait3A_173] : memref<28672x32xf32, #tpu.memory_space<hbm>> -> memref<28672x32xf32, #tpu.memory_space<hbm>>
    tpu.wait_indirect_dma semaphore(%arg25 : memref<!tpu.dma_semaphore, #tpu.memory_space<semaphore_mem>>) src(%dma_wait3A_174 : memref<28672x32xf32, #tpu.memory_space<hbm>>) dst(%arg15 : memref<112x32xf32, #tpu.memory_space<vmem>>)
    %dma_start3A_175 = arith.constant 0 : i32
    %dma_start3A_176 = tpu.memref_slice %arg8[%add3A_167, %dma_start3A_175] : memref<8x112xi32, #tpu.memory_space<vmem>> -> memref<1x112xi32, #tpu.memory_space<vmem>>
    %dma_start3A_177 = tpu.memref_squeeze %dma_start3A_176 : memref<1x112xi32, #tpu.memory_space<vmem>> -> memref<112xi32, #tpu.memory_space<vmem>>
    %dma_start3A_178 = arith.constant 0 : i32
    %dma_start3A_179 = arith.constant 0 : i32
    %dma_start3A_180 = tpu.memref_slice %arg20[%dma_start3A_178, %dma_start3A_179] : memref<4096x32xf32, #tpu.memory_space<vmem_shared>> -> memref<4096x32xf32, #tpu.memory_space<vmem_shared>>
    tpu.enqueue_indirect_dma source(%arg15 : memref<112x32xf32, #tpu.memory_space<vmem>>) target(%dma_start3A_180 : memref<4096x32xf32, #tpu.memory_space<vmem_shared>>) offsets(%dma_start3A_177 : memref<112xi32, #tpu.memory_space<vmem>>) semaphore(%arg33 : memref<!tpu.dma_semaphore, #tpu.memory_space<semaphore_mem>>) {add = true}
    %add3A_181 = arith.constant 4 : i32
    %add3A_182 = arith.addi %mul3A_120, %add3A_181 : i32
    %dma_wait3A_183 = arith.constant 0 : i32
    %dma_wait3A_184 = arith.constant 0 : i32
    %dma_wait3A_185 = tpu.memref_slice %arg10[%dma_wait3A_183, %dma_wait3A_184] : memref<8x112xi32, #tpu.memory_space<vmem>> -> memref<1x112xi32, #tpu.memory_space<vmem>>
    %dma_wait3A_186 = tpu.memref_squeeze %dma_wait3A_185 : memref<1x112xi32, #tpu.memory_space<vmem>> -> memref<112xi32, #tpu.memory_space<vmem>>
    %dma_wait3A_187 = arith.constant 0 : i32
    %dma_wait3A_188 = arith.constant 0 : i32
    %dma_wait3A_189 = tpu.memref_slice %arg5[%dma_wait3A_187, %dma_wait3A_188] : memref<28672x32xf32, #tpu.memory_space<hbm>> -> memref<28672x32xf32, #tpu.memory_space<hbm>>
    tpu.wait_indirect_dma semaphore(%arg26 : memref<!tpu.dma_semaphore, #tpu.memory_space<semaphore_mem>>) src(%dma_wait3A_189 : memref<28672x32xf32, #tpu.memory_space<hbm>>) dst(%arg16 : memref<112x32xf32, #tpu.memory_space<vmem>>)
    %dma_start3A_190 = arith.constant 0 : i32
    %dma_start3A_191 = tpu.memref_slice %arg8[%add3A_182, %dma_start3A_190] : memref<8x112xi32, #tpu.memory_space<vmem>> -> memref<1x112xi32, #tpu.memory_space<vmem>>
    %dma_start3A_192 = tpu.memref_squeeze %dma_start3A_191 : memref<1x112xi32, #tpu.memory_space<vmem>> -> memref<112xi32, #tpu.memory_space<vmem>>
    %dma_start3A_193 = arith.constant 0 : i32
    %dma_start3A_194 = arith.constant 0 : i32
    %dma_start3A_195 = tpu.memref_slice %arg20[%dma_start3A_193, %dma_start3A_194] : memref<4096x32xf32, #tpu.memory_space<vmem_shared>> -> memref<4096x32xf32, #tpu.memory_space<vmem_shared>>
    tpu.enqueue_indirect_dma source(%arg16 : memref<112x32xf32, #tpu.memory_space<vmem>>) target(%dma_start3A_195 : memref<4096x32xf32, #tpu.memory_space<vmem_shared>>) offsets(%dma_start3A_192 : memref<112xi32, #tpu.memory_space<vmem>>) semaphore(%arg34 : memref<!tpu.dma_semaphore, #tpu.memory_space<semaphore_mem>>) {add = true}
    %add3A_196 = arith.constant 5 : i32
    %add3A_197 = arith.addi %mul3A_120, %add3A_196 : i32
    %dma_wait3A_198 = arith.constant 0 : i32
    %dma_wait3A_199 = arith.constant 0 : i32
    %dma_wait3A_200 = tpu.memref_slice %arg10[%dma_wait3A_198, %dma_wait3A_199] : memref<8x112xi32, #tpu.memory_space<vmem>> -> memref<1x112xi32, #tpu.memory_space<vmem>>
    %dma_wait3A_201 = tpu.memref_squeeze %dma_wait3A_200 : memref<1x112xi32, #tpu.memory_space<vmem>> -> memref<112xi32, #tpu.memory_space<vmem>>
    %dma_wait3A_202 = arith.constant 0 : i32
    %dma_wait3A_203 = arith.constant 0 : i32
    %dma_wait3A_204 = tpu.memref_slice %arg5[%dma_wait3A_202, %dma_wait3A_203] : memref<28672x32xf32, #tpu.memory_space<hbm>> -> memref<28672x32xf32, #tpu.memory_space<hbm>>
    tpu.wait_indirect_dma semaphore(%arg27 : memref<!tpu.dma_semaphore, #tpu.memory_space<semaphore_mem>>) src(%dma_wait3A_204 : memref<28672x32xf32, #tpu.memory_space<hbm>>) dst(%arg17 : memref<112x32xf32, #tpu.memory_space<vmem>>)
    %dma_start3A_205 = arith.constant 0 : i32
    %dma_start3A_206 = tpu.memref_slice %arg8[%add3A_197, %dma_start3A_205] : memref<8x112xi32, #tpu.memory_space<vmem>> -> memref<1x112xi32, #tpu.memory_space<vmem>>
    %dma_start3A_207 = tpu.memref_squeeze %dma_start3A_206 : memref<1x112xi32, #tpu.memory_space<vmem>> -> memref<112xi32, #tpu.memory_space<vmem>>
    %dma_start3A_208 = arith.constant 0 : i32
    %dma_start3A_209 = arith.constant 0 : i32
    %dma_start3A_210 = tpu.memref_slice %arg20[%dma_start3A_208, %dma_start3A_209] : memref<4096x32xf32, #tpu.memory_space<vmem_shared>> -> memref<4096x32xf32, #tpu.memory_space<vmem_shared>>
    tpu.enqueue_indirect_dma source(%arg17 : memref<112x32xf32, #tpu.memory_space<vmem>>) target(%dma_start3A_210 : memref<4096x32xf32, #tpu.memory_space<vmem_shared>>) offsets(%dma_start3A_207 : memref<112xi32, #tpu.memory_space<vmem>>) semaphore(%arg35 : memref<!tpu.dma_semaphore, #tpu.memory_space<semaphore_mem>>) {add = true}
    %add3A_211 = arith.constant 6 : i32
    %add3A_212 = arith.addi %mul3A_120, %add3A_211 : i32
    %dma_wait3A_213 = arith.constant 0 : i32
    %dma_wait3A_214 = arith.constant 0 : i32
    %dma_wait3A_215 = tpu.memref_slice %arg10[%dma_wait3A_213, %dma_wait3A_214] : memref<8x112xi32, #tpu.memory_space<vmem>> -> memref<1x112xi32, #tpu.memory_space<vmem>>
    %dma_wait3A_216 = tpu.memref_squeeze %dma_wait3A_215 : memref<1x112xi32, #tpu.memory_space<vmem>> -> memref<112xi32, #tpu.memory_space<vmem>>
    %dma_wait3A_217 = arith.constant 0 : i32
    %dma_wait3A_218 = arith.constant 0 : i32
    %dma_wait3A_219 = tpu.memref_slice %arg5[%dma_wait3A_217, %dma_wait3A_218] : memref<28672x32xf32, #tpu.memory_space<hbm>> -> memref<28672x32xf32, #tpu.memory_space<hbm>>
    tpu.wait_indirect_dma semaphore(%arg28 : memref<!tpu.dma_semaphore, #tpu.memory_space<semaphore_mem>>) src(%dma_wait3A_219 : memref<28672x32xf32, #tpu.memory_space<hbm>>) dst(%arg18 : memref<112x32xf32, #tpu.memory_space<vmem>>)
    %dma_start3A_220 = arith.constant 0 : i32
    %dma_start3A_221 = tpu.memref_slice %arg8[%add3A_212, %dma_start3A_220] : memref<8x112xi32, #tpu.memory_space<vmem>> -> memref<1x112xi32, #tpu.memory_space<vmem>>
    %dma_start3A_222 = tpu.memref_squeeze %dma_start3A_221 : memref<1x112xi32, #tpu.memory_space<vmem>> -> memref<112xi32, #tpu.memory_space<vmem>>
    %dma_start3A_223 = arith.constant 0 : i32
    %dma_start3A_224 = arith.constant 0 : i32
    %dma_start3A_225 = tpu.memref_slice %arg20[%dma_start3A_223, %dma_start3A_224] : memref<4096x32xf32, #tpu.memory_space<vmem_shared>> -> memref<4096x32xf32, #tpu.memory_space<vmem_shared>>
    tpu.enqueue_indirect_dma source(%arg18 : memref<112x32xf32, #tpu.memory_space<vmem>>) target(%dma_start3A_225 : memref<4096x32xf32, #tpu.memory_space<vmem_shared>>) offsets(%dma_start3A_222 : memref<112xi32, #tpu.memory_space<vmem>>) semaphore(%arg36 : memref<!tpu.dma_semaphore, #tpu.memory_space<semaphore_mem>>) {add = true}
    %add3A_226 = arith.constant 7 : i32
    %add3A_227 = arith.addi %mul3A_120, %add3A_226 : i32
    %dma_wait3A_228 = arith.constant 0 : i32
    %dma_wait3A_229 = arith.constant 0 : i32
    %dma_wait3A_230 = tpu.memref_slice %arg10[%dma_wait3A_228, %dma_wait3A_229] : memref<8x112xi32, #tpu.memory_space<vmem>> -> memref<1x112xi32, #tpu.memory_space<vmem>>
    %dma_wait3A_231 = tpu.memref_squeeze %dma_wait3A_230 : memref<1x112xi32, #tpu.memory_space<vmem>> -> memref<112xi32, #tpu.memory_space<vmem>>
    %dma_wait3A_232 = arith.constant 0 : i32
    %dma_wait3A_233 = arith.constant 0 : i32
    %dma_wait3A_234 = tpu.memref_slice %arg5[%dma_wait3A_232, %dma_wait3A_233] : memref<28672x32xf32, #tpu.memory_space<hbm>> -> memref<28672x32xf32, #tpu.memory_space<hbm>>
    tpu.wait_indirect_dma semaphore(%arg29 : memref<!tpu.dma_semaphore, #tpu.memory_space<semaphore_mem>>) src(%dma_wait3A_234 : memref<28672x32xf32, #tpu.memory_space<hbm>>) dst(%arg19 : memref<112x32xf32, #tpu.memory_space<vmem>>)
    %dma_start3A_235 = arith.constant 0 : i32
    %dma_start3A_236 = tpu.memref_slice %arg8[%add3A_227, %dma_start3A_235] : memref<8x112xi32, #tpu.memory_space<vmem>> -> memref<1x112xi32, #tpu.memory_space<vmem>>
    %dma_start3A_237 = tpu.memref_squeeze %dma_start3A_236 : memref<1x112xi32, #tpu.memory_space<vmem>> -> memref<112xi32, #tpu.memory_space<vmem>>
    %dma_start3A_238 = arith.constant 0 : i32
    %dma_start3A_239 = arith.constant 0 : i32
    %dma_start3A_240 = tpu.memref_slice %arg20[%dma_start3A_238, %dma_start3A_239] : memref<4096x32xf32, #tpu.memory_space<vmem_shared>> -> memref<4096x32xf32, #tpu.memory_space<vmem_shared>>
    tpu.enqueue_indirect_dma source(%arg19 : memref<112x32xf32, #tpu.memory_space<vmem>>) target(%dma_start3A_240 : memref<4096x32xf32, #tpu.memory_space<vmem_shared>>) offsets(%dma_start3A_237 : memref<112xi32, #tpu.memory_space<vmem>>) semaphore(%arg37 : memref<!tpu.dma_semaphore, #tpu.memory_space<semaphore_mem>>) {add = true}
    %add3A_241 = arith.constant 0 : i32
    %add3A_242 = arith.addi %mul3A_120, %add3A_241 : i32
    %dma_wait3A_243 = arith.constant 0 : i32
    %dma_wait3A_244 = arith.constant 0 : i32
    %dma_wait3A_245 = tpu.memref_slice %arg8[%dma_wait3A_243, %dma_wait3A_244] : memref<8x112xi32, #tpu.memory_space<vmem>> -> memref<1x112xi32, #tpu.memory_space<vmem>>
    %dma_wait3A_246 = tpu.memref_squeeze %dma_wait3A_245 : memref<1x112xi32, #tpu.memory_space<vmem>> -> memref<112xi32, #tpu.memory_space<vmem>>
    %dma_wait3A_247 = arith.constant 0 : i32
    %dma_wait3A_248 = arith.constant 0 : i32
    %dma_wait3A_249 = tpu.memref_slice %arg20[%dma_wait3A_247, %dma_wait3A_248] : memref<4096x32xf32, #tpu.memory_space<vmem_shared>> -> memref<4096x32xf32, #tpu.memory_space<vmem_shared>>
    tpu.wait_indirect_dma semaphore(%arg30 : memref<!tpu.dma_semaphore, #tpu.memory_space<semaphore_mem>>) src(%arg12 : memref<112x32xf32, #tpu.memory_space<vmem>>) dst(%dma_wait3A_249 : memref<4096x32xf32, #tpu.memory_space<vmem_shared>>)
    %add3A_250 = arith.constant 8 : i32
    %add3A_251 = arith.addi %add3A_242, %add3A_250 : i32
    %min3A = arith.constant 7 : i32
    %min3A_252 = arith.minsi %add3A_251, %min3A : i32
    %dma_start3A_253 = arith.constant 0 : i32
    %dma_start3A_254 = tpu.memref_slice %arg10[%min3A_252, %dma_start3A_253] : memref<8x112xi32, #tpu.memory_space<vmem>> -> memref<1x112xi32, #tpu.memory_space<vmem>>
    %dma_start3A_255 = tpu.memref_squeeze %dma_start3A_254 : memref<1x112xi32, #tpu.memory_space<vmem>> -> memref<112xi32, #tpu.memory_space<vmem>>
    %dma_start3A_256 = arith.constant 0 : i32
    %dma_start3A_257 = arith.constant 0 : i32
    %dma_start3A_258 = tpu.memref_slice %arg5[%dma_start3A_256, %dma_start3A_257] : memref<28672x32xf32, #tpu.memory_space<hbm>> -> memref<28672x32xf32, #tpu.memory_space<hbm>>
    tpu.enqueue_indirect_dma source(%dma_start3A_258 : memref<28672x32xf32, #tpu.memory_space<hbm>>) target(%arg12 : memref<112x32xf32, #tpu.memory_space<vmem>>) offsets(%dma_start3A_255 : memref<112xi32, #tpu.memory_space<vmem>>) semaphore(%arg22 : memref<!tpu.dma_semaphore, #tpu.memory_space<semaphore_mem>>)
    %add3A_259 = arith.constant 1 : i32
    %add3A_260 = arith.addi %mul3A_120, %add3A_259 : i32
    %dma_wait3A_261 = arith.constant 0 : i32
    %dma_wait3A_262 = arith.constant 0 : i32
    %dma_wait3A_263 = tpu.memref_slice %arg8[%dma_wait3A_261, %dma_wait3A_262] : memref<8x112xi32, #tpu.memory_space<vmem>> -> memref<1x112xi32, #tpu.memory_space<vmem>>
    %dma_wait3A_264 = tpu.memref_squeeze %dma_wait3A_263 : memref<1x112xi32, #tpu.memory_space<vmem>> -> memref<112xi32, #tpu.memory_space<vmem>>
    %dma_wait3A_265 = arith.constant 0 : i32
    %dma_wait3A_266 = arith.constant 0 : i32
    %dma_wait3A_267 = tpu.memref_slice %arg20[%dma_wait3A_265, %dma_wait3A_266] : memref<4096x32xf32, #tpu.memory_space<vmem_shared>> -> memref<4096x32xf32, #tpu.memory_space<vmem_shared>>
    tpu.wait_indirect_dma semaphore(%arg31 : memref<!tpu.dma_semaphore, #tpu.memory_space<semaphore_mem>>) src(%arg13 : memref<112x32xf32, #tpu.memory_space<vmem>>) dst(%dma_wait3A_267 : memref<4096x32xf32, #tpu.memory_space<vmem_shared>>)
    %add3A_268 = arith.constant 8 : i32
    %add3A_269 = arith.addi %add3A_260, %add3A_268 : i32
    %min3A_270 = arith.constant 7 : i32
    %min3A_271 = arith.minsi %add3A_269, %min3A_270 : i32
    %dma_start3A_272 = arith.constant 0 : i32
    %dma_start3A_273 = tpu.memref_slice %arg10[%min3A_271, %dma_start3A_272] : memref<8x112xi32, #tpu.memory_space<vmem>> -> memref<1x112xi32, #tpu.memory_space<vmem>>
    %dma_start3A_274 = tpu.memref_squeeze %dma_start3A_273 : memref<1x112xi32, #tpu.memory_space<vmem>> -> memref<112xi32, #tpu.memory_space<vmem>>
    %dma_start3A_275 = arith.constant 0 : i32
    %dma_start3A_276 = arith.constant 0 : i32
    %dma_start3A_277 = tpu.memref_slice %arg5[%dma_start3A_275, %dma_start3A_276] : memref<28672x32xf32, #tpu.memory_space<hbm>> -> memref<28672x32xf32, #tpu.memory_space<hbm>>
    tpu.enqueue_indirect_dma source(%dma_start3A_277 : memref<28672x32xf32, #tpu.memory_space<hbm>>) target(%arg13 : memref<112x32xf32, #tpu.memory_space<vmem>>) offsets(%dma_start3A_274 : memref<112xi32, #tpu.memory_space<vmem>>) semaphore(%arg23 : memref<!tpu.dma_semaphore, #tpu.memory_space<semaphore_mem>>)
    %add3A_278 = arith.constant 2 : i32
    %add3A_279 = arith.addi %mul3A_120, %add3A_278 : i32
    %dma_wait3A_280 = arith.constant 0 : i32
    %dma_wait3A_281 = arith.constant 0 : i32
    %dma_wait3A_282 = tpu.memref_slice %arg8[%dma_wait3A_280, %dma_wait3A_281] : memref<8x112xi32, #tpu.memory_space<vmem>> -> memref<1x112xi32, #tpu.memory_space<vmem>>
    %dma_wait3A_283 = tpu.memref_squeeze %dma_wait3A_282 : memref<1x112xi32, #tpu.memory_space<vmem>> -> memref<112xi32, #tpu.memory_space<vmem>>
    %dma_wait3A_284 = arith.constant 0 : i32
    %dma_wait3A_285 = arith.constant 0 : i32
    %dma_wait3A_286 = tpu.memref_slice %arg20[%dma_wait3A_284, %dma_wait3A_285] : memref<4096x32xf32, #tpu.memory_space<vmem_shared>> -> memref<4096x32xf32, #tpu.memory_space<vmem_shared>>
    tpu.wait_indirect_dma semaphore(%arg32 : memref<!tpu.dma_semaphore, #tpu.memory_space<semaphore_mem>>) src(%arg14 : memref<112x32xf32, #tpu.memory_space<vmem>>) dst(%dma_wait3A_286 : memref<4096x32xf32, #tpu.memory_space<vmem_shared>>)
    %add3A_287 = arith.constant 8 : i32
    %add3A_288 = arith.addi %add3A_279, %add3A_287 : i32
    %min3A_289 = arith.constant 7 : i32
    %min3A_290 = arith.minsi %add3A_288, %min3A_289 : i32
    %dma_start3A_291 = arith.constant 0 : i32
    %dma_start3A_292 = tpu.memref_slice %arg10[%min3A_290, %dma_start3A_291] : memref<8x112xi32, #tpu.memory_space<vmem>> -> memref<1x112xi32, #tpu.memory_space<vmem>>
    %dma_start3A_293 = tpu.memref_squeeze %dma_start3A_292 : memref<1x112xi32, #tpu.memory_space<vmem>> -> memref<112xi32, #tpu.memory_space<vmem>>
    %dma_start3A_294 = arith.constant 0 : i32
    %dma_start3A_295 = arith.constant 0 : i32
    %dma_start3A_296 = tpu.memref_slice %arg5[%dma_start3A_294, %dma_start3A_295] : memref<28672x32xf32, #tpu.memory_space<hbm>> -> memref<28672x32xf32, #tpu.memory_space<hbm>>
    tpu.enqueue_indirect_dma source(%dma_start3A_296 : memref<28672x32xf32, #tpu.memory_space<hbm>>) target(%arg14 : memref<112x32xf32, #tpu.memory_space<vmem>>) offsets(%dma_start3A_293 : memref<112xi32, #tpu.memory_space<vmem>>) semaphore(%arg24 : memref<!tpu.dma_semaphore, #tpu.memory_space<semaphore_mem>>)
    %add3A_297 = arith.constant 3 : i32
    %add3A_298 = arith.addi %mul3A_120, %add3A_297 : i32
    %dma_wait3A_299 = arith.constant 0 : i32
    %dma_wait3A_300 = arith.constant 0 : i32
    %dma_wait3A_301 = tpu.memref_slice %arg8[%dma_wait3A_299, %dma_wait3A_300] : memref<8x112xi32, #tpu.memory_space<vmem>> -> memref<1x112xi32, #tpu.memory_space<vmem>>
    %dma_wait3A_302 = tpu.memref_squeeze %dma_wait3A_301 : memref<1x112xi32, #tpu.memory_space<vmem>> -> memref<112xi32, #tpu.memory_space<vmem>>
    %dma_wait3A_303 = arith.constant 0 : i32
    %dma_wait3A_304 = arith.constant 0 : i32
    %dma_wait3A_305 = tpu.memref_slice %arg20[%dma_wait3A_303, %dma_wait3A_304] : memref<4096x32xf32, #tpu.memory_space<vmem_shared>> -> memref<4096x32xf32, #tpu.memory_space<vmem_shared>>
    tpu.wait_indirect_dma semaphore(%arg33 : memref<!tpu.dma_semaphore, #tpu.memory_space<semaphore_mem>>) src(%arg15 : memref<112x32xf32, #tpu.memory_space<vmem>>) dst(%dma_wait3A_305 : memref<4096x32xf32, #tpu.memory_space<vmem_shared>>)
    %add3A_306 = arith.constant 8 : i32
    %add3A_307 = arith.addi %add3A_298, %add3A_306 : i32
    %min3A_308 = arith.constant 7 : i32
    %min3A_309 = arith.minsi %add3A_307, %min3A_308 : i32
    %dma_start3A_310 = arith.constant 0 : i32
    %dma_start3A_311 = tpu.memref_slice %arg10[%min3A_309, %dma_start3A_310] : memref<8x112xi32, #tpu.memory_space<vmem>> -> memref<1x112xi32, #tpu.memory_space<vmem>>
    %dma_start3A_312 = tpu.memref_squeeze %dma_start3A_311 : memref<1x112xi32, #tpu.memory_space<vmem>> -> memref<112xi32, #tpu.memory_space<vmem>>
    %dma_start3A_313 = arith.constant 0 : i32
    %dma_start3A_314 = arith.constant 0 : i32
    %dma_start3A_315 = tpu.memref_slice %arg5[%dma_start3A_313, %dma_start3A_314] : memref<28672x32xf32, #tpu.memory_space<hbm>> -> memref<28672x32xf32, #tpu.memory_space<hbm>>
    tpu.enqueue_indirect_dma source(%dma_start3A_315 : memref<28672x32xf32, #tpu.memory_space<hbm>>) target(%arg15 : memref<112x32xf32, #tpu.memory_space<vmem>>) offsets(%dma_start3A_312 : memref<112xi32, #tpu.memory_space<vmem>>) semaphore(%arg25 : memref<!tpu.dma_semaphore, #tpu.memory_space<semaphore_mem>>)
    %add3A_316 = arith.constant 4 : i32
    %add3A_317 = arith.addi %mul3A_120, %add3A_316 : i32
    %dma_wait3A_318 = arith.constant 0 : i32
    %dma_wait3A_319 = arith.constant 0 : i32
    %dma_wait3A_320 = tpu.memref_slice %arg8[%dma_wait3A_318, %dma_wait3A_319] : memref<8x112xi32, #tpu.memory_space<vmem>> -> memref<1x112xi32, #tpu.memory_space<vmem>>
    %dma_wait3A_321 = tpu.memref_squeeze %dma_wait3A_320 : memref<1x112xi32, #tpu.memory_space<vmem>> -> memref<112xi32, #tpu.memory_space<vmem>>
    %dma_wait3A_322 = arith.constant 0 : i32
    %dma_wait3A_323 = arith.constant 0 : i32
    %dma_wait3A_324 = tpu.memref_slice %arg20[%dma_wait3A_322, %dma_wait3A_323] : memref<4096x32xf32, #tpu.memory_space<vmem_shared>> -> memref<4096x32xf32, #tpu.memory_space<vmem_shared>>
    tpu.wait_indirect_dma semaphore(%arg34 : memref<!tpu.dma_semaphore, #tpu.memory_space<semaphore_mem>>) src(%arg16 : memref<112x32xf32, #tpu.memory_space<vmem>>) dst(%dma_wait3A_324 : memref<4096x32xf32, #tpu.memory_space<vmem_shared>>)
    %add3A_325 = arith.constant 8 : i32
    %add3A_326 = arith.addi %add3A_317, %add3A_325 : i32
    %min3A_327 = arith.constant 7 : i32
    %min3A_328 = arith.minsi %add3A_326, %min3A_327 : i32
    %dma_start3A_329 = arith.constant 0 : i32
    %dma_start3A_330 = tpu.memref_slice %arg10[%min3A_328, %dma_start3A_329] : memref<8x112xi32, #tpu.memory_space<vmem>> -> memref<1x112xi32, #tpu.memory_space<vmem>>
    %dma_start3A_331 = tpu.memref_squeeze %dma_start3A_330 : memref<1x112xi32, #tpu.memory_space<vmem>> -> memref<112xi32, #tpu.memory_space<vmem>>
    %dma_start3A_332 = arith.constant 0 : i32
    %dma_start3A_333 = arith.constant 0 : i32
    %dma_start3A_334 = tpu.memref_slice %arg5[%dma_start3A_332, %dma_start3A_333] : memref<28672x32xf32, #tpu.memory_space<hbm>> -> memref<28672x32xf32, #tpu.memory_space<hbm>>
    tpu.enqueue_indirect_dma source(%dma_start3A_334 : memref<28672x32xf32, #tpu.memory_space<hbm>>) target(%arg16 : memref<112x32xf32, #tpu.memory_space<vmem>>) offsets(%dma_start3A_331 : memref<112xi32, #tpu.memory_space<vmem>>) semaphore(%arg26 : memref<!tpu.dma_semaphore, #tpu.memory_space<semaphore_mem>>)
    %add3A_335 = arith.constant 5 : i32
    %add3A_336 = arith.addi %mul3A_120, %add3A_335 : i32
    %dma_wait3A_337 = arith.constant 0 : i32
    %dma_wait3A_338 = arith.constant 0 : i32
    %dma_wait3A_339 = tpu.memref_slice %arg8[%dma_wait3A_337, %dma_wait3A_338] : memref<8x112xi32, #tpu.memory_space<vmem>> -> memref<1x112xi32, #tpu.memory_space<vmem>>
    %dma_wait3A_340 = tpu.memref_squeeze %dma_wait3A_339 : memref<1x112xi32, #tpu.memory_space<vmem>> -> memref<112xi32, #tpu.memory_space<vmem>>
    %dma_wait3A_341 = arith.constant 0 : i32
    %dma_wait3A_342 = arith.constant 0 : i32
    %dma_wait3A_343 = tpu.memref_slice %arg20[%dma_wait3A_341, %dma_wait3A_342] : memref<4096x32xf32, #tpu.memory_space<vmem_shared>> -> memref<4096x32xf32, #tpu.memory_space<vmem_shared>>
    tpu.wait_indirect_dma semaphore(%arg35 : memref<!tpu.dma_semaphore, #tpu.memory_space<semaphore_mem>>) src(%arg17 : memref<112x32xf32, #tpu.memory_space<vmem>>) dst(%dma_wait3A_343 : memref<4096x32xf32, #tpu.memory_space<vmem_shared>>)
    %add3A_344 = arith.constant 8 : i32
    %add3A_345 = arith.addi %add3A_336, %add3A_344 : i32
    %min3A_346 = arith.constant 7 : i32
    %min3A_347 = arith.minsi %add3A_345, %min3A_346 : i32
    %dma_start3A_348 = arith.constant 0 : i32
    %dma_start3A_349 = tpu.memref_slice %arg10[%min3A_347, %dma_start3A_348] : memref<8x112xi32, #tpu.memory_space<vmem>> -> memref<1x112xi32, #tpu.memory_space<vmem>>
    %dma_start3A_350 = tpu.memref_squeeze %dma_start3A_349 : memref<1x112xi32, #tpu.memory_space<vmem>> -> memref<112xi32, #tpu.memory_space<vmem>>
    %dma_start3A_351 = arith.constant 0 : i32
    %dma_start3A_352 = arith.constant 0 : i32
    %dma_start3A_353 = tpu.memref_slice %arg5[%dma_start3A_351, %dma_start3A_352] : memref<28672x32xf32, #tpu.memory_space<hbm>> -> memref<28672x32xf32, #tpu.memory_space<hbm>>
    tpu.enqueue_indirect_dma source(%dma_start3A_353 : memref<28672x32xf32, #tpu.memory_space<hbm>>) target(%arg17 : memref<112x32xf32, #tpu.memory_space<vmem>>) offsets(%dma_start3A_350 : memref<112xi32, #tpu.memory_space<vmem>>) semaphore(%arg27 : memref<!tpu.dma_semaphore, #tpu.memory_space<semaphore_mem>>)
    %add3A_354 = arith.constant 6 : i32
    %add3A_355 = arith.addi %mul3A_120, %add3A_354 : i32
    %dma_wait3A_356 = arith.constant 0 : i32
    %dma_wait3A_357 = arith.constant 0 : i32
    %dma_wait3A_358 = tpu.memref_slice %arg8[%dma_wait3A_356, %dma_wait3A_357] : memref<8x112xi32, #tpu.memory_space<vmem>> -> memref<1x112xi32, #tpu.memory_space<vmem>>
    %dma_wait3A_359 = tpu.memref_squeeze %dma_wait3A_358 : memref<1x112xi32, #tpu.memory_space<vmem>> -> memref<112xi32, #tpu.memory_space<vmem>>
    %dma_wait3A_360 = arith.constant 0 : i32
    %dma_wait3A_361 = arith.constant 0 : i32
    %dma_wait3A_362 = tpu.memref_slice %arg20[%dma_wait3A_360, %dma_wait3A_361] : memref<4096x32xf32, #tpu.memory_space<vmem_shared>> -> memref<4096x32xf32, #tpu.memory_space<vmem_shared>>
    tpu.wait_indirect_dma semaphore(%arg36 : memref<!tpu.dma_semaphore, #tpu.memory_space<semaphore_mem>>) src(%arg18 : memref<112x32xf32, #tpu.memory_space<vmem>>) dst(%dma_wait3A_362 : memref<4096x32xf32, #tpu.memory_space<vmem_shared>>)
    %add3A_363 = arith.constant 8 : i32
    %add3A_364 = arith.addi %add3A_355, %add3A_363 : i32
    %min3A_365 = arith.constant 7 : i32
    %min3A_366 = arith.minsi %add3A_364, %min3A_365 : i32
    %dma_start3A_367 = arith.constant 0 : i32
    %dma_start3A_368 = tpu.memref_slice %arg10[%min3A_366, %dma_start3A_367] : memref<8x112xi32, #tpu.memory_space<vmem>> -> memref<1x112xi32, #tpu.memory_space<vmem>>
    %dma_start3A_369 = tpu.memref_squeeze %dma_start3A_368 : memref<1x112xi32, #tpu.memory_space<vmem>> -> memref<112xi32, #tpu.memory_space<vmem>>
    %dma_start3A_370 = arith.constant 0 : i32
    %dma_start3A_371 = arith.constant 0 : i32
    %dma_start3A_372 = tpu.memref_slice %arg5[%dma_start3A_370, %dma_start3A_371] : memref<28672x32xf32, #tpu.memory_space<hbm>> -> memref<28672x32xf32, #tpu.memory_space<hbm>>
    tpu.enqueue_indirect_dma source(%dma_start3A_372 : memref<28672x32xf32, #tpu.memory_space<hbm>>) target(%arg18 : memref<112x32xf32, #tpu.memory_space<vmem>>) offsets(%dma_start3A_369 : memref<112xi32, #tpu.memory_space<vmem>>) semaphore(%arg28 : memref<!tpu.dma_semaphore, #tpu.memory_space<semaphore_mem>>)
    %add3A_373 = arith.constant 7 : i32
    %add3A_374 = arith.addi %mul3A_120, %add3A_373 : i32
    %dma_wait3A_375 = arith.constant 0 : i32
    %dma_wait3A_376 = arith.constant 0 : i32
    %dma_wait3A_377 = tpu.memref_slice %arg8[%dma_wait3A_375, %dma_wait3A_376] : memref<8x112xi32, #tpu.memory_space<vmem>> -> memref<1x112xi32, #tpu.memory_space<vmem>>
    %dma_wait3A_378 = tpu.memref_squeeze %dma_wait3A_377 : memref<1x112xi32, #tpu.memory_space<vmem>> -> memref<112xi32, #tpu.memory_space<vmem>>
    %dma_wait3A_379 = arith.constant 0 : i32
    %dma_wait3A_380 = arith.constant 0 : i32
    %dma_wait3A_381 = tpu.memref_slice %arg20[%dma_wait3A_379, %dma_wait3A_380] : memref<4096x32xf32, #tpu.memory_space<vmem_shared>> -> memref<4096x32xf32, #tpu.memory_space<vmem_shared>>
    tpu.wait_indirect_dma semaphore(%arg37 : memref<!tpu.dma_semaphore, #tpu.memory_space<semaphore_mem>>) src(%arg19 : memref<112x32xf32, #tpu.memory_space<vmem>>) dst(%dma_wait3A_381 : memref<4096x32xf32, #tpu.memory_space<vmem_shared>>)
    %add3A_382 = arith.constant 8 : i32
    %add3A_383 = arith.addi %add3A_374, %add3A_382 : i32
    %min3A_384 = arith.constant 7 : i32
    %min3A_385 = arith.minsi %add3A_383, %min3A_384 : i32
    %dma_start3A_386 = arith.constant 0 : i32
    %dma_start3A_387 = tpu.memref_slice %arg10[%min3A_385, %dma_start3A_386] : memref<8x112xi32, #tpu.memory_space<vmem>> -> memref<1x112xi32, #tpu.memory_space<vmem>>
    %dma_start3A_388 = tpu.memref_squeeze %dma_start3A_387 : memref<1x112xi32, #tpu.memory_space<vmem>> -> memref<112xi32, #tpu.memory_space<vmem>>
    %dma_start3A_389 = arith.constant 0 : i32
    %dma_start3A_390 = arith.constant 0 : i32
    %dma_start3A_391 = tpu.memref_slice %arg5[%dma_start3A_389, %dma_start3A_390] : memref<28672x32xf32, #tpu.memory_space<hbm>> -> memref<28672x32xf32, #tpu.memory_space<hbm>>
    tpu.enqueue_indirect_dma source(%dma_start3A_391 : memref<28672x32xf32, #tpu.memory_space<hbm>>) target(%arg19 : memref<112x32xf32, #tpu.memory_space<vmem>>) offsets(%dma_start3A_388 : memref<112xi32, #tpu.memory_space<vmem>>) semaphore(%arg29 : memref<!tpu.dma_semaphore, #tpu.memory_space<semaphore_mem>>)
    %scan3A_392 = arith.constant 1 : i32
    %dma_wait3A_393 = arith.constant 0 : i32
    %dma_wait3A_394 = arith.constant 0 : i32
    %dma_wait3A_395 = tpu.memref_slice %arg10[%dma_wait3A_393, %dma_wait3A_394] : memref<8x112xi32, #tpu.memory_space<vmem>> -> memref<1x112xi32, #tpu.memory_space<vmem>>
    %dma_wait3A_396 = tpu.memref_squeeze %dma_wait3A_395 : memref<1x112xi32, #tpu.memory_space<vmem>> -> memref<112xi32, #tpu.memory_space<vmem>>
    %dma_wait3A_397 = arith.constant 0 : i32
    %dma_wait3A_398 = arith.constant 0 : i32
    %dma_wait3A_399 = tpu.memref_slice %arg5[%dma_wait3A_397, %dma_wait3A_398] : memref<28672x32xf32, #tpu.memory_space<hbm>> -> memref<28672x32xf32, #tpu.memory_space<hbm>>
    tpu.wait_indirect_dma semaphore(%arg22 : memref<!tpu.dma_semaphore, #tpu.memory_space<semaphore_mem>>) src(%dma_wait3A_399 : memref<28672x32xf32, #tpu.memory_space<hbm>>) dst(%arg12 : memref<112x32xf32, #tpu.memory_space<vmem>>)
    %dma_wait3A_400 = arith.constant 0 : i32
    %dma_wait3A_401 = arith.constant 0 : i32
    %dma_wait3A_402 = tpu.memref_slice %arg10[%dma_wait3A_400, %dma_wait3A_401] : memref<8x112xi32, #tpu.memory_space<vmem>> -> memref<1x112xi32, #tpu.memory_space<vmem>>
    %dma_wait3A_403 = tpu.memref_squeeze %dma_wait3A_402 : memref<1x112xi32, #tpu.memory_space<vmem>> -> memref<112xi32, #tpu.memory_space<vmem>>
    %dma_wait3A_404 = arith.constant 0 : i32
    %dma_wait3A_405 = arith.constant 0 : i32
    %dma_wait3A_406 = tpu.memref_slice %arg5[%dma_wait3A_404, %dma_wait3A_405] : memref<28672x32xf32, #tpu.memory_space<hbm>> -> memref<28672x32xf32, #tpu.memory_space<hbm>>
    tpu.wait_indirect_dma semaphore(%arg23 : memref<!tpu.dma_semaphore, #tpu.memory_space<semaphore_mem>>) src(%dma_wait3A_406 : memref<28672x32xf32, #tpu.memory_space<hbm>>) dst(%arg13 : memref<112x32xf32, #tpu.memory_space<vmem>>)
    %dma_wait3A_407 = arith.constant 0 : i32
    %dma_wait3A_408 = arith.constant 0 : i32
    %dma_wait3A_409 = tpu.memref_slice %arg10[%dma_wait3A_407, %dma_wait3A_408] : memref<8x112xi32, #tpu.memory_space<vmem>> -> memref<1x112xi32, #tpu.memory_space<vmem>>
    %dma_wait3A_410 = tpu.memref_squeeze %dma_wait3A_409 : memref<1x112xi32, #tpu.memory_space<vmem>> -> memref<112xi32, #tpu.memory_space<vmem>>
    %dma_wait3A_411 = arith.constant 0 : i32
    %dma_wait3A_412 = arith.constant 0 : i32
    %dma_wait3A_413 = tpu.memref_slice %arg5[%dma_wait3A_411, %dma_wait3A_412] : memref<28672x32xf32, #tpu.memory_space<hbm>> -> memref<28672x32xf32, #tpu.memory_space<hbm>>
    tpu.wait_indirect_dma semaphore(%arg24 : memref<!tpu.dma_semaphore, #tpu.memory_space<semaphore_mem>>) src(%dma_wait3A_413 : memref<28672x32xf32, #tpu.memory_space<hbm>>) dst(%arg14 : memref<112x32xf32, #tpu.memory_space<vmem>>)
    %dma_wait3A_414 = arith.constant 0 : i32
    %dma_wait3A_415 = arith.constant 0 : i32
    %dma_wait3A_416 = tpu.memref_slice %arg10[%dma_wait3A_414, %dma_wait3A_415] : memref<8x112xi32, #tpu.memory_space<vmem>> -> memref<1x112xi32, #tpu.memory_space<vmem>>
    %dma_wait3A_417 = tpu.memref_squeeze %dma_wait3A_416 : memref<1x112xi32, #tpu.memory_space<vmem>> -> memref<112xi32, #tpu.memory_space<vmem>>
    %dma_wait3A_418 = arith.constant 0 : i32
    %dma_wait3A_419 = arith.constant 0 : i32
    %dma_wait3A_420 = tpu.memref_slice %arg5[%dma_wait3A_418, %dma_wait3A_419] : memref<28672x32xf32, #tpu.memory_space<hbm>> -> memref<28672x32xf32, #tpu.memory_space<hbm>>
    tpu.wait_indirect_dma semaphore(%arg25 : memref<!tpu.dma_semaphore, #tpu.memory_space<semaphore_mem>>) src(%dma_wait3A_420 : memref<28672x32xf32, #tpu.memory_space<hbm>>) dst(%arg15 : memref<112x32xf32, #tpu.memory_space<vmem>>)
    %dma_wait3A_421 = arith.constant 0 : i32
    %dma_wait3A_422 = arith.constant 0 : i32
    %dma_wait3A_423 = tpu.memref_slice %arg10[%dma_wait3A_421, %dma_wait3A_422] : memref<8x112xi32, #tpu.memory_space<vmem>> -> memref<1x112xi32, #tpu.memory_space<vmem>>
    %dma_wait3A_424 = tpu.memref_squeeze %dma_wait3A_423 : memref<1x112xi32, #tpu.memory_space<vmem>> -> memref<112xi32, #tpu.memory_space<vmem>>
    %dma_wait3A_425 = arith.constant 0 : i32
    %dma_wait3A_426 = arith.constant 0 : i32
    %dma_wait3A_427 = tpu.memref_slice %arg5[%dma_wait3A_425, %dma_wait3A_426] : memref<28672x32xf32, #tpu.memory_space<hbm>> -> memref<28672x32xf32, #tpu.memory_space<hbm>>
    tpu.wait_indirect_dma semaphore(%arg26 : memref<!tpu.dma_semaphore, #tpu.memory_space<semaphore_mem>>) src(%dma_wait3A_427 : memref<28672x32xf32, #tpu.memory_space<hbm>>) dst(%arg16 : memref<112x32xf32, #tpu.memory_space<vmem>>)
    %dma_wait3A_428 = arith.constant 0 : i32
    %dma_wait3A_429 = arith.constant 0 : i32
    %dma_wait3A_430 = tpu.memref_slice %arg10[%dma_wait3A_428, %dma_wait3A_429] : memref<8x112xi32, #tpu.memory_space<vmem>> -> memref<1x112xi32, #tpu.memory_space<vmem>>
    %dma_wait3A_431 = tpu.memref_squeeze %dma_wait3A_430 : memref<1x112xi32, #tpu.memory_space<vmem>> -> memref<112xi32, #tpu.memory_space<vmem>>
    %dma_wait3A_432 = arith.constant 0 : i32
    %dma_wait3A_433 = arith.constant 0 : i32
    %dma_wait3A_434 = tpu.memref_slice %arg5[%dma_wait3A_432, %dma_wait3A_433] : memref<28672x32xf32, #tpu.memory_space<hbm>> -> memref<28672x32xf32, #tpu.memory_space<hbm>>
    tpu.wait_indirect_dma semaphore(%arg27 : memref<!tpu.dma_semaphore, #tpu.memory_space<semaphore_mem>>) src(%dma_wait3A_434 : memref<28672x32xf32, #tpu.memory_space<hbm>>) dst(%arg17 : memref<112x32xf32, #tpu.memory_space<vmem>>)
    %dma_wait3A_435 = arith.constant 0 : i32
    %dma_wait3A_436 = arith.constant 0 : i32
    %dma_wait3A_437 = tpu.memref_slice %arg10[%dma_wait3A_435, %dma_wait3A_436] : memref<8x112xi32, #tpu.memory_space<vmem>> -> memref<1x112xi32, #tpu.memory_space<vmem>>
    %dma_wait3A_438 = tpu.memref_squeeze %dma_wait3A_437 : memref<1x112xi32, #tpu.memory_space<vmem>> -> memref<112xi32, #tpu.memory_space<vmem>>
    %dma_wait3A_439 = arith.constant 0 : i32
    %dma_wait3A_440 = arith.constant 0 : i32
    %dma_wait3A_441 = tpu.memref_slice %arg5[%dma_wait3A_439, %dma_wait3A_440] : memref<28672x32xf32, #tpu.memory_space<hbm>> -> memref<28672x32xf32, #tpu.memory_space<hbm>>
    tpu.wait_indirect_dma semaphore(%arg28 : memref<!tpu.dma_semaphore, #tpu.memory_space<semaphore_mem>>) src(%dma_wait3A_441 : memref<28672x32xf32, #tpu.memory_space<hbm>>) dst(%arg18 : memref<112x32xf32, #tpu.memory_space<vmem>>)
    %dma_wait3A_442 = arith.constant 0 : i32
    %dma_wait3A_443 = arith.constant 0 : i32
    %dma_wait3A_444 = tpu.memref_slice %arg10[%dma_wait3A_442, %dma_wait3A_443] : memref<8x112xi32, #tpu.memory_space<vmem>> -> memref<1x112xi32, #tpu.memory_space<vmem>>
    %dma_wait3A_445 = tpu.memref_squeeze %dma_wait3A_444 : memref<1x112xi32, #tpu.memory_space<vmem>> -> memref<112xi32, #tpu.memory_space<vmem>>
    %dma_wait3A_446 = arith.constant 0 : i32
    %dma_wait3A_447 = arith.constant 0 : i32
    %dma_wait3A_448 = tpu.memref_slice %arg5[%dma_wait3A_446, %dma_wait3A_447] : memref<28672x32xf32, #tpu.memory_space<hbm>> -> memref<28672x32xf32, #tpu.memory_space<hbm>>
    tpu.wait_indirect_dma semaphore(%arg29 : memref<!tpu.dma_semaphore, #tpu.memory_space<semaphore_mem>>) src(%dma_wait3A_448 : memref<28672x32xf32, #tpu.memory_space<hbm>>) dst(%arg19 : memref<112x32xf32, #tpu.memory_space<vmem>>)
    %barrier3A_449 = arith.constant 0 : index
    tpu.barrier barrier_id(%barrier3A_449)
    %mul3A_450 = arith.constant 256 : i32
    %mul3A_451 = arith.muli %arg1, %mul3A_450 : i32
    %mul3A_452 = arith.constant 256 : i32
    %mul3A_453 = arith.muli %arg1, %mul3A_452 : i32
    "tpu.region"() ({
      %run_scoped3A = tpu.sem_alloc : memref<!tpu.dma_semaphore, #tpu.memory_space<semaphore_mem>>
      %dma_start3A_454 = arith.constant 0 : i32
      %dma_start3A_455 = tpu.memref_slice %arg6[%arg0, %mul3A_453, %dma_start3A_454] : memref<2x4096x32xf32, #tpu.memory_space<hbm>> -> memref<1x256x32xf32, #tpu.memory_space<hbm>>
      %dma_start3A_456 = tpu.memref_squeeze %dma_start3A_455 : memref<1x256x32xf32, #tpu.memory_space<hbm>> -> memref<256x32xf32, #tpu.memory_space<hbm>>
      %dma_start3A_457 = arith.constant 0 : i32
      %dma_start3A_458 = tpu.memref_slice %arg20[%mul3A_451, %dma_start3A_457] : memref<4096x32xf32, #tpu.memory_space<vmem_shared>> -> memref<256x32xf32, #tpu.memory_space<vmem_shared>>
      tpu.enqueue_dma source(%dma_start3A_458 : memref<256x32xf32, #tpu.memory_space<vmem_shared>>) target(%dma_start3A_456 : memref<256x32xf32, #tpu.memory_space<hbm>>) target_semaphore(%run_scoped3A : memref<!tpu.dma_semaphore, #tpu.memory_space<semaphore_mem>>)
      %dma_wait3A_459 = arith.constant 0 : i32
      %dma_wait3A_460 = tpu.memref_slice %arg6[%arg0, %mul3A_453, %dma_wait3A_459] : memref<2x4096x32xf32, #tpu.memory_space<hbm>> -> memref<1x256x32xf32, #tpu.memory_space<hbm>>
      %dma_wait3A_461 = tpu.memref_squeeze %dma_wait3A_460 : memref<1x256x32xf32, #tpu.memory_space<hbm>> -> memref<256x32xf32, #tpu.memory_space<hbm>>
      %dma_wait3A_462 = arith.constant 0 : i32
      %dma_wait3A_463 = tpu.memref_slice %arg20[%mul3A_451, %dma_wait3A_462] : memref<4096x32xf32, #tpu.memory_space<vmem_shared>> -> memref<256x32xf32, #tpu.memory_space<vmem_shared>>
      tpu.wait_dma2 semaphore(%run_scoped3A : memref<!tpu.dma_semaphore, #tpu.memory_space<semaphore_mem>>) src(%dma_wait3A_463 : memref<256x32xf32, #tpu.memory_space<vmem_shared>>) dst(%dma_wait3A_461 : memref<256x32xf32, #tpu.memory_space<hbm>>)
      tpu.yield
    }) : () -> ()
    return
  }
}

module attributes {stable_mosaic.version = 14 : i64} {
  func.func @body(%arg0: i32, %arg1: memref<4096x4xf32, #tpu.memory_space<vmem>>, %arg2: memref<4x112xf32, #tpu.memory_space<vmem>>, %arg3: memref<4096x112xf32, #tpu.memory_space<vmem>>) attributes {dimension_semantics = [#tpu.dimension_semantics<arbitrary>], iteration_bounds = array<i64: 8>, scalar_prefetch = 0 : i64, scratch_operands = 0 : i64, tpu.core_type = #tpu.core_type<tc>, window_params = [{transform_indices = @transform_0, window_bounds = array<i64: 4096, 4>}, {pipeline_mode = #tpu.pipeline_mode<synchronous>, transform_indices = @transform_1, window_bounds = array<i64: 4, 112>}, {transform_indices = @transform_2, window_bounds = array<i64: 4096, 112>}]} {
    %get3A = arith.constant 0 : index
    %get3A_0 = arith.constant 0 : index
    %get3A_1 = vector.load %arg1[%get3A, %get3A_0] : memref<4096x4xf32, #tpu.memory_space<vmem>>, vector<4096x4xf32>
    %get3A_2 = arith.constant 0 : index
    %get3A_3 = arith.constant 0 : index
    %get3A_4 = vector.load %arg2[%get3A_2, %get3A_3] : memref<4x112xf32, #tpu.memory_space<vmem>>, vector<4x112xf32>
    %dot_general3A = arith.constant dense<0.000000e+00> : vector<4096x112xf32>
    %dot_general3A_5 = tpu.matmul %get3A_1, %get3A_4, %dot_general3A {dimension_numbers = #tpu.dot_dimension_numbers<[1], [0], [0], [1], [0, 0, 1, 1], [], []>, transpose_lhs_hint = false} : vector<4096x4xf32>, vector<4x112xf32>, vector<4096x112xf32> -> vector<4096x112xf32>
    %swap3A = arith.constant 0 : index
    %swap3A_6 = arith.constant 0 : index
    %swap3A_7 = vector.load %arg3[%swap3A, %swap3A_6] : memref<4096x112xf32, #tpu.memory_space<vmem>>, vector<4096x112xf32>
    tpu.vector_store %arg3[%swap3A, %swap3A_6], %dot_general3A_5 {strides = array<i32>} : memref<4096x112xf32, #tpu.memory_space<vmem>>, vector<4096x112xf32>,
    return
  }
  func.func @transform_0(%arg0: i32) -> (i32, i32) {
    %c0_i32 = arith.constant 0 : i32
    %c0_i32_0 = arith.constant 0 : i32
    return %arg0, %c0_i32 : i32, i32
  }
  func.func @transform_1(%arg0: i32) -> (i32, i32) {
    %c0_i32 = arith.constant 0 : i32
    %c0_i32_0 = arith.constant 0 : i32
    %c0_i32_1 = arith.constant 0 : i32
    return %c0_i32, %c0_i32_0 : i32, i32
  }
  func.func @transform_2(%arg0: i32) -> (i32, i32) {
    %c0_i32 = arith.constant 0 : i32
    %c0_i32_0 = arith.constant 0 : i32
    return %arg0, %c0_i32 : i32, i32
  }
}

module attributes {stable_mosaic.version = 14 : i64} {
  func.func @body(%arg0: i32, %arg1: memref<2x4096x16xf32, #tpu.memory_space<vmem>>, %arg2: memref<1x16xf32, #tpu.memory_space<vmem>>, %arg3: memref<1x16xf32, #tpu.memory_space<vmem>>, %arg4: memref<1x16xf32, #tpu.memory_space<vmem>>, %arg5: memref<1x16xf32, #tpu.memory_space<vmem>>, %arg6: memref<16x224xf32, #tpu.memory_space<vmem>>, %arg7: memref<512x224xf32, #tpu.memory_space<vmem>>) attributes {dimension_semantics = [#tpu.dimension_semantics<arbitrary>], iteration_bounds = array<i64: 8>, scalar_prefetch = 0 : i64, scratch_operands = 0 : i64, tpu.core_type = #tpu.core_type<tc>, window_params = [{transform_indices = @transform_0, window_bounds = array<i64: 2, 4096, 16>}, {pipeline_mode = #tpu.pipeline_mode<synchronous>, transform_indices = @transform_1, window_bounds = array<i64: 1, 16>}, {pipeline_mode = #tpu.pipeline_mode<synchronous>, transform_indices = @transform_2, window_bounds = array<i64: 1, 16>}, {pipeline_mode = #tpu.pipeline_mode<synchronous>, transform_indices = @transform_3, window_bounds = array<i64: 1, 16>}, {pipeline_mode = #tpu.pipeline_mode<synchronous>, transform_indices = @transform_4, window_bounds = array<i64: 1, 16>}, {pipeline_mode = #tpu.pipeline_mode<synchronous>, transform_indices = @transform_5, window_bounds = array<i64: 16, 224>}, {transform_indices = @transform_6, window_bounds = array<i64: 512, 224>}]} {
    %get3A = arith.constant 0 : index
    %get3A_0 = arith.constant 0 : index
    %get3A_1 = arith.constant 0 : index
    %get3A_2 = vector.load %arg1[%get3A, %get3A_0, %get3A_1] : memref<2x4096x16xf32, #tpu.memory_space<vmem>>, vector<1x4096x16xf32>
    %get3A_3 = vector.shape_cast %get3A_2 : vector<1x4096x16xf32> to vector<4096x16xf32>
    %get3A_4 = arith.constant 1 : index
    %get3A_5 = arith.constant 0 : index
    %get3A_6 = arith.constant 0 : index
    %get3A_7 = vector.load %arg1[%get3A_4, %get3A_5, %get3A_6] : memref<2x4096x16xf32, #tpu.memory_space<vmem>>, vector<1x4096x16xf32>
    %get3A_8 = vector.shape_cast %get3A_7 : vector<1x4096x16xf32> to vector<4096x16xf32>
    %add3A = arith.addf %get3A_3, %get3A_8 : vector<4096x16xf32>
    %get3A_9 = arith.constant 0 : index
    %get3A_10 = arith.constant 0 : index
    %get3A_11 = vector.load %arg2[%get3A_9, %get3A_10] : memref<1x16xf32, #tpu.memory_space<vmem>>, vector<1x16xf32>
    %get3A_12 = arith.constant 0 : index
    %get3A_13 = arith.constant 0 : index
    %get3A_14 = vector.load %arg5[%get3A_12, %get3A_13] : memref<1x16xf32, #tpu.memory_space<vmem>>, vector<1x16xf32>
    %add3A_15 = arith.constant 9.99999974E-6 : f32
    %add3A_16 = vector.broadcast %add3A_15 : f32 to vector<1x16xf32>
    %add3A_17 = arith.addf %get3A_14, %add3A_16 : vector<1x16xf32>
    %rsqrt3A = math.rsqrt %add3A_17 : vector<1x16xf32>
    %mul3A = arith.mulf %get3A_11, %rsqrt3A : vector<1x16xf32>
    %get3A_18 = arith.constant 0 : index
    %get3A_19 = arith.constant 0 : index
    %get3A_20 = vector.load %arg4[%get3A_18, %get3A_19] : memref<1x16xf32, #tpu.memory_space<vmem>>, vector<1x16xf32>
    %sub3A = vector.broadcast %get3A_20 : vector<1x16xf32> to vector<4096x16xf32>
    %sub3A_21 = arith.subf %add3A, %sub3A : vector<4096x16xf32>
    %mul3A_22 = vector.broadcast %mul3A : vector<1x16xf32> to vector<4096x16xf32>
    %mul3A_23 = arith.mulf %mul3A_22, %sub3A_21 : vector<4096x16xf32>
    %get3A_24 = arith.constant 0 : index
    %get3A_25 = arith.constant 0 : index
    %get3A_26 = vector.load %arg3[%get3A_24, %get3A_25] : memref<1x16xf32, #tpu.memory_space<vmem>>, vector<1x16xf32>
    %add3A_27 = vector.broadcast %get3A_26 : vector<1x16xf32> to vector<4096x16xf32>
    %add3A_28 = arith.addf %mul3A_23, %add3A_27 : vector<4096x16xf32>
    %max3A = arith.constant 0.000000e+00 : f32
    %max3A_29 = vector.broadcast %max3A : f32 to vector<4096x16xf32>
    %max3A_30 = arith.maximumf %add3A_28, %max3A_29 : vector<4096x16xf32>
    %reshape3A = vector.shape_cast %max3A_30 : vector<4096x16xf32> to vector<512x8x16xf32>
    %reduce_max3A = arith.constant dense<0xFF800000> : vector<512x16xf32>
    %reduce_max3A_31 = vector.multi_reduction <maximumf>, %reshape3A, %reduce_max3A [1] : vector<512x8x16xf32> to vector<512x16xf32>
    %get3A_32 = arith.constant 0 : index
    %get3A_33 = arith.constant 0 : index
    %get3A_34 = vector.load %arg6[%get3A_32, %get3A_33] : memref<16x224xf32, #tpu.memory_space<vmem>>, vector<16x224xf32>
    %dot_general3A = arith.constant dense<0.000000e+00> : vector<512x224xf32>
    %dot_general3A_35 = tpu.matmul %reduce_max3A_31, %get3A_34, %dot_general3A {dimension_numbers = #tpu.dot_dimension_numbers<[1], [0], [0], [1], [0, 0, 1, 1], [], []>, transpose_lhs_hint = false} : vector<512x16xf32>, vector<16x224xf32>, vector<512x224xf32> -> vector<512x224xf32>
    %swap3A = arith.constant 0 : index
    %swap3A_36 = arith.constant 0 : index
    %swap3A_37 = vector.load %arg7[%swap3A, %swap3A_36] : memref<512x224xf32, #tpu.memory_space<vmem>>, vector<512x224xf32>
    tpu.vector_store %arg7[%swap3A, %swap3A_36], %dot_general3A_35 {strides = array<i32>} : memref<512x224xf32, #tpu.memory_space<vmem>>, vector<512x224xf32>,
    return
  }
  func.func @transform_0(%arg0: i32) -> (i32, i32, i32) {
    %c0_i32 = arith.constant 0 : i32
    %c0_i32_0 = arith.constant 0 : i32
    %c0_i32_1 = arith.constant 0 : i32
    return %c0_i32, %arg0, %c0_i32_0 : i32, i32, i32
  }
  func.func @transform_1(%arg0: i32) -> (i32, i32) {
    %c0_i32 = arith.constant 0 : i32
    %c0_i32_0 = arith.constant 0 : i32
    %c0_i32_1 = arith.constant 0 : i32
    return %c0_i32, %c0_i32_0 : i32, i32
  }
  func.func @transform_2(%arg0: i32) -> (i32, i32) {
    %c0_i32 = arith.constant 0 : i32
    %c0_i32_0 = arith.constant 0 : i32
    %c0_i32_1 = arith.constant 0 : i32
    return %c0_i32, %c0_i32_0 : i32, i32
  }
  func.func @transform_3(%arg0: i32) -> (i32, i32) {
    %c0_i32 = arith.constant 0 : i32
    %c0_i32_0 = arith.constant 0 : i32
    %c0_i32_1 = arith.constant 0 : i32
    return %c0_i32, %c0_i32_0 : i32, i32
  }
  func.func @transform_4(%arg0: i32) -> (i32, i32) {
    %c0_i32 = arith.constant 0 : i32
    %c0_i32_0 = arith.constant 0 : i32
    %c0_i32_1 = arith.constant 0 : i32
    return %c0_i32, %c0_i32_0 : i32, i32
  }
  func.func @transform_5(%arg0: i32) -> (i32, i32) {
    %c0_i32 = arith.constant 0 : i32
    %c0_i32_0 = arith.constant 0 : i32
    %c0_i32_1 = arith.constant 0 : i32
    return %c0_i32, %c0_i32_0 : i32, i32
  }
  func.func @transform_6(%arg0: i32) -> (i32, i32) {
    %c0_i32 = arith.constant 0 : i32
    %c0_i32_0 = arith.constant 0 : i32
    return %arg0, %c0_i32 : i32, i32
  }
}

module attributes {stable_mosaic.version = 14 : i64} {
  func.func @body(%arg0: i32, %arg1: memref<2x4096x32xf32, #tpu.memory_space<vmem>>, %arg2: memref<1x32xf32, #tpu.memory_space<vmem>>, %arg3: memref<1x32xf32, #tpu.memory_space<vmem>>, %arg4: memref<1x32xf32, #tpu.memory_space<vmem>>, %arg5: memref<1x32xf32, #tpu.memory_space<vmem>>, %arg6: memref<32x448xf32, #tpu.memory_space<vmem>>, %arg7: memref<512x448xf32, #tpu.memory_space<vmem>>) attributes {dimension_semantics = [#tpu.dimension_semantics<arbitrary>], iteration_bounds = array<i64: 1>, scalar_prefetch = 0 : i64, scratch_operands = 0 : i64, tpu.core_type = #tpu.core_type<tc>, window_params = [{transform_indices = @transform_0, window_bounds = array<i64: 2, 4096, 32>}, {pipeline_mode = #tpu.pipeline_mode<synchronous>, transform_indices = @transform_1, window_bounds = array<i64: 1, 32>}, {pipeline_mode = #tpu.pipeline_mode<synchronous>, transform_indices = @transform_2, window_bounds = array<i64: 1, 32>}, {pipeline_mode = #tpu.pipeline_mode<synchronous>, transform_indices = @transform_3, window_bounds = array<i64: 1, 32>}, {pipeline_mode = #tpu.pipeline_mode<synchronous>, transform_indices = @transform_4, window_bounds = array<i64: 1, 32>}, {pipeline_mode = #tpu.pipeline_mode<synchronous>, transform_indices = @transform_5, window_bounds = array<i64: 32, 448>}, {transform_indices = @transform_6, window_bounds = array<i64: 512, 448>}]} {
    %get3A = arith.constant 0 : index
    %get3A_0 = arith.constant 0 : index
    %get3A_1 = arith.constant 0 : index
    %get3A_2 = vector.load %arg1[%get3A, %get3A_0, %get3A_1] : memref<2x4096x32xf32, #tpu.memory_space<vmem>>, vector<1x4096x32xf32>
    %get3A_3 = vector.shape_cast %get3A_2 : vector<1x4096x32xf32> to vector<4096x32xf32>
    %get3A_4 = arith.constant 1 : index
    %get3A_5 = arith.constant 0 : index
    %get3A_6 = arith.constant 0 : index
    %get3A_7 = vector.load %arg1[%get3A_4, %get3A_5, %get3A_6] : memref<2x4096x32xf32, #tpu.memory_space<vmem>>, vector<1x4096x32xf32>
    %get3A_8 = vector.shape_cast %get3A_7 : vector<1x4096x32xf32> to vector<4096x32xf32>
    %add3A = arith.addf %get3A_3, %get3A_8 : vector<4096x32xf32>
    %get3A_9 = arith.constant 0 : index
    %get3A_10 = arith.constant 0 : index
    %get3A_11 = vector.load %arg2[%get3A_9, %get3A_10] : memref<1x32xf32, #tpu.memory_space<vmem>>, vector<1x32xf32>
    %get3A_12 = arith.constant 0 : index
    %get3A_13 = arith.constant 0 : index
    %get3A_14 = vector.load %arg5[%get3A_12, %get3A_13] : memref<1x32xf32, #tpu.memory_space<vmem>>, vector<1x32xf32>
    %add3A_15 = arith.constant 9.99999974E-6 : f32
    %add3A_16 = vector.broadcast %add3A_15 : f32 to vector<1x32xf32>
    %add3A_17 = arith.addf %get3A_14, %add3A_16 : vector<1x32xf32>
    %rsqrt3A = math.rsqrt %add3A_17 : vector<1x32xf32>
    %mul3A = arith.mulf %get3A_11, %rsqrt3A : vector<1x32xf32>
    %get3A_18 = arith.constant 0 : index
    %get3A_19 = arith.constant 0 : index
    %get3A_20 = vector.load %arg4[%get3A_18, %get3A_19] : memref<1x32xf32, #tpu.memory_space<vmem>>, vector<1x32xf32>
    %sub3A = vector.broadcast %get3A_20 : vector<1x32xf32> to vector<4096x32xf32>
    %sub3A_21 = arith.subf %add3A, %sub3A : vector<4096x32xf32>
    %mul3A_22 = vector.broadcast %mul3A : vector<1x32xf32> to vector<4096x32xf32>
    %mul3A_23 = arith.mulf %mul3A_22, %sub3A_21 : vector<4096x32xf32>
    %get3A_24 = arith.constant 0 : index
    %get3A_25 = arith.constant 0 : index
    %get3A_26 = vector.load %arg3[%get3A_24, %get3A_25] : memref<1x32xf32, #tpu.memory_space<vmem>>, vector<1x32xf32>
    %add3A_27 = vector.broadcast %get3A_26 : vector<1x32xf32> to vector<4096x32xf32>
    %add3A_28 = arith.addf %mul3A_23, %add3A_27 : vector<4096x32xf32>
    %max3A = arith.constant 0.000000e+00 : f32
    %max3A_29 = vector.broadcast %max3A : f32 to vector<4096x32xf32>
    %max3A_30 = arith.maximumf %add3A_28, %max3A_29 : vector<4096x32xf32>
    %reshape3A = vector.shape_cast %max3A_30 : vector<4096x32xf32> to vector<512x8x32xf32>
    %reduce_max3A = arith.constant dense<0xFF800000> : vector<512x32xf32>
    %reduce_max3A_31 = vector.multi_reduction <maximumf>, %reshape3A, %reduce_max3A [1] : vector<512x8x32xf32> to vector<512x32xf32>
    %get3A_32 = arith.constant 0 : index
    %get3A_33 = arith.constant 0 : index
    %get3A_34 = vector.load %arg6[%get3A_32, %get3A_33] : memref<32x448xf32, #tpu.memory_space<vmem>>, vector<32x448xf32>
    %dot_general3A = arith.constant dense<0.000000e+00> : vector<512x448xf32>
    %dot_general3A_35 = tpu.matmul %reduce_max3A_31, %get3A_34, %dot_general3A {dimension_numbers = #tpu.dot_dimension_numbers<[1], [0], [0], [1], [0, 0, 1, 1], [], []>, transpose_lhs_hint = false} : vector<512x32xf32>, vector<32x448xf32>, vector<512x448xf32> -> vector<512x448xf32>
    %swap3A = arith.constant 0 : index
    %swap3A_36 = arith.constant 0 : index
    %swap3A_37 = vector.load %arg7[%swap3A, %swap3A_36] : memref<512x448xf32, #tpu.memory_space<vmem>>, vector<512x448xf32>
    tpu.vector_store %arg7[%swap3A, %swap3A_36], %dot_general3A_35 {strides = array<i32>} : memref<512x448xf32, #tpu.memory_space<vmem>>, vector<512x448xf32>,
    return
  }
  func.func @transform_0(%arg0: i32) -> (i32, i32, i32) {
    %c0_i32 = arith.constant 0 : i32
    %c0_i32_0 = arith.constant 0 : i32
    %c0_i32_1 = arith.constant 0 : i32
    return %c0_i32, %arg0, %c0_i32_0 : i32, i32, i32
  }
  func.func @transform_1(%arg0: i32) -> (i32, i32) {
    %c0_i32 = arith.constant 0 : i32
    %c0_i32_0 = arith.constant 0 : i32
    %c0_i32_1 = arith.constant 0 : i32
    return %c0_i32, %c0_i32_0 : i32, i32
  }
  func.func @transform_2(%arg0: i32) -> (i32, i32) {
    %c0_i32 = arith.constant 0 : i32
    %c0_i32_0 = arith.constant 0 : i32
    %c0_i32_1 = arith.constant 0 : i32
    return %c0_i32, %c0_i32_0 : i32, i32
  }
  func.func @transform_3(%arg0: i32) -> (i32, i32) {
    %c0_i32 = arith.constant 0 : i32
    %c0_i32_0 = arith.constant 0 : i32
    %c0_i32_1 = arith.constant 0 : i32
    return %c0_i32, %c0_i32_0 : i32, i32
  }
  func.func @transform_4(%arg0: i32) -> (i32, i32) {
    %c0_i32 = arith.constant 0 : i32
    %c0_i32_0 = arith.constant 0 : i32
    %c0_i32_1 = arith.constant 0 : i32
    return %c0_i32, %c0_i32_0 : i32, i32
  }
  func.func @transform_5(%arg0: i32) -> (i32, i32) {
    %c0_i32 = arith.constant 0 : i32
    %c0_i32_0 = arith.constant 0 : i32
    %c0_i32_1 = arith.constant 0 : i32
    return %c0_i32, %c0_i32_0 : i32, i32
  }
  func.func @transform_6(%arg0: i32) -> (i32, i32) {
    %c0_i32 = arith.constant 0 : i32
    %c0_i32_0 = arith.constant 0 : i32
    return %arg0, %c0_i32 : i32, i32
  }
}

module attributes {stable_mosaic.version = 14 : i64} {
  func.func @body(%arg0: memref<2x512x64xf32, #tpu.memory_space<vmem>>, %arg1: memref<1x64xf32, #tpu.memory_space<vmem>>, %arg2: memref<1x64xf32, #tpu.memory_space<vmem>>, %arg3: memref<1x64xf32, #tpu.memory_space<vmem>>, %arg4: memref<1x64xf32, #tpu.memory_space<vmem>>, %arg5: memref<64x8192xf32, #tpu.memory_space<vmem>>, %arg6: memref<1x128xf32, #tpu.memory_space<vmem>>, %arg7: memref<1x128xf32, #tpu.memory_space<vmem>>, %arg8: memref<1x128xf32, #tpu.memory_space<vmem>>, %arg9: memref<1x128xf32, #tpu.memory_space<vmem>>, %arg10: memref<128x40xf32, #tpu.memory_space<vmem>>, %arg11: memref<1x40xf32, #tpu.memory_space<vmem>>, %arg12: memref<1x40xf32, #tpu.memory_space<vmem>>) attributes {dimension_semantics = [], scalar_prefetch = 0 : i64, scratch_operands = 0 : i64, tpu.core_type = #tpu.core_type<tc>} {
    %get3A = arith.constant 0 : index
    %get3A_0 = arith.constant 0 : index
    %get3A_1 = arith.constant 0 : index
    %get3A_2 = vector.load %arg0[%get3A, %get3A_0, %get3A_1] : memref<2x512x64xf32, #tpu.memory_space<vmem>>, vector<1x512x64xf32>
    %get3A_3 = vector.shape_cast %get3A_2 : vector<1x512x64xf32> to vector<512x64xf32>
    %get3A_4 = arith.constant 1 : index
    %get3A_5 = arith.constant 0 : index
    %get3A_6 = arith.constant 0 : index
    %get3A_7 = vector.load %arg0[%get3A_4, %get3A_5, %get3A_6] : memref<2x512x64xf32, #tpu.memory_space<vmem>>, vector<1x512x64xf32>
    %get3A_8 = vector.shape_cast %get3A_7 : vector<1x512x64xf32> to vector<512x64xf32>
    %add3A = arith.addf %get3A_3, %get3A_8 : vector<512x64xf32>
    %get3A_9 = arith.constant 0 : index
    %get3A_10 = arith.constant 0 : index
    %get3A_11 = vector.load %arg1[%get3A_9, %get3A_10] : memref<1x64xf32, #tpu.memory_space<vmem>>, vector<1x64xf32>
    %get3A_12 = arith.constant 0 : index
    %get3A_13 = arith.constant 0 : index
    %get3A_14 = vector.load %arg4[%get3A_12, %get3A_13] : memref<1x64xf32, #tpu.memory_space<vmem>>, vector<1x64xf32>
    %add3A_15 = arith.constant 9.99999974E-6 : f32
    %add3A_16 = vector.broadcast %add3A_15 : f32 to vector<1x64xf32>
    %add3A_17 = arith.addf %get3A_14, %add3A_16 : vector<1x64xf32>
    %rsqrt3A = math.rsqrt %add3A_17 : vector<1x64xf32>
    %mul3A = arith.mulf %get3A_11, %rsqrt3A : vector<1x64xf32>
    %get3A_18 = arith.constant 0 : index
    %get3A_19 = arith.constant 0 : index
    %get3A_20 = vector.load %arg3[%get3A_18, %get3A_19] : memref<1x64xf32, #tpu.memory_space<vmem>>, vector<1x64xf32>
    %sub3A = vector.broadcast %get3A_20 : vector<1x64xf32> to vector<512x64xf32>
    %sub3A_21 = arith.subf %add3A, %sub3A : vector<512x64xf32>
    %mul3A_22 = vector.broadcast %mul3A : vector<1x64xf32> to vector<512x64xf32>
    %mul3A_23 = arith.mulf %mul3A_22, %sub3A_21 : vector<512x64xf32>
    %get3A_24 = arith.constant 0 : index
    %get3A_25 = arith.constant 0 : index
    %get3A_26 = vector.load %arg2[%get3A_24, %get3A_25] : memref<1x64xf32, #tpu.memory_space<vmem>>, vector<1x64xf32>
    %add3A_27 = vector.broadcast %get3A_26 : vector<1x64xf32> to vector<512x64xf32>
    %add3A_28 = arith.addf %mul3A_23, %add3A_27 : vector<512x64xf32>
    %max3A = arith.constant 0.000000e+00 : f32
    %max3A_29 = vector.broadcast %max3A : f32 to vector<512x64xf32>
    %max3A_30 = arith.maximumf %add3A_28, %max3A_29 : vector<512x64xf32>
    %reshape3A = vector.shape_cast %max3A_30 : vector<512x64xf32> to vector<64x8x64xf32>
    %reduce_max3A = arith.constant dense<0xFF800000> : vector<64x64xf32>
    %reduce_max3A_31 = vector.multi_reduction <maximumf>, %reshape3A, %reduce_max3A [1] : vector<64x8x64xf32> to vector<64x64xf32>
    %get3A_32 = arith.constant 0 : index
    %get3A_33 = arith.constant 0 : index
    %get3A_34 = vector.load %arg5[%get3A_32, %get3A_33] : memref<64x8192xf32, #tpu.memory_space<vmem>>, vector<64x8192xf32>
    %dot_general3A = arith.constant dense<0.000000e+00> : vector<64x8192xf32>
    %dot_general3A_35 = tpu.matmul %reduce_max3A_31, %get3A_34, %dot_general3A {dimension_numbers = #tpu.dot_dimension_numbers<[1], [0], [0], [1], [0, 0, 1, 1], [], []>, transpose_lhs_hint = false} : vector<64x64xf32>, vector<64x8192xf32>, vector<64x8192xf32> -> vector<64x8192xf32>
    %iota3A = tpu.iota {dimensions = array<i32: 0>} : vector<64x8192xi32>
    %iota3A_36 = tpu.iota {dimensions = array<i32: 1>} : vector<64x8192xi32>
    %jit3A = arith.constant 128 : i32
    %div3A = vector.broadcast %jit3A : i32 to vector<64x8192xi32>
    %div3A_37 = arith.divsi %iota3A_36, %div3A : vector<64x8192xi32>
    %sign3A = arith.constant 0 : i32
    %sign3A_38 = vector.broadcast %sign3A : i32 to vector<64x8192xi32>
    %sign3A_39 = arith.cmpi sgt, %iota3A_36, %sign3A_38 : vector<64x8192xi32>
    %sign3A_40 = arith.extui %sign3A_39 : vector<64x8192xi1> to vector<64x8192xi32>
    %sign3A_41 = arith.constant 0 : i32
    %sign3A_42 = vector.broadcast %sign3A_41 : i32 to vector<64x8192xi32>
    %sign3A_43 = arith.cmpi slt, %iota3A_36, %sign3A_42 : vector<64x8192xi32>
    %sign3A_44 = arith.extui %sign3A_43 : vector<64x8192xi1> to vector<64x8192xi32>
    %sign3A_45 = arith.subi %sign3A_40, %sign3A_44 : vector<64x8192xi32>
    %sign3A_46 = arith.constant 0 : i32
    %sign3A_47 = arith.cmpi sgt, %jit3A, %sign3A_46 : i32
    %sign3A_48 = arith.extui %sign3A_47 : i1 to i32
    %sign3A_49 = arith.constant 0 : i32
    %sign3A_50 = arith.cmpi slt, %jit3A, %sign3A_49 : i32
    %sign3A_51 = arith.extui %sign3A_50 : i1 to i32
    %sign3A_52 = arith.subi %sign3A_48, %sign3A_51 : i32
    %ne3A = vector.broadcast %sign3A_52 : i32 to vector<64x8192xi32>
    %ne3A_53 = arith.cmpi ne, %sign3A_45, %ne3A : vector<64x8192xi32>
    %rem3A = vector.broadcast %jit3A : i32 to vector<64x8192xi32>
    %rem3A_54 = arith.remsi %iota3A_36, %rem3A : vector<64x8192xi32>
    %ne3A_55 = arith.constant 0 : i32
    %ne3A_56 = vector.broadcast %ne3A_55 : i32 to vector<64x8192xi32>
    %ne3A_57 = arith.cmpi ne, %rem3A_54, %ne3A_56 : vector<64x8192xi32>
    %and3A = arith.andi %ne3A_53, %ne3A_57 : vector<64x8192xi1>
    %sub3A_58 = arith.constant 1 : i32
    %sub3A_59 = vector.broadcast %sub3A_58 : i32 to vector<64x8192xi32>
    %sub3A_60 = arith.subi %div3A_37, %sub3A_59 : vector<64x8192xi32>
    %select_n3A = arith.select %and3A, %sub3A_60, %div3A_37 : vector<64x8192xi1>, vector<64x8192xi32>
    %eq3A = arith.cmpi eq, %iota3A, %select_n3A : vector<64x8192xi32>
    %jit3A_61 = arith.constant 0.000000e+00 : f32
    %broadcast_in_dim3A = vector.broadcast %jit3A_61 : f32 to vector<64x8192xf32>
    %select_n3A_62 = arith.select %eq3A, %dot_general3A_35, %broadcast_in_dim3A : vector<64x8192xi1>, vector<64x8192xf32>
    %broadcast_in_dim3A_63 = arith.constant 1.000000e+00 : f32
    %broadcast_in_dim3A_64 = vector.broadcast %broadcast_in_dim3A_63 : f32 to vector<1x64xf32>
    %dot_general3A_65 = arith.constant dense<0.000000e+00> : vector<1x8192xf32>
    %dot_general3A_66 = tpu.matmul %broadcast_in_dim3A_64, %select_n3A_62, %dot_general3A_65 {dimension_numbers = #tpu.dot_dimension_numbers<[1], [0], [0], [1], [0, 0, 1, 1], [], []>, transpose_lhs_hint = false} : vector<1x64xf32>, vector<64x8192xf32>, vector<1x8192xf32> -> vector<1x8192xf32>
    %iota3A_67 = tpu.iota {dimensions = array<i32: 0>} : vector<8192x128xi32>
    %iota3A_68 = tpu.iota {dimensions = array<i32: 1>} : vector<8192x128xi32>
    %jit3A_69 = arith.constant 128 : i32
    %eq3A_70 = arith.constant 0 : i32
    %eq3A_71 = arith.cmpi eq, %jit3A_69, %eq3A_70 : i32
    %jit3A_72 = arith.constant 1 : i32
    %select_n3A_73 = arith.select %eq3A_71, %jit3A_72, %jit3A_69 : i32
    %rem3A_74 = vector.broadcast %select_n3A_73 : i32 to vector<8192x128xi32>
    %rem3A_75 = arith.remsi %iota3A_67, %rem3A_74 : vector<8192x128xi32>
    %ne3A_76 = arith.constant 0 : i32
    %ne3A_77 = vector.broadcast %ne3A_76 : i32 to vector<8192x128xi32>
    %ne3A_78 = arith.cmpi ne, %rem3A_75, %ne3A_77 : vector<8192x128xi32>
    %lt3A = arith.constant 0 : i32
    %lt3A_79 = vector.broadcast %lt3A : i32 to vector<8192x128xi32>
    %lt3A_80 = arith.cmpi slt, %rem3A_75, %lt3A_79 : vector<8192x128xi32>
    %lt3A_81 = arith.constant 0 : i32
    %lt3A_82 = arith.cmpi slt, %select_n3A_73, %lt3A_81 : i32
    %ne3A_83 = vector.broadcast %lt3A_82 : i1 to vector<8192x128xi1>
    %ne3A_84 = vector.broadcast %ne3A_83 : vector<8192x128xi1> to vector<8192x128xi1>
    %ne3A_85 = arith.xori %lt3A_80, %ne3A_84 : vector<8192x128xi1>
    %and3A_86 = arith.andi %ne3A_85, %ne3A_78 : vector<8192x128xi1>
    %add3A_87 = vector.broadcast %select_n3A_73 : i32 to vector<8192x128xi32>
    %add3A_88 = arith.addi %rem3A_75, %add3A_87 : vector<8192x128xi32>
    %select_n3A_89 = arith.select %and3A_86, %add3A_88, %rem3A_75 : vector<8192x128xi1>, vector<8192x128xi32>
    %eq3A_90 = arith.cmpi eq, %select_n3A_89, %iota3A_68 : vector<8192x128xi32>
    %convert_element_type3A = arith.extui %eq3A_90 : vector<8192x128xi1> to vector<8192x128xi32>
    %convert_element_type3A_91 = arith.sitofp %convert_element_type3A : vector<8192x128xi32> to vector<8192x128xf32>
    %dot_general3A_92 = arith.constant dense<0.000000e+00> : vector<1x128xf32>
    %dot_general3A_93 = tpu.matmul %dot_general3A_66, %convert_element_type3A_91, %dot_general3A_92 {dimension_numbers = #tpu.dot_dimension_numbers<[1], [0], [0], [1], [0, 0, 1, 1], [], []>, transpose_lhs_hint = false} : vector<1x8192xf32>, vector<8192x128xf32>, vector<1x128xf32> -> vector<1x128xf32>
    %get3A_94 = arith.constant 0 : index
    %get3A_95 = arith.constant 0 : index
    %get3A_96 = vector.load %arg6[%get3A_94, %get3A_95] : memref<1x128xf32, #tpu.memory_space<vmem>>, vector<1x128xf32>
    %get3A_97 = arith.constant 0 : index
    %get3A_98 = arith.constant 0 : index
    %get3A_99 = vector.load %arg9[%get3A_97, %get3A_98] : memref<1x128xf32, #tpu.memory_space<vmem>>, vector<1x128xf32>
    %add3A_100 = arith.constant 9.99999974E-6 : f32
    %add3A_101 = vector.broadcast %add3A_100 : f32 to vector<1x128xf32>
    %add3A_102 = arith.addf %get3A_99, %add3A_101 : vector<1x128xf32>
    %rsqrt3A_103 = math.rsqrt %add3A_102 : vector<1x128xf32>
    %mul3A_104 = arith.mulf %get3A_96, %rsqrt3A_103 : vector<1x128xf32>
    %get3A_105 = arith.constant 0 : index
    %get3A_106 = arith.constant 0 : index
    %get3A_107 = vector.load %arg8[%get3A_105, %get3A_106] : memref<1x128xf32, #tpu.memory_space<vmem>>, vector<1x128xf32>
    %sub3A_108 = arith.subf %dot_general3A_93, %get3A_107 : vector<1x128xf32>
    %mul3A_109 = arith.mulf %mul3A_104, %sub3A_108 : vector<1x128xf32>
    %get3A_110 = arith.constant 0 : index
    %get3A_111 = arith.constant 0 : index
    %get3A_112 = vector.load %arg7[%get3A_110, %get3A_111] : memref<1x128xf32, #tpu.memory_space<vmem>>, vector<1x128xf32>
    %add3A_113 = arith.addf %mul3A_109, %get3A_112 : vector<1x128xf32>
    %max3A_114 = arith.constant 0.000000e+00 : f32
    %max3A_115 = vector.broadcast %max3A_114 : f32 to vector<1x128xf32>
    %max3A_116 = arith.maximumf %add3A_113, %max3A_115 : vector<1x128xf32>
    %get3A_117 = arith.constant 0 : index
    %get3A_118 = arith.constant 0 : index
    %get3A_119 = vector.load %arg10[%get3A_117, %get3A_118] : memref<128x40xf32, #tpu.memory_space<vmem>>, vector<128x40xf32>
    %dot_general3A_120 = arith.constant dense<0.000000e+00> : vector<1x40xf32>
    %dot_general3A_121 = tpu.matmul %max3A_116, %get3A_119, %dot_general3A_120 {dimension_numbers = #tpu.dot_dimension_numbers<[1], [0], [0], [1], [0, 0, 1, 1], [], []>, transpose_lhs_hint = false} : vector<1x128xf32>, vector<128x40xf32>, vector<1x40xf32> -> vector<1x40xf32>
    %get3A_122 = arith.constant 0 : index
    %get3A_123 = arith.constant 0 : index
    %get3A_124 = vector.load %arg11[%get3A_122, %get3A_123] : memref<1x40xf32, #tpu.memory_space<vmem>>, vector<1x40xf32>
    %add3A_125 = arith.addf %dot_general3A_121, %get3A_124 : vector<1x40xf32>
    %swap3A = arith.constant 0 : index
    %swap3A_126 = arith.constant 0 : index
    %swap3A_127 = vector.load %arg12[%swap3A, %swap3A_126] : memref<1x40xf32, #tpu.memory_space<vmem>>, vector<1x40xf32>
    tpu.vector_store %arg12[%swap3A, %swap3A_126], %add3A_125 {strides = array<i32>} : memref<1x40xf32, #tpu.memory_space<vmem>>, vector<1x40xf32>,
    return
  }
}

</mosaic_0001>

<sc_bundles>
// kernel: kernel.12.cloned.1.call-start
scs
__scs_entry_jumppad:
0x0: {  	(pc) =	sbr.rel $0x88, $3  }
0x1: {  	(tag) =	ssettag $0x0;
	lr =	simm.s32 $0x1  }
0x2: {  	[smem:$0x3F84] =	sst lr;
	_ =	strace $0xD0000000  }
0x3: {  	_ = 	snop  }
0x4: {  	_ = 	snop  }
0x5: {  	_ = 	snop  }
0x6: {  	_ = 	snop  }
0x7: {  	_ = 	snop  }
__scs_overlays_trampoline_lowered:
0x8: {  	[smem:$0x3F93] =	sst s0  }
0x9: {  	[smem:$0x3F94] =	sst s1  }
0xa: {  	[smem:$0x3F95] =	sst s2  }
0xb: {  	[smem:$0x3F96] =	sst s3  }
0xc: {  	[smem:$0x3F97] =	sst s4  }
0xd: {  	[smem:$0x3F98] =	sst s5  }
0xe: {  	[smem:$0x3F99] =	sst s6  }
0xf: {  	[smem:$0x3F9A] =	sst s7  }
0x10: {  	[smem:$0x3F9B] =	sst s8  }
0x11: {  	[smem:$0x3F9C] =	sst s9;
	s0 =	simm.s32 @!p0 $0x0  }
0x12: {  	s1 =	sld [smem:$0x3F82];
	s0 =	simm.s32 @p0 $0x1  }
0x13: {  	[smem:$0x3F9D] =	sst s0;
	s0 =	simm.s32 @!p1 $0x0  }
0x14: {  	s2 =	sld [smem:$0x3F81];
	s0 =	simm.s32 @p1 $0x1  }
0x15: {  	[smem:$0x3F9E] =	sst s0;
	s0 =	simm.s32 @!p2 $0x0  }
0x16: {  	s3 =	sld [smem:$0x3FDB];
	s0 =	simm.s32 @p2 $0x1  }
0x17: {  	s4 =	simm.s32 $0x1BF5;
	[smem:$0x3FA0] =	sst s0  }
0x18: {  	s0 =	sld [smem:$0x3F83];
	_ =	swait.ge [sflag:s4], $0x0  }
0x19: {  	s7 =	sld [smem:$0x3F84]  }
0x1a: {  	s8 =	sadd.s32 $0xFFFFE003, lr  }
0x1b: {  	s9 =	sadd.s32 $0xFFFFFEF7, lr;
	s5 =	simm.s32 $0xFFFFFFFF;
	p2 =	slt.u32 s8, $0xFFFFF086  }
0x1c: {  	p1 =	slt.u32 s9, $0xF7A;
	s5 =	simm.s32 @!p2 $0x0  }
0x1d: {  	s5 =	simm.s32 @p1 $0x1;
	p0 =	seq.s32 s7, s2  }
0x1e: {  	s7 =	smul.u32 @!p0 $0xF7A, s2;
	p2 =	seq.s32 @!p0 s5, $0x0  }
0x1f: {  	s9 =	smul.u32 $0xF7A, s1;
	s8 =	simm.s32 @!p0 $0x1BF5;
	p2 =	por !p2, p0  }
0x20: {  	[sflag:s8] =	ssyncset.s32 @!p0 $0xFFFFF086;
	s6 =	sadd.s32 @!p0 s3, s7;
	s7 =	simm.s32 @!p0 $0x108  }
0x21: {  	s3 =	sadd.s32 s3, s9;
	s6 =	sadd.s32 @!p0 $0x88, s6;
	s7 =	simm.s32 @p2 $0x1082  }
0x22: {  	[simem:s7], [sflag:s8] =	dma.local @!p0 [hbm:s6], $0xF7A  }
0x23: {  	s9 =	sor.u32 $0xD0000000, s2;
	s6 =	simm.s32 $0x108;
	_ =	swait.ge @!p0 [sflag:s8], $0x0  }
0x24: {  	s3 =	sadd.s32 $0x88, s3;
	s6 =	simm.s32 @!p1 $0x1082;
	[sflag:s4] =	ssyncset.s32 $0xFFFFF086  }
0x25: {  	[simem:s6], [sflag:s4] =	dma.local [hbm:s3], $0xF7A  }
0x26: {  	[smem:$0x3F84] =	sst s1;
	(tag) =	ssettag s2;
	_ =	strace s9  }
0x27: {  	s1 =	sld [smem:$0x3F94]  }
0x28: {  	s2 =	sld [smem:$0x3F95]  }
0x29: {  	s4 =	sld [smem:$0x3F97]  }
0x2a: {  	p0 =	seq.s32 s5, $0x0;
	s5 =	sld [smem:$0x3F98]  }
0x2b: {  	s6 =	sld [smem:$0x3F99]  }
0x2c: {  	s7 =	sld [smem:$0x3F9A]  }
0x2d: {  	s3 =	simm.s32 $0x108;
	s8 =	sld [smem:$0x3F9B]  }
0x2e: {  	s3 =	simm.s32 @!p0 $0x1082;
	s9 =	sld [smem:$0x3F9C]  }
0x2f: {  	lr =	sadd.s32 s0, s3;
	s0 =	sld [smem:$0x3F93]  }
0x30: {  	s3 =	sld [smem:$0x3F96]  }
0x31: {  	[smem:$0x3F9F] =	sst s10  }
0x32: {  	s10 =	sld [smem:$0x3F9D];
	_ =	sdelay $0x3  }
0x33: {  	p0 =	seq.s32 s10, $0x1;
	s10 =	sld [smem:$0x3F9F];
	_ =	sdelay $0x3  }
0x34: {  	[smem:$0x3F9F] =	sst s10  }
0x35: {  	s10 =	sld [smem:$0x3F9E];
	_ =	sdelay $0x3  }
0x36: {  	p1 =	seq.s32 s10, $0x1;
	s10 =	sld [smem:$0x3F9F];
	_ =	sdelay $0x3  }
0x37: {  	[smem:$0x3F9F] =	sst s10  }
0x38: {  	s10 =	sld [smem:$0x3FA0]  }
0x39: {  	_ = 	snop;
	(pc) =	sbr.ind lr, $3  }
0x3a: {  	_ = 	snop  }
0x3b: {  	_ = 	snop  }
0x3c: {  	p2 =	seq.s32 s10, $0x1;
	s10 =	sld [smem:$0x3F9F]  }
0x3d: {  	_ =	shalt  }
0x3e: {  	_ =	shalt  }
0x3f: {  	_ =	shalt  }
0x40: {  	_ =	shalt  }
0x41: {  	_ =	shalt  }
0x42: {  	_ =	shalt  }
0x43: {  	_ =	shalt  }
0x44: {  	_ =	shalt  }
0x45: {  	_ =	shalt  }
0x46: {  	_ =	shalt  }
0x47: {  	_ =	shalt  }
0x48: {  	_ =	shalt  }
0x49: {  	_ =	shalt  }
0x4a: {  	_ =	shalt  }
0x4b: {  	_ =	shalt  }
0x4c: {  	_ =	shalt  }
0x4d: {  	_ =	shalt  }
0x4e: {  	_ =	shalt  }
0x4f: {  	_ =	shalt  }
0x50: {  	_ =	shalt  }
0x51: {  	_ =	shalt  }
0x52: {  	_ =	shalt  }
0x53: {  	_ =	shalt  }
0x54: {  	_ =	shalt  }
0x55: {  	_ =	shalt  }
0x56: {  	_ =	shalt  }
0x57: {  	_ =	shalt  }
0x58: {  	_ =	shalt  }
0x59: {  	_ =	shalt  }
0x5a: {  	_ =	shalt  }
0x5b: {  	_ =	shalt  }
0x5c: {  	_ =	shalt  }
0x5d: {  	_ =	shalt  }
0x5e: {  	_ =	shalt  }
0x5f: {  	_ =	shalt  }
0x60: {  	_ =	shalt  }
0x61: {  	_ =	shalt  }
0x62: {  	_ =	shalt  }
0x63: {  	_ =	shalt  }
0x64: {  	_ =	shalt  }
0x65: {  	_ =	shalt  }
0x66: {  	_ =	shalt  }
0x67: {  	_ =	shalt  }
0x68: {  	_ =	shalt  }
0x69: {  	_ =	shalt  }
0x6a: {  	_ =	shalt  }
0x6b: {  	_ =	shalt  }
0x6c: {  	_ =	shalt  }
0x6d: {  	_ =	shalt  }
0x6e: {  	_ =	shalt  }
0x6f: {  	_ =	shalt  }
0x70: {  	_ =	shalt  }
0x71: {  	_ =	shalt  }
0x72: {  	_ =	shalt  }
0x73: {  	_ =	shalt  }
0x74: {  	_ =	shalt  }
0x75: {  	_ =	shalt  }
0x76: {  	_ =	shalt  }
0x77: {  	_ =	shalt  }
0x78: {  	_ =	shalt  }
0x79: {  	_ =	shalt  }
0x7a: {  	_ =	shalt  }
0x7b: {  	_ =	shalt  }
0x7c: {  	_ =	shalt  }
0x7d: {  	_ =	shalt  }
0x7e: {  	_ =	shalt  }
0x7f: {  	_ =	shalt  }
0x80: {  	_ =	shalt  }
0x81: {  	_ =	shalt  }
0x82: {  	_ =	shalt  }
0x83: {  	_ =	shalt  }
0x84: {  	_ =	shalt  }
0x85: {  	_ =	shalt  }
0x86: {  	_ =	shalt  }
0x87: {  	_ =	shalt  }
.Lfunc_end0:
.L_simem_size_0:
called_computation.1_lowered:
.L_overlay_start_0:
0x88: {  	s2 =	sld [smem:$0x3FD9]  }
0x89: {  	s3 =	sld [smem:$0x3FFE];
	_ =	sdelay $0x1  }
0x8a: {  	s1 =	srdreg.scid  }
0x8b: {  	s0 =	sand.u32 $0x1, s1  }
0x8c: {  	s17 =	sshll.u32 s0, $0xA;
	s2 =	sadd.s32 s3, s2  }
0x8d: {  	s2 =	sadd.s32 s2, s17  }
0x8e: {  	[smem:$0x3FAB] =	sst s2  }
0x8f: {  	_ = 	snop  }
0x90: {  	s2 =	sld [smem:$0x3FC5];
	(tm) =	ssettm $0x1  }
0x91: {  	s18 =	sld [smem:$0x3FFB];
	_ =	sdelay $0x3  }
0x92: {  	_ =	strace s18  }
0x93: {  	s3 =	sld [smem:$0x3FFC];
	_ =	sdelay $0x3  }
0x94: {  	_ =	strace s3  }
0x95: {  	s3 =	sld [smem:$0x3FFD];
	_ =	sdelay $0x3  }
0x96: {  	_ =	strace s3  }
0x97: {  	_ =	strace $0x8FFFFFFF  }
0x98: {  	s19 =	sld [smem:$0x3FDB];
	_ =	sdelay $0x1  }
0x99: {  	s4 =	simm.s32 $_scs_section_size  }
0x9a: {  	s5 =	simm.s32 $_size__tile_overlayer_lowered;
	s6 =	simm.s32 $_tile_overlayer_lowered  }
0x9b: {  	s22 =	simm.s32 $0x1BFF;
	s21 =	sshll.u32 s6, $0x1;
	s3 =	sadd.s32 s4, s19  }
0x9c: {  	s7 =	simm.s32 $0x0;
	s20 =	sshll.u32 s5, $0x1;
	s5 =	sadd.s32 s21, s3  }
0x9d: {  	[timem:s7], [sflag:s22] =	dma.local [hbm:s5], s20  }
0x9e: {  	_ =	swait.ge [sflag:s22], s20  }
0x9f: {  	s4 =	ssub.s32 $0x0, s20;
	[sflag:s22] =	ssyncset.done $0x0  }
0xa0: {  	[sflag:s22] =	ssyncadd.s32 s4;
	_ =	sdelay $0x1  }
0xa1: {  	s23 =	simm.s32 $0x1B8B  }
0xa2: {  	_ =	swait.ge [sflag:s23], $0x1  }
0xa3: {  	[sflag:s23] =	ssyncset.done $0x0  }
0xa4: {  	s25 =	simm.s32 $0x1B8E;
	s24 =	sld [smem:$0x3FFE];
	[sflag:s23] =	ssyncadd.s32 $0xFFFFFFFF  }
0xa5: {  	s26 =	simm.s32 $execute0_lowered;
	[smem:$0x3FD2] =	sst s25  }
0xa6: {  	s5 =	sshll.u32 s26, $0x1;
	_ =	strace $0x80000049;
	[dreg:$0x1] =	wrdreg $0xFFFFFFFF  }
0xa7: {  	s28 =	simm.s32 $_size_execute0_lowered;
	s3 =	sadd.s32 s3, s5;
	[dreg:$0x0] =	wrdreg $0x0  }
0xa8: {  	s5 =	sshll.u32 s28, $0x1;
	[dreg:$0x2] =	wrdreg s3  }
0xa9: {  	[dreg:$0x3] =	wrdreg s5  }
0xaa: {  	[dreg:$0x4] =	wrdreg $0xC0  }
0xab: {  	_ =	task [dreg:s7], $0x5FFFF  }
0xac: {  	[dreg:$0x1] =	wrdreg $0xFFFFFFFF  }
0xad: {  	[dreg:$0x0] =	wrdreg $0x60  }
0xae: {  	[dreg:$0x2] =	wrdreg s24  }
0xaf: {  	[dreg:$0x3] =	wrdreg s2  }
0xb0: {  	[dreg:$0x4] =	wrdreg $0x9E000  }
0xb1: {  	[dreg:$0x5] =	wrdreg $0x9  }
0xb2: {  	_ =	task.clear_ibuf [dreg:s7], $0x6FFFF;
	_ =	strace $0x90000049  }
0xb3: {  	s29 =	simm.s32 $0x9;
	_ =	strace $0x8000004B  }
0xb4: {  	_ =	swait.ge [sflag:s29], $0x1  }
0xb5: {  	[sflag:s29] =	ssyncadd.s32 $0xFFFFFFFF  }
0xb6: {  	_ =	strace $0x9000004B  }
0xb7: {  	_ =	sfence  }
0xb8: {  	s30 =	sld [smem:$0x0];
	_ =	sdelay $0x2  }
0xb9: {  	s31 =	sshll.u32 s1, $0xD;
	s1 =	sshrl.u32 s1, $0x2  }
0xba: {  	s3 =	sand.u32 $0x4000, s31;
	s1 =	sadd.s32 s1, s30  }
0xbb: {  	s0 =	sor.u32 s3, s0;
	s1 =	sshll.u32 s1, $0x11  }
0xbc: {  	s0 =	sor.u32 s1, s0  }
0xbd: {  	s0 =	sadd.s32 $0x8F2B, s0  }
0xbe: {  	[sflag:s0] =	ssyncadd.remote.s32 $0x1  }
0xbf: {  	_ =	sfence.sel $0xFFFF  }
0xc0: {  	[dreg:$0x0] =	wrdreg $0xFFFFFFFF;
	(pc) =	sbr.abs _section_cstart, $3  }
0xc1: {  	[dreg:$0x1] =	wrdreg $0xFFFFFFFF  }
0xc2: {  	_ =	task.clear_ibuf [dreg:s7], $0x2FFFF;
	_ =	strace $0x9FFFFFFF  }
0xc3: {  	(tm) =	ssettm $0x7FFFFFFF  }
tec
execute0_lowered:
.L_overlay_start_1:
0x0: {  	(tag) =	ssettag $0x1  }
0x1: {  	s0 =	rddreg [dreg:$0x0]  }
0x2: {  	s1 =	rddreg [dreg:$0x1];
	s3 =	srdreg.scid  }
0x3: {  	s6 =	stileid.u32;
	s2 =	rddreg [dreg:$0x2]  }
0x4: {  	s5 =	simm.s32 $0x0;
	s14 =	simm.s32 $0x12;
	s15 =	simm.s32 $0x1  }
0x5: {  	s16 =	simm.s32 $0x70;
	s13 =	simm.s32 $0x2;
	s17 =	simm.s32 $0x3  }
0x6: {  	s21 =	simm.s32 $0x4;
	s28 =	simm.s32 $0x6;
	s19 =	simm.s32 $0x7  }
0x7: {  	s10 =	simm.s32 $0x10;
	s18 =	simm.s32 $0x0;
	s29 =	simm.s32 $0x5800  }
0x8: {  	s31 =	simm.s32 $0x6600;
	s12 =	simm.s32 $0x7400;
	s30 =	simm.s32 $0x8200  }
0x9: {  	s11 =	simm.s32 $0x9000;
	s3 =	sand.u32 $0x1, s3;
	s4 =	sshll.u32 s6, $0x1  }
0xa: {  	[smem:$0x7FF] =	sst s5;
	s6 =	sshll.u32 s6, $0xD;
	s5 =	simm.s32 $0xC  }
0xb: {  	s4 =	sor.u32 s3, s4;
	_ =	strace $0x8000004A;
	s24 =	sshll.u32 s3, $0x11  }
0xc: {  	s3 =	ssub.s32 $0x2, s3;
	s23 =	smul.u32 $0x70, s4;
	s8 =	sor.u32 s6, s24  }
0xd: {  	s4 =	sadd.s32 $0x3800, s0;
	s9 =	sshrl.u32 s3, $0x1;
	s24 =	simm.s32 $0x380  }
0xe: {  	s8 =	sshrl.u32 s8, $0x3;
	s3 =	ssub.s32 s3, s9;
	s9 =	simm.s32 $0xF  }
0xf: {  	s7 =	sadd.s32 s23, s0;
	s0 =	sadd.s32 s8, s0;
	s1 =	sadd.s32 s1, s23  }
0x10: {  	s8 =	sadd.s32 s6, s2;
	s26 =	smax.u32 s3, $0x1;
	[dreg:$0x6] =	wrdreg s1  }
0x11: {  	s23 =	simm.s32 $0x9;
	s25 =	sadd.s32 $0xA2600, s7;
	[dreg:$0x8] =	wrdreg s26  }
0x12: {  	s6 =	simm.s32 $0xD;
	s7 =	sadd.s32 $0xA1800, s7;
	[dreg:$0x4] =	wrdreg s25  }
0x13: {  	s3 =	simm.s32 $0x11;
	s0 =	sadd.s32 $0x1F800, s0;
	[dreg:$0x5] =	wrdreg s7  }
0x14: {  	s1 =	simm.s32 $0xD90;
	s26 =	simm.s32 $0x4A00;
	[dreg:$0x7] =	wrdreg s0  }
0x15: {  	v0 =	vimm.f32 $0.0e+00;
	s0 =	simm.s32 $0x5;
	s25 =	simm.s32 $0x8;
	s7 =	simm.s32 $0xE  }
.LBB2_1:
0x16: {  	s20 =	simm.s32 $0x0;
	s22 =	rddreg [dreg:$0x4]  }
0x17: {  	[tilespmem:s20], [sflag:$0x1] =	stream.linear.gather [hbm4b:s22+s20], $0x380, $0x38;
	[tilespmem:$0xBE00] =	vst v63  }
0x18: {  	s22 =	rddreg [dreg:$0x5]  }
0x19: {  	[tilespmem:s24], [sflag:$0x1] =	stream.linear.gather [hbm4b:s22+s20], $0x380, $0x38;
	[tilespmem:$0xBE00] =	vst v63  }
0x1a: {  	s22 =	rddreg [dreg:$0x6];
	s24 =	simm.s32 $0x700  }
0x1b: {  	[tilespmem:s24], [sflag:$0x1] =	stream.linear.gather [hbm4b:s22+s20], $0x380, $0x38;
	[tilespmem:$0xBE00] =	vst v63  }
0x1c: {  	s20 =	simm.s32 $0x80;
	s22 =	simm.s32 $0x0  }
.LBB2_2:
0x1d: {  	p0 =	sne.s32 s20, $0x7F80;
	[tilespmem:s22+$0xE00] =	vst v0;
	s24 =	smov.u32 s20;
	s20 =	sadd.s32 $0x80, s20  }
.Ltmp0:
0x1e: {  	[tilespmem:s22+$0xE10] =	vst v0;
	(pc) =	sbr.rel @p0 .LBB2_2-.Ltmp0, $2  }
0x1f: {  	_ =	sdelay $0x2  }
0x20: {  	s22 =	sshra.s32 s24, $0x2  }
0x21: {  	[tilespmem:s22+$0xE00] =	vst v0  }
0x22: {  	[tilespmem:s22+$0xE10] =	vst v0;
	s20 =	simm.s32 $0xE00  }
0x23: {  	[spmem:s8] =	stream.linear.scatter [tilespmem:s20], [sflag:$0x12], $0x2000, $0x38;
	[tilespmem:$0xBE00] =	vst v63  }
0x24: {  	_ =	swait.ge [sflag:s14], $0x2000  }
0x25: {  	[sflag:s14] =	ssyncset.done $0x0  }
0x26: {  	[sflag:s14] =	ssyncadd.s32 $0xFFFFE000  }
0x27: {  	_ =	swait.ge [sflag:s15], $0x380  }
0x28: {  	[sflag:s15] =	ssyncset.done $0x0  }
0x29: {  	[sflag:s15] =	ssyncadd.s32 $0xFFFFFC80  }
0x2a: {  	_ =	swait.ge [sflag:s15], $0x380  }
0x2b: {  	[sflag:s15] =	ssyncset.done $0x0  }
0x2c: {  	[sflag:s15] =	ssyncadd.s32 $0xFFFFFC80  }
0x2d: {  	_ =	swait.ge [sflag:s15], $0x380  }
0x2e: {  	[sflag:s15] =	ssyncset.done $0x0  }
0x2f: {  	[sflag:s15] =	ssyncadd.s32 $0xFFFFFC80  }
0x30: {  	v1 =	vld [tilespmem:$0x0]  }
0x31: {  	v2 =	vld [tilespmem:$0x700]  }
0x32: {  	v3 =	vld [tilespmem:$0x10]  }
0x33: {  	v4 =	vld [tilespmem:$0x710]  }
0x34: {  	v5 =	vld [tilespmem:$0x20]  }
0x35: {  	v6 =	vld [tilespmem:$0x720]  }
0x36: {  	v7 =	vld [tilespmem:$0x30]  }
0x37: {  	v8 =	vld [tilespmem:$0x730]  }
0x38: {  	v9 =	vld [tilespmem:$0x40]  }
0x39: {  	v10 =	vld [tilespmem:$0x740]  }
0x3a: {  	v11 =	vld [tilespmem:$0x50]  }
0x3b: {  	v12 =	vld [tilespmem:$0x750]  }
0x3c: {  	v13 =	vld [tilespmem:$0x60]  }
0x3d: {  	v14 =	vld [tilespmem:$0x760]  }
0x3e: {  	v15 =	vld [tilespmem:$0x70]  }
0x3f: {  	v16 =	vld [tilespmem:$0x770]  }
0x40: {  	v17 =	vld [tilespmem:$0x80]  }
0x41: {  	v18 =	vld [tilespmem:$0x780]  }
0x42: {  	v19 =	vld [tilespmem:$0x90]  }
0x43: {  	v20 =	vld [tilespmem:$0x790]  }
0x44: {  	v21 =	vld [tilespmem:$0xA0]  }
0x45: {  	v22 =	vld [tilespmem:$0x7A0]  }
0x46: {  	v23 =	vld [tilespmem:$0xB0]  }
0x47: {  	v24 =	vld [tilespmem:$0x7B0]  }
0x48: {  	v25 =	vld [tilespmem:$0xC0]  }
0x49: {  	v26 =	vld [tilespmem:$0x7C0]  }
0x4a: {  	v27 =	vld [tilespmem:$0xD0]  }
0x4b: {  	v28 =	vld [tilespmem:$0x7D0]  }
0x4c: {  	v29 =	vld [tilespmem:$0xE0]  }
0x4d: {  	v30 =	vld [tilespmem:$0x7E0]  }
0x4e: {  	v31 =	vld [tilespmem:$0xF0]  }
0x4f: {  	v32 =	vld [tilespmem:$0x7F0]  }
0x50: {  	v33 =	vld [tilespmem:$0x100]  }
0x51: {  	v34 =	vld [tilespmem:$0x800]  }
0x52: {  	v35 =	vld [tilespmem:$0x110]  }
0x53: {  	v36 =	vld [tilespmem:$0x810]  }
0x54: {  	v37 =	vld [tilespmem:$0x120]  }
0x55: {  	v38 =	vld [tilespmem:$0x820]  }
0x56: {  	v39 =	vld [tilespmem:$0x130]  }
0x57: {  	v40 =	vld [tilespmem:$0x830]  }
0x58: {  	v41 =	vld [tilespmem:$0x140]  }
0x59: {  	v42 =	vld [tilespmem:$0x840]  }
0x5a: {  	v43 =	vld [tilespmem:$0x150]  }
0x5b: {  	v44 =	vld [tilespmem:$0x850]  }
0x5c: {  	v45 =	vld [tilespmem:$0x160]  }
0x5d: {  	v46 =	vld [tilespmem:$0x860]  }
0x5e: {  	v47 =	vld [tilespmem:$0x170]  }
0x5f: {  	v48 =	vld [tilespmem:$0x870]  }
0x60: {  	v49 =	vld [tilespmem:$0x180]  }
0x61: {  	v50 =	vld [tilespmem:$0x880]  }
0x62: {  	v51 =	vld [tilespmem:$0x190]  }
0x63: {  	v52 =	vld [tilespmem:$0x890]  }
0x64: {  	v53 =	vld [tilespmem:$0x1A0]  }
0x65: {  	v54 =	vld [tilespmem:$0x8A0]  }
0x66: {  	v55 =	vld [tilespmem:$0x1B0]  }
0x67: {  	v56 =	vld [tilespmem:$0x8B0]  }
0x68: {  	v57 =	vld [tilespmem:$0x1C0]  }
0x69: {  	v58 =	vld [tilespmem:$0x8C0]  }
0x6a: {  	v59 =	vld [tilespmem:$0x1D0]  }
0x6b: {  	v60 =	vld [tilespmem:$0x8D0];
	v1 =	vmul.u32 $0x7, v1  }
0x6c: {  	v61 =	vld [tilespmem:$0x1E0];
	v3 =	vmul.u32 $0x7, v3  }
0x6d: {  	v62 =	vld [tilespmem:$0x290];
	v1 =	vadd.s32 v2, v1;
	v2 =	vmul.u32 $0x7, v5  }
0x6e: {  	v63 =	vld [tilespmem:$0x990];
	[tilespmem:$0xA80] =	vst v1;
	v1 =	vadd.s32 v4, v3;
	v3 =	vmul.u32 $0x7, v7  }
0x6f: {  	v5 =	vld [tilespmem:$0x8E0];
	[tilespmem:$0xA90] =	vst v1;
	v1 =	vadd.s32 v6, v2;
	v2 =	vmul.u32 $0x7, v9  }
0x70: {  	v4 =	vld [tilespmem:$0x1F0];
	[tilespmem:$0xAA0] =	vst v1;
	v1 =	vadd.s32 v8, v3;
	v3 =	vmul.u32 $0x7, v11  }
0x71: {  	v7 =	vld [tilespmem:$0x200];
	[tilespmem:$0xAB0] =	vst v1;
	v1 =	vadd.s32 v10, v2;
	v2 =	vmul.u32 $0x7, v13  }
0x72: {  	v6 =	vld [tilespmem:$0x8F0];
	[tilespmem:$0xAC0] =	vst v1;
	v1 =	vadd.s32 v12, v3;
	v3 =	vmul.u32 $0x7, v15  }
0x73: {  	v9 =	vld [tilespmem:$0x210];
	[tilespmem:$0xAD0] =	vst v1;
	v1 =	vadd.s32 v14, v2;
	v2 =	vmul.u32 $0x7, v17  }
0x74: {  	v8 =	vld [tilespmem:$0x900];
	[tilespmem:$0xAE0] =	vst v1;
	v1 =	vadd.s32 v16, v3;
	v3 =	vmul.u32 $0x7, v19  }
0x75: {  	v11 =	vld [tilespmem:$0x220];
	[tilespmem:$0xAF0] =	vst v1;
	v1 =	vadd.s32 v18, v2;
	v2 =	vmul.u32 $0x7, v21  }
0x76: {  	v10 =	vld [tilespmem:$0x910];
	[tilespmem:$0xB00] =	vst v1;
	v1 =	vadd.s32 v20, v3;
	v3 =	vmul.u32 $0x7, v23  }
0x77: {  	v13 =	vld [tilespmem:$0x230];
	[tilespmem:$0xB10] =	vst v1;
	v1 =	vadd.s32 v22, v2;
	v2 =	vmul.u32 $0x7, v25  }
0x78: {  	v12 =	vld [tilespmem:$0x920];
	[tilespmem:$0xB20] =	vst v1;
	v1 =	vadd.s32 v24, v3;
	v3 =	vmul.u32 $0x7, v27  }
0x79: {  	v15 =	vld [tilespmem:$0x240];
	[tilespmem:$0xB30] =	vst v1;
	v1 =	vadd.s32 v26, v2;
	v2 =	vmul.u32 $0x7, v29  }
0x7a: {  	v14 =	vld [tilespmem:$0x930];
	[tilespmem:$0xB40] =	vst v1;
	v1 =	vadd.s32 v28, v3;
	v3 =	vmul.u32 $0x7, v31  }
0x7b: {  	v17 =	vld [tilespmem:$0x250];
	[tilespmem:$0xB50] =	vst v1;
	v1 =	vadd.s32 v30, v2;
	v2 =	vmul.u32 $0x7, v33  }
0x7c: {  	v16 =	vld [tilespmem:$0x940];
	[tilespmem:$0xB60] =	vst v1;
	v1 =	vadd.s32 v32, v3;
	v3 =	vmul.u32 $0x7, v35  }
0x7d: {  	v19 =	vld [tilespmem:$0x260];
	[tilespmem:$0xB70] =	vst v1;
	v1 =	vadd.s32 v34, v2;
	v2 =	vmul.u32 $0x7, v37  }
0x7e: {  	v18 =	vld [tilespmem:$0x950];
	[tilespmem:$0xB80] =	vst v1;
	v1 =	vadd.s32 v36, v3;
	v3 =	vmul.u32 $0x7, v39  }
0x7f: {  	v21 =	vld [tilespmem:$0x270];
	[tilespmem:$0xB90] =	vst v1;
	v1 =	vadd.s32 v38, v2;
	v2 =	vmul.u32 $0x7, v41  }
0x80: {  	v20 =	vld [tilespmem:$0x960];
	[tilespmem:$0xBA0] =	vst v1;
	v1 =	vadd.s32 v40, v3;
	v3 =	vmul.u32 $0x7, v43  }
0x81: {  	v23 =	vld [tilespmem:$0x280];
	[tilespmem:$0xBB0] =	vst v1;
	v1 =	vadd.s32 v42, v2;
	v2 =	vmul.u32 $0x7, v45  }
0x82: {  	v22 =	vld [tilespmem:$0x970];
	[tilespmem:$0xBC0] =	vst v1;
	v1 =	vadd.s32 v44, v3;
	v3 =	vmul.u32 $0x7, v47  }
0x83: {  	v24 =	vld [tilespmem:$0x980];
	[tilespmem:$0xBD0] =	vst v1;
	v1 =	vadd.s32 v46, v2;
	v2 =	vmul.u32 $0x7, v49  }
0x84: {  	v37 =	vld [tilespmem:$0x9A0];
	[tilespmem:$0xBE0] =	vst v1;
	v1 =	vadd.s32 v48, v3;
	v3 =	vmul.u32 $0x7, v51  }
0x85: {  	v36 =	vld [tilespmem:$0x2A0];
	[tilespmem:$0xBF0] =	vst v1;
	v1 =	vadd.s32 v50, v2;
	v2 =	vmul.u32 $0x7, v53  }
0x86: {  	v39 =	vld [tilespmem:$0x9B0];
	[tilespmem:$0xC00] =	vst v1;
	v1 =	vadd.s32 v52, v3;
	v3 =	vmul.u32 $0x7, v55  }
0x87: {  	v38 =	vld [tilespmem:$0x2B0];
	[tilespmem:$0xC10] =	vst v1;
	v1 =	vadd.s32 v54, v2;
	v2 =	vmul.u32 $0x7, v57  }
0x88: {  	v41 =	vld [tilespmem:$0x9C0];
	[tilespmem:$0xC20] =	vst v1;
	v1 =	vadd.s32 v56, v3;
	v3 =	vmul.u32 $0x7, v59  }
0x89: {  	v40 =	vld [tilespmem:$0x2C0];
	[tilespmem:$0xC30] =	vst v1;
	v1 =	vadd.s32 v58, v2;
	v2 =	vmul.u32 $0x7, v61  }
0x8a: {  	v43 =	vld [tilespmem:$0x9D0];
	[tilespmem:$0xC40] =	vst v1;
	v1 =	vadd.s32 v60, v3;
	v3 =	vmul.u32 $0x7, v4  }
0x8b: {  	v42 =	vld [tilespmem:$0x2D0];
	[tilespmem:$0xC50] =	vst v1;
	v1 =	vadd.s32 v5, v2;
	v2 =	vmul.u32 $0x7, v7  }
0x8c: {  	v45 =	vld [tilespmem:$0x9E0];
	[tilespmem:$0xC60] =	vst v1;
	v1 =	vadd.s32 v6, v3;
	v3 =	vmul.u32 $0x7, v9  }
0x8d: {  	v44 =	vld [tilespmem:$0x2E0];
	[tilespmem:$0xC70] =	vst v1;
	v1 =	vadd.s32 v8, v2;
	v2 =	vmul.u32 $0x7, v11  }
0x8e: {  	v47 =	vld [tilespmem:$0x9F0];
	[tilespmem:$0xC80] =	vst v1;
	v1 =	vadd.s32 v10, v3;
	v3 =	vmul.u32 $0x7, v13  }
0x8f: {  	v46 =	vld [tilespmem:$0x2F0];
	[tilespmem:$0xC90] =	vst v1;
	v1 =	vadd.s32 v12, v2;
	v2 =	vmul.u32 $0x7, v15  }
0x90: {  	v49 =	vld [tilespmem:$0xA00];
	[tilespmem:$0xCA0] =	vst v1;
	v1 =	vadd.s32 v14, v3;
	v3 =	vmul.u32 $0x7, v17  }
0x91: {  	v48 =	vld [tilespmem:$0x300];
	[tilespmem:$0xCB0] =	vst v1;
	v1 =	vadd.s32 v16, v2;
	v2 =	vmul.u32 $0x7, v19  }
0x92: {  	v51 =	vld [tilespmem:$0xA10];
	[tilespmem:$0xCC0] =	vst v1;
	v1 =	vadd.s32 v18, v3;
	v3 =	vmul.u32 $0x7, v21  }
0x93: {  	v50 =	vld [tilespmem:$0x310];
	[tilespmem:$0xCD0] =	vst v1;
	v1 =	vadd.s32 v20, v2;
	v2 =	vmul.u32 $0x7, v23  }
0x94: {  	v53 =	vld [tilespmem:$0xA20];
	[tilespmem:$0xCE0] =	vst v1;
	v1 =	vadd.s32 v22, v3;
	v3 =	vmul.u32 $0x7, v62  }
0x95: {  	v52 =	vld [tilespmem:$0x320];
	[tilespmem:$0xCF0] =	vst v1;
	v1 =	vadd.s32 v24, v2;
	v2 =	vmul.u32 $0x7, v36  }
0x96: {  	v55 =	vld [tilespmem:$0xA30];
	[tilespmem:$0xD00] =	vst v1;
	v1 =	vadd.s32 v63, v3;
	v3 =	vmul.u32 $0x7, v38  }
0x97: {  	v54 =	vld [tilespmem:$0x330];
	[tilespmem:$0xD10] =	vst v1;
	v1 =	vadd.s32 v37, v2;
	v2 =	vmul.u32 $0x7, v40  }
0x98: {  	v57 =	vld [tilespmem:$0xA40];
	[tilespmem:$0xD20] =	vst v1;
	v1 =	vadd.s32 v39, v3;
	v3 =	vmul.u32 $0x7, v42  }
0x99: {  	v56 =	vld [tilespmem:$0x340];
	[tilespmem:$0xD30] =	vst v1;
	v1 =	vadd.s32 v41, v2;
	v2 =	vmul.u32 $0x7, v44  }
0x9a: {  	v59 =	vld [tilespmem:$0xA50];
	[tilespmem:$0xD40] =	vst v1;
	v1 =	vadd.s32 v43, v3;
	v3 =	vmul.u32 $0x7, v46  }
0x9b: {  	v58 =	vld [tilespmem:$0x350];
	[tilespmem:$0xD50] =	vst v1;
	v1 =	vadd.s32 v45, v2;
	v2 =	vmul.u32 $0x7, v48  }
0x9c: {  	v60 =	vld [tilespmem:$0x360];
	[tilespmem:$0xD60] =	vst v1;
	v1 =	vadd.s32 v47, v3;
	v3 =	vmul.u32 $0x7, v50  }
0x9d: {  	v61 =	vld [tilespmem:$0x370];
	[tilespmem:$0xD70] =	vst v1;
	v1 =	vadd.s32 v49, v2;
	v2 =	vmul.u32 $0x7, v52  }
0x9e: {  	v62 =	vld [tilespmem:$0xA60];
	[tilespmem:$0xD80] =	vst v1;
	v1 =	vadd.s32 v51, v3;
	v3 =	vmul.u32 $0x7, v54  }
0x9f: {  	v63 =	vld [tilespmem:$0xA70];
	[tilespmem:$0xD90] =	vst v1;
	v1 =	vadd.s32 v53, v2;
	v2 =	vmul.u32 $0x7, v56  }
0xa0: {  	[tilespmem:$0xDA0] =	vst v1;
	v1 =	vadd.s32 v55, v3;
	v3 =	vmul.u32 $0x7, v58  }
0xa1: {  	[tilespmem:$0xDB0] =	vst v1;
	v1 =	vadd.s32 v57, v2;
	v2 =	vmul.u32 $0x7, v60  }
0xa2: {  	[tilespmem:$0xDC0] =	vst v1;
	v1 =	vadd.s32 v59, v3;
	v3 =	vmul.u32 $0x7, v61  }
0xa3: {  	[tilespmem:$0xDD0] =	vst v1;
	v1 =	vadd.s32 v62, v2  }
0xa4: {  	[tilespmem:$0xDE0] =	vst v1;
	v1 =	vadd.s32 v63, v3  }
0xa5: {  	[tilespmem:$0xDF0] =	vst v1  }
0xa6: {  	s24 =	simm.s32 $0xA80;
	s22 =	simm.s32 $0x2E00;
	[bflag:$0x0] =	sbarrier.arrive $0xFFFF  }
0xa7: {  	[tilespmem:s22], [sflag:$0x2] =	stream.indirect.gather [hbm4b:s4+s16], $0x20, s24, s16, $0xb8;
	[tilespmem:$0xBE00] =	vst v63  }
0xa8: {  	s20 =	simm.s32 $0xAF0;
	s24 =	simm.s32 $0x3C00  }
0xa9: {  	[tilespmem:s24], [sflag:$0x3] =	stream.indirect.gather [hbm4b:s4+s16], $0x20, s20, s16, $0xb8;
	[tilespmem:$0xBE00] =	vst v63  }
0xaa: {  	s20 =	simm.s32 $0xB60  }
0xab: {  	[tilespmem:s26], [sflag:$0x4] =	stream.indirect.gather [hbm4b:s4+s16], $0x20, s20, s16, $0xb8;
	[tilespmem:$0xBE00] =	vst v63  }
0xac: {  	s20 =	simm.s32 $0xBD0  }
0xad: {  	[tilespmem:s29], [sflag:$0x5] =	stream.indirect.gather [hbm4b:s4+s16], $0x20, s20, s16, $0xb8;
	[tilespmem:$0xBE00] =	vst v63  }
0xae: {  	s20 =	simm.s32 $0xC40  }
0xaf: {  	[tilespmem:s31], [sflag:$0x6] =	stream.indirect.gather [hbm4b:s4+s16], $0x20, s20, s16, $0xb8;
	[tilespmem:$0xBE00] =	vst v63  }
0xb0: {  	s20 =	simm.s32 $0xCB0  }
0xb1: {  	[tilespmem:s12], [sflag:$0x7] =	stream.indirect.gather [hbm4b:s4+s16], $0x20, s20, s16, $0xb8;
	[tilespmem:$0xBE00] =	vst v63  }
0xb2: {  	s20 =	simm.s32 $0xD20  }
0xb3: {  	[tilespmem:s30], [sflag:$0x8] =	stream.indirect.gather [hbm4b:s4+s16], $0x20, s20, s16, $0xb8;
	[tilespmem:$0xBE00] =	vst v63  }
0xb4: {  	_ = 	snop  }
0xb5: {  	[tilespmem:s11], [sflag:$0x9] =	stream.indirect.gather [hbm4b:s4+s16], $0x20, s1, s16, $0xb8;
	[tilespmem:$0xBE00] =	vst v63  }
0xb6: {  	_ =	swait.ge [sflag:s13], $0xE00  }
0xb7: {  	[sflag:s13] =	ssyncset.done $0x0  }
0xb8: {  	s20 =	simm.s32 $0x380;
	[sflag:s13] =	ssyncadd.s32 $0xFFFFF200  }
0xb9: {  	[spmem:s2] =	stream.indirect.scatter.add.f32 [tilespmem:s22], [sflag:$0xA], $0x20, s20, s16, $0xb8;
	[tilespmem:$0xBE00] =	vst v63  }
0xba: {  	_ =	swait.ge [sflag:s17], $0xE00  }
0xbb: {  	[sflag:s17] =	ssyncset.done $0x0  }
0xbc: {  	s20 =	simm.s32 $0x3F0;
	[sflag:s17] =	ssyncadd.s32 $0xFFFFF200  }
0xbd: {  	[spmem:s2] =	stream.indirect.scatter.add.f32 [tilespmem:s24], [sflag:$0xB], $0x20, s20, s16, $0xb8;
	[tilespmem:$0xBE00] =	vst v63  }
0xbe: {  	_ =	swait.ge [sflag:s21], $0xE00  }
0xbf: {  	[sflag:s21] =	ssyncset.done $0x0  }
0xc0: {  	s20 =	simm.s32 $0x460;
	[sflag:s21] =	ssyncadd.s32 $0xFFFFF200  }
0xc1: {  	[spmem:s2] =	stream.indirect.scatter.add.f32 [tilespmem:s26], [sflag:$0xC], $0x20, s20, s16, $0xb8;
	[tilespmem:$0xBE00] =	vst v63  }
0xc2: {  	_ =	swait.ge [sflag:s0], $0xE00  }
0xc3: {  	[sflag:s0] =	ssyncset.done $0x0  }
0xc4: {  	s20 =	simm.s32 $0x4D0;
	[sflag:s0] =	ssyncadd.s32 $0xFFFFF200  }
0xc5: {  	[spmem:s2] =	stream.indirect.scatter.add.f32 [tilespmem:s29], [sflag:$0xD], $0x20, s20, s16, $0xb8;
	[tilespmem:$0xBE00] =	vst v63  }
0xc6: {  	_ =	swait.ge [sflag:s28], $0xE00  }
0xc7: {  	[sflag:s28] =	ssyncset.done $0x0  }
0xc8: {  	s20 =	simm.s32 $0x540;
	[sflag:s28] =	ssyncadd.s32 $0xFFFFF200  }
0xc9: {  	[spmem:s2] =	stream.indirect.scatter.add.f32 [tilespmem:s31], [sflag:$0xE], $0x20, s20, s16, $0xb8;
	[tilespmem:$0xBE00] =	vst v63  }
0xca: {  	_ =	swait.ge [sflag:s19], $0xE00  }
0xcb: {  	[sflag:s19] =	ssyncset.done $0x0  }
0xcc: {  	s20 =	simm.s32 $0x5B0;
	[sflag:s19] =	ssyncadd.s32 $0xFFFFF200  }
0xcd: {  	[spmem:s2] =	stream.indirect.scatter.add.f32 [tilespmem:s12], [sflag:$0xF], $0x20, s20, s16, $0xb8;
	[tilespmem:$0xBE00] =	vst v63  }
0xce: {  	_ =	swait.ge [sflag:s25], $0xE00  }
0xcf: {  	[sflag:s25] =	ssyncset.done $0x0  }
0xd0: {  	s20 =	simm.s32 $0x620;
	[sflag:s25] =	ssyncadd.s32 $0xFFFFF200  }
0xd1: {  	[spmem:s2] =	stream.indirect.scatter.add.f32 [tilespmem:s30], [sflag:$0x10], $0x20, s20, s16, $0xb8;
	[tilespmem:$0xBE00] =	vst v63  }
0xd2: {  	_ =	swait.ge [sflag:s23], $0xE00  }
0xd3: {  	[sflag:s23] =	ssyncset.done $0x0  }
0xd4: {  	s20 =	simm.s32 $0x690;
	[sflag:s23] =	ssyncadd.s32 $0xFFFFF200  }
0xd5: {  	[spmem:s2] =	stream.indirect.scatter.add.f32 [tilespmem:s11], [sflag:$0x11], $0x20, s20, s16, $0xb8;
	[tilespmem:$0xBE00] =	vst v63  }
0xd6: {  	s20 =	simm.s32 $0xA  }
0xd7: {  	_ =	swait.ge [sflag:s20], $0xE00  }
0xd8: {  	[sflag:s20] =	ssyncset.done $0x0  }
0xd9: {  	[sflag:s20] =	ssyncadd.s32 $0xFFFFF200  }
0xda: {  	[tilespmem:s22], [sflag:$0x2] =	stream.indirect.gather [hbm4b:s4+s16], $0x20, s1, s16, $0xb8;
	[tilespmem:$0xBE00] =	vst v63  }
0xdb: {  	s22 =	simm.s32 $0xB  }
0xdc: {  	_ =	swait.ge [sflag:s22], $0xE00  }
0xdd: {  	[sflag:s22] =	ssyncset.done $0x0  }
0xde: {  	[sflag:s22] =	ssyncadd.s32 $0xFFFFF200  }
0xdf: {  	[tilespmem:s24], [sflag:$0x3] =	stream.indirect.gather [hbm4b:s4+s16], $0x20, s1, s16, $0xb8;
	[tilespmem:$0xBE00] =	vst v63  }
0xe0: {  	_ =	swait.ge [sflag:s5], $0xE00  }
0xe1: {  	[sflag:s5] =	ssyncset.done $0x0  }
0xe2: {  	[sflag:s5] =	ssyncadd.s32 $0xFFFFF200  }
0xe3: {  	[tilespmem:s26], [sflag:$0x4] =	stream.indirect.gather [hbm4b:s4+s16], $0x20, s1, s16, $0xb8;
	[tilespmem:$0xBE00] =	vst v63  }
0xe4: {  	_ =	swait.ge [sflag:s6], $0xE00  }
0xe5: {  	[sflag:s6] =	ssyncset.done $0x0  }
0xe6: {  	[sflag:s6] =	ssyncadd.s32 $0xFFFFF200  }
0xe7: {  	[tilespmem:s29], [sflag:$0x5] =	stream.indirect.gather [hbm4b:s4+s16], $0x20, s1, s16, $0xb8;
	[tilespmem:$0xBE00] =	vst v63  }
0xe8: {  	_ =	swait.ge [sflag:s7], $0xE00  }
0xe9: {  	[sflag:s7] =	ssyncset.done $0x0  }
0xea: {  	[sflag:s7] =	ssyncadd.s32 $0xFFFFF200  }
0xeb: {  	[tilespmem:s31], [sflag:$0x6] =	stream.indirect.gather [hbm4b:s4+s16], $0x20, s1, s16, $0xb8;
	[tilespmem:$0xBE00] =	vst v63  }
0xec: {  	_ =	swait.ge [sflag:s9], $0xE00  }
0xed: {  	[sflag:s9] =	ssyncset.done $0x0  }
0xee: {  	[sflag:s9] =	ssyncadd.s32 $0xFFFFF200  }
0xef: {  	[tilespmem:s12], [sflag:$0x7] =	stream.indirect.gather [hbm4b:s4+s16], $0x20, s1, s16, $0xb8;
	[tilespmem:$0xBE00] =	vst v63  }
0xf0: {  	_ =	swait.ge [sflag:s10], $0xE00  }
0xf1: {  	[sflag:s10] =	ssyncset.done $0x0  }
0xf2: {  	[sflag:s10] =	ssyncadd.s32 $0xFFFFF200  }
0xf3: {  	[tilespmem:s30], [sflag:$0x8] =	stream.indirect.gather [hbm4b:s4+s16], $0x20, s1, s16, $0xb8;
	[tilespmem:$0xBE00] =	vst v63  }
0xf4: {  	_ =	swait.ge [sflag:s3], $0xE00  }
0xf5: {  	[sflag:s3] =	ssyncset.done $0x0  }
0xf6: {  	[sflag:s3] =	ssyncadd.s32 $0xFFFFF200  }
0xf7: {  	[tilespmem:s11], [sflag:$0x9] =	stream.indirect.gather [hbm4b:s4+s16], $0x20, s1, s16, $0xb8;
	[tilespmem:$0xBE00] =	vst v63  }
0xf8: {  	_ =	swait.ge [sflag:s13], $0xE00  }
0xf9: {  	[sflag:s13] =	ssyncset.done $0x0  }
0xfa: {  	[sflag:s13] =	ssyncadd.s32 $0xFFFFF200  }
0xfb: {  	_ =	swait.ge [sflag:s17], $0xE00  }
0xfc: {  	[sflag:s17] =	ssyncset.done $0x0  }
0xfd: {  	[sflag:s17] =	ssyncadd.s32 $0xFFFFF200  }
0xfe: {  	_ =	swait.ge [sflag:s21], $0xE00  }
0xff: {  	[sflag:s21] =	ssyncset.done $0x0  }
0x100: {  	[sflag:s21] =	ssyncadd.s32 $0xFFFFF200  }
0x101: {  	_ =	swait.ge [sflag:s0], $0xE00  }
0x102: {  	[sflag:s0] =	ssyncset.done $0x0  }
0x103: {  	[sflag:s0] =	ssyncadd.s32 $0xFFFFF200  }
0x104: {  	_ =	swait.ge [sflag:s28], $0xE00  }
0x105: {  	[sflag:s28] =	ssyncset.done $0x0  }
0x106: {  	[sflag:s28] =	ssyncadd.s32 $0xFFFFF200  }
0x107: {  	_ =	swait.ge [sflag:s19], $0xE00  }
0x108: {  	[sflag:s19] =	ssyncset.done $0x0  }
0x109: {  	[sflag:s19] =	ssyncadd.s32 $0xFFFFF200  }
0x10a: {  	_ =	swait.ge [sflag:s25], $0xE00  }
0x10b: {  	[sflag:s25] =	ssyncset.done $0x0  }
0x10c: {  	[sflag:s25] =	ssyncadd.s32 $0xFFFFF200  }
0x10d: {  	_ =	swait.ge [sflag:s23], $0xE00  }
0x10e: {  	[sflag:s23] =	ssyncset.done $0x0  }
0x10f: {  	s24 =	stileid.u32;
	[sflag:s23] =	ssyncadd.s32 $0xFFFFF200  }
0x110: {  	s20 =	sshll.u32 s24, $0x6;
	[bflag:$0x0] =	sbarrier.arrive $0xFFFF  }
0x111: {  	s22 =	sshrl.u32 s8, $0x3;
	s20 =	sor.u32 $0x1C12, s20;
	s24 =	rddreg [dreg:$0x7]  }
0x112: {  	[hbm:s24], [sflag:s20] =	dma.local [spmem:s22], $0x400  }
0x113: {  	_ =	swait.ge [sflag:s14], $0x400  }
0x114: {  	s18 =	sadd.s32 $0x1, s18;
	s22 =	rddreg [dreg:$0x8]  }
0x115: {  	p0 =	sne.s32 s18, s22  }
.Ltmp1:
0x116: {  	_ = 	snop;
	(pc) =	sbr.rel @p0 .LBB2_1-.Ltmp1, $3  }
0x117: {  	_ =	sdelay $0x1  }
0x118: {  	[sflag:s14] =	ssyncset.done $0x0  }
0x119: {  	s24 =	simm.s32 $0x380;
	[sflag:s14] =	ssyncadd.s32 $0xFFFFFC00  }
0x11a: {  	_ =	sfence.sel $0x180000  }
0x11b: {  	[bflag:$0x0] =	sbarrier.arrive $0xFFFF  }
0x11c: {  	_ =	strace $0x9000004A  }
0x11d: {  	s0 =	stileid.u32;
	[bflag:$0x2] =	sbarrier.arrive $0xFFFF  }
0x11e: {  	p0 =	sne.s32 s0, $0x0;
	s0 =	rddreg [dreg:$0x3]  }
0x11f: {  	s0 =	sadd.s32 @!p0 $0x100000, s0  }
0x120: {  	[sflag:s0] =	ssyncadd.tile.s32 @!p0 $0x1;
	_ =	shalt  }
.Lfunc_end2:
_tile_overlayer_lowered:
.L_overlay_start_2:
0x121: {  	(tag) =	ssettag $0x2  }
0x122: {  	s0 =	rddreg [dreg:$0x0];
	s2 =	stileid.u32  }
0x123: {  	s1 =	rddreg [dreg:$0x1];
	p0 =	sne.s32 s2, $0x0  }
0x124: {  	s3 =	rddreg [dreg:$0x2];
	[bflag:$0x3] =	sbarrier.arrive $0xFFFF;
	s2 =	simm.s32 @!p0 $0x1C12  }
0x125: {  	[timem:s3], [sflag:s2] =	dma.local @!p0 [hbm:s0], s1  }
0x126: {  	s0 =	simm.s32 @!p0 $0x12  }
0x127: {  	_ =	swait.ge @!p0 [sflag:s0], s1  }
0x128: {  	s1 =	ssub.s32 @!p0 $0x0, s1;
	[sflag:s0] =	ssyncset.done @!p0 $0x0  }
0x129: {  	[sflag:s0] =	ssyncadd.s32 @!p0 s1  }
0x12a: {  	[bflag:$0x3] =	sbarrier.arrive $0xFFFF  }
0x12b: {  	_ =	shalt  }

// kernel: kernel.15.cloned.1.call-start
scs
__scs_entry_jumppad:
0x0: {  	(pc) =	sbr.rel $0x88, $3  }
0x1: {  	(tag) =	ssettag $0x0;
	lr =	simm.s32 $0x1  }
0x2: {  	[smem:$0x3F84] =	sst lr;
	_ =	strace $0xD0000000  }
0x3: {  	_ = 	snop  }
0x4: {  	_ = 	snop  }
0x5: {  	_ = 	snop  }
0x6: {  	_ = 	snop  }
0x7: {  	_ = 	snop  }
__scs_overlays_trampoline_lowered:
0x8: {  	[smem:$0x3F93] =	sst s0  }
0x9: {  	[smem:$0x3F94] =	sst s1  }
0xa: {  	[smem:$0x3F95] =	sst s2  }
0xb: {  	[smem:$0x3F96] =	sst s3  }
0xc: {  	[smem:$0x3F97] =	sst s4  }
0xd: {  	[smem:$0x3F98] =	sst s5  }
0xe: {  	[smem:$0x3F99] =	sst s6  }
0xf: {  	[smem:$0x3F9A] =	sst s7  }
0x10: {  	[smem:$0x3F9B] =	sst s8  }
0x11: {  	[smem:$0x3F9C] =	sst s9;
	s0 =	simm.s32 @!p0 $0x0  }
0x12: {  	s1 =	sld [smem:$0x3F82];
	s0 =	simm.s32 @p0 $0x1  }
0x13: {  	[smem:$0x3F9D] =	sst s0;
	s0 =	simm.s32 @!p1 $0x0  }
0x14: {  	s2 =	sld [smem:$0x3F81];
	s0 =	simm.s32 @p1 $0x1  }
0x15: {  	[smem:$0x3F9E] =	sst s0;
	s0 =	simm.s32 @!p2 $0x0  }
0x16: {  	s3 =	sld [smem:$0x3FDB];
	s0 =	simm.s32 @p2 $0x1  }
0x17: {  	s4 =	simm.s32 $0x1BF5;
	[smem:$0x3FA0] =	sst s0  }
0x18: {  	s0 =	sld [smem:$0x3F83];
	_ =	swait.ge [sflag:s4], $0x0  }
0x19: {  	s7 =	sld [smem:$0x3F84]  }
0x1a: {  	s8 =	sadd.s32 $0xFFFFE003, lr  }
0x1b: {  	s9 =	sadd.s32 $0xFFFFFEF7, lr;
	s5 =	simm.s32 $0xFFFFFFFF;
	p2 =	slt.u32 s8, $0xFFFFF086  }
0x1c: {  	p1 =	slt.u32 s9, $0xF7A;
	s5 =	simm.s32 @!p2 $0x0  }
0x1d: {  	s5 =	simm.s32 @p1 $0x1;
	p0 =	seq.s32 s7, s2  }
0x1e: {  	s7 =	smul.u32 @!p0 $0xF7A, s2;
	p2 =	seq.s32 @!p0 s5, $0x0  }
0x1f: {  	s9 =	smul.u32 $0xF7A, s1;
	s8 =	simm.s32 @!p0 $0x1BF5;
	p2 =	por !p2, p0  }
0x20: {  	[sflag:s8] =	ssyncset.s32 @!p0 $0xFFFFF086;
	s6 =	sadd.s32 @!p0 s3, s7;
	s7 =	simm.s32 @!p0 $0x108  }
0x21: {  	s3 =	sadd.s32 s3, s9;
	s6 =	sadd.s32 @!p0 $0x88, s6;
	s7 =	simm.s32 @p2 $0x1082  }
0x22: {  	[simem:s7], [sflag:s8] =	dma.local @!p0 [hbm:s6], $0xF7A  }
0x23: {  	s9 =	sor.u32 $0xD0000000, s2;
	s6 =	simm.s32 $0x108;
	_ =	swait.ge @!p0 [sflag:s8], $0x0  }
0x24: {  	s3 =	sadd.s32 $0x88, s3;
	s6 =	simm.s32 @!p1 $0x1082;
	[sflag:s4] =	ssyncset.s32 $0xFFFFF086  }
0x25: {  	[simem:s6], [sflag:s4] =	dma.local [hbm:s3], $0xF7A  }
0x26: {  	[smem:$0x3F84] =	sst s1;
	(tag) =	ssettag s2;
	_ =	strace s9  }
0x27: {  	s1 =	sld [smem:$0x3F94]  }
0x28: {  	s2 =	sld [smem:$0x3F95]  }
0x29: {  	s4 =	sld [smem:$0x3F97]  }
0x2a: {  	p0 =	seq.s32 s5, $0x0;
	s5 =	sld [smem:$0x3F98]  }
0x2b: {  	s6 =	sld [smem:$0x3F99]  }
0x2c: {  	s7 =	sld [smem:$0x3F9A]  }
0x2d: {  	s3 =	simm.s32 $0x108;
	s8 =	sld [smem:$0x3F9B]  }
0x2e: {  	s3 =	simm.s32 @!p0 $0x1082;
	s9 =	sld [smem:$0x3F9C]  }
0x2f: {  	lr =	sadd.s32 s0, s3;
	s0 =	sld [smem:$0x3F93]  }
0x30: {  	s3 =	sld [smem:$0x3F96]  }
0x31: {  	[smem:$0x3F9F] =	sst s10  }
0x32: {  	s10 =	sld [smem:$0x3F9D];
	_ =	sdelay $0x3  }
0x33: {  	p0 =	seq.s32 s10, $0x1;
	s10 =	sld [smem:$0x3F9F];
	_ =	sdelay $0x3  }
0x34: {  	[smem:$0x3F9F] =	sst s10  }
0x35: {  	s10 =	sld [smem:$0x3F9E];
	_ =	sdelay $0x3  }
0x36: {  	p1 =	seq.s32 s10, $0x1;
	s10 =	sld [smem:$0x3F9F];
	_ =	sdelay $0x3  }
0x37: {  	[smem:$0x3F9F] =	sst s10  }
0x38: {  	s10 =	sld [smem:$0x3FA0]  }
0x39: {  	_ = 	snop;
	(pc) =	sbr.ind lr, $3  }
0x3a: {  	_ = 	snop  }
0x3b: {  	_ = 	snop  }
0x3c: {  	p2 =	seq.s32 s10, $0x1;
	s10 =	sld [smem:$0x3F9F]  }
0x3d: {  	_ =	shalt  }
0x3e: {  	_ =	shalt  }
0x3f: {  	_ =	shalt  }
0x40: {  	_ =	shalt  }
0x41: {  	_ =	shalt  }
0x42: {  	_ =	shalt  }
0x43: {  	_ =	shalt  }
0x44: {  	_ =	shalt  }
0x45: {  	_ =	shalt  }
0x46: {  	_ =	shalt  }
0x47: {  	_ =	shalt  }
0x48: {  	_ =	shalt  }
0x49: {  	_ =	shalt  }
0x4a: {  	_ =	shalt  }
0x4b: {  	_ =	shalt  }
0x4c: {  	_ =	shalt  }
0x4d: {  	_ =	shalt  }
0x4e: {  	_ =	shalt  }
0x4f: {  	_ =	shalt  }
0x50: {  	_ =	shalt  }
0x51: {  	_ =	shalt  }
0x52: {  	_ =	shalt  }
0x53: {  	_ =	shalt  }
0x54: {  	_ =	shalt  }
0x55: {  	_ =	shalt  }
0x56: {  	_ =	shalt  }
0x57: {  	_ =	shalt  }
0x58: {  	_ =	shalt  }
0x59: {  	_ =	shalt  }
0x5a: {  	_ =	shalt  }
0x5b: {  	_ =	shalt  }
0x5c: {  	_ =	shalt  }
0x5d: {  	_ =	shalt  }
0x5e: {  	_ =	shalt  }
0x5f: {  	_ =	shalt  }
0x60: {  	_ =	shalt  }
0x61: {  	_ =	shalt  }
0x62: {  	_ =	shalt  }
0x63: {  	_ =	shalt  }
0x64: {  	_ =	shalt  }
0x65: {  	_ =	shalt  }
0x66: {  	_ =	shalt  }
0x67: {  	_ =	shalt  }
0x68: {  	_ =	shalt  }
0x69: {  	_ =	shalt  }
0x6a: {  	_ =	shalt  }
0x6b: {  	_ =	shalt  }
0x6c: {  	_ =	shalt  }
0x6d: {  	_ =	shalt  }
0x6e: {  	_ =	shalt  }
0x6f: {  	_ =	shalt  }
0x70: {  	_ =	shalt  }
0x71: {  	_ =	shalt  }
0x72: {  	_ =	shalt  }
0x73: {  	_ =	shalt  }
0x74: {  	_ =	shalt  }
0x75: {  	_ =	shalt  }
0x76: {  	_ =	shalt  }
0x77: {  	_ =	shalt  }
0x78: {  	_ =	shalt  }
0x79: {  	_ =	shalt  }
0x7a: {  	_ =	shalt  }
0x7b: {  	_ =	shalt  }
0x7c: {  	_ =	shalt  }
0x7d: {  	_ =	shalt  }
0x7e: {  	_ =	shalt  }
0x7f: {  	_ =	shalt  }
0x80: {  	_ =	shalt  }
0x81: {  	_ =	shalt  }
0x82: {  	_ =	shalt  }
0x83: {  	_ =	shalt  }
0x84: {  	_ =	shalt  }
0x85: {  	_ =	shalt  }
0x86: {  	_ =	shalt  }
0x87: {  	_ =	shalt  }
.Lfunc_end0:
.L_simem_size_0:
called_computation.2_lowered:
.L_overlay_start_0:
0x88: {  	s2 =	sld [smem:$0x3FD9]  }
0x89: {  	s3 =	sld [smem:$0x3FFE];
	_ =	sdelay $0x1  }
0x8a: {  	s1 =	srdreg.scid  }
0x8b: {  	s0 =	sand.u32 $0x1, s1  }
0x8c: {  	s17 =	sshll.u32 s0, $0xA;
	s2 =	sadd.s32 s3, s2  }
0x8d: {  	s2 =	sadd.s32 s2, s17  }
0x8e: {  	[smem:$0x3FAB] =	sst s2  }
0x8f: {  	_ = 	snop  }
0x90: {  	s2 =	sld [smem:$0x3FC3];
	(tm) =	ssettm $0x1  }
0x91: {  	s18 =	sld [smem:$0x3FFB];
	_ =	sdelay $0x3  }
0x92: {  	_ =	strace s18  }
0x93: {  	s3 =	sld [smem:$0x3FFC];
	_ =	sdelay $0x3  }
0x94: {  	_ =	strace s3  }
0x95: {  	s3 =	sld [smem:$0x3FFD];
	_ =	sdelay $0x3  }
0x96: {  	_ =	strace s3  }
0x97: {  	_ =	strace $0x8FFFFFFF  }
0x98: {  	s19 =	sld [smem:$0x3FDB];
	_ =	sdelay $0x1  }
0x99: {  	s4 =	simm.s32 $_scs_section_size  }
0x9a: {  	s5 =	simm.s32 $_size__tile_overlayer_lowered;
	s6 =	simm.s32 $_tile_overlayer_lowered  }
0x9b: {  	s22 =	simm.s32 $0x1BFF;
	s21 =	sshll.u32 s6, $0x1;
	s3 =	sadd.s32 s4, s19  }
0x9c: {  	s7 =	simm.s32 $0x0;
	s20 =	sshll.u32 s5, $0x1;
	s5 =	sadd.s32 s21, s3  }
0x9d: {  	[timem:s7], [sflag:s22] =	dma.local [hbm:s5], s20  }
0x9e: {  	_ =	swait.ge [sflag:s22], s20  }
0x9f: {  	s4 =	ssub.s32 $0x0, s20;
	[sflag:s22] =	ssyncset.done $0x0  }
0xa0: {  	[sflag:s22] =	ssyncadd.s32 s4;
	_ =	sdelay $0x1  }
0xa1: {  	s23 =	simm.s32 $0x1B8B  }
0xa2: {  	_ =	swait.ge [sflag:s23], $0x1  }
0xa3: {  	[sflag:s23] =	ssyncset.done $0x0  }
0xa4: {  	s25 =	simm.s32 $0x1B8E;
	s24 =	sld [smem:$0x3FFE];
	[sflag:s23] =	ssyncadd.s32 $0xFFFFFFFF  }
0xa5: {  	s26 =	simm.s32 $execute0_lowered;
	[smem:$0x3FD2] =	sst s25  }
0xa6: {  	s5 =	sshll.u32 s26, $0x1;
	_ =	strace $0x8000004C;
	[dreg:$0x1] =	wrdreg $0xFFFFFFFF  }
0xa7: {  	s28 =	simm.s32 $_size_execute0_lowered;
	s3 =	sadd.s32 s3, s5;
	[dreg:$0x0] =	wrdreg $0x0  }
0xa8: {  	s5 =	sshll.u32 s28, $0x1;
	[dreg:$0x2] =	wrdreg s3  }
0xa9: {  	[dreg:$0x3] =	wrdreg s5  }
0xaa: {  	[dreg:$0x4] =	wrdreg $0xC0  }
0xab: {  	_ =	task [dreg:s7], $0x5FFFF  }
0xac: {  	[dreg:$0x1] =	wrdreg $0xFFFFFFFF  }
0xad: {  	[dreg:$0x0] =	wrdreg $0x60  }
0xae: {  	[dreg:$0x2] =	wrdreg s24  }
0xaf: {  	[dreg:$0x3] =	wrdreg s2  }
0xb0: {  	[dreg:$0x4] =	wrdreg $0x25C00  }
0xb1: {  	[dreg:$0x5] =	wrdreg $0x9  }
0xb2: {  	_ =	task.clear_ibuf [dreg:s7], $0x6FFFF;
	_ =	strace $0x9000004C  }
0xb3: {  	s29 =	simm.s32 $0x9;
	_ =	strace $0x8000004E  }
0xb4: {  	_ =	swait.ge [sflag:s29], $0x1  }
0xb5: {  	[sflag:s29] =	ssyncadd.s32 $0xFFFFFFFF  }
0xb6: {  	_ =	strace $0x9000004E  }
0xb7: {  	_ =	sfence  }
0xb8: {  	s30 =	sld [smem:$0x0];
	_ =	sdelay $0x2  }
0xb9: {  	s31 =	sshll.u32 s1, $0xD;
	s1 =	sshrl.u32 s1, $0x2  }
0xba: {  	s3 =	sand.u32 $0x4000, s31;
	s1 =	sadd.s32 s1, s30  }
0xbb: {  	s0 =	sor.u32 s3, s0;
	s1 =	sshll.u32 s1, $0x11  }
0xbc: {  	s0 =	sor.u32 s1, s0  }
0xbd: {  	s0 =	sadd.s32 $0x8F2B, s0  }
0xbe: {  	[sflag:s0] =	ssyncadd.remote.s32 $0x1  }
0xbf: {  	_ =	sfence.sel $0xFFFF  }
0xc0: {  	[dreg:$0x0] =	wrdreg $0xFFFFFFFF;
	(pc) =	sbr.abs _section_cstart, $3  }
0xc1: {  	[dreg:$0x1] =	wrdreg $0xFFFFFFFF  }
0xc2: {  	_ =	task.clear_ibuf [dreg:s7], $0x2FFFF;
	_ =	strace $0x9FFFFFFF  }
0xc3: {  	(tm) =	ssettm $0x7FFFFFFF  }
tec
execute0_lowered:
.L_overlay_start_1:
0x0: {  	(tag) =	ssettag $0x1  }
0x1: {  	s5 =	rddreg [dreg:$0x0]  }
0x2: {  	s7 =	rddreg [dreg:$0x1];
	s1 =	srdreg.scid  }
0x3: {  	s0 =	stileid.u32;
	s2 =	rddreg [dreg:$0x2];
	s3 =	simm.s32 $0x0  }
0x4: {  	s14 =	simm.s32 $0x4;
	s15 =	simm.s32 $0x1;
	s16 =	simm.s32 $0x150  }
0x5: {  	s17 =	simm.s32 $0x9C0;
	s18 =	simm.s32 $0x2;
	s19 =	simm.s32 $0x3  }
0x6: {  	s22 =	simm.s32 $0x0;
	s4 =	sand.u32 $0x1, s1;
	s1 =	rddreg [dreg:$0x3]  }
0x7: {  	s6 =	sshll.u32 s0, $0x1;
	[smem:$0x7FF] =	sst s3;
	s9 =	sshll.u32 s0, $0xB  }
0x8: {  	s20 =	sshll.u32 s0, $0x6;
	s6 =	sor.u32 s4, s6;
	_ =	strace $0x8000004D  }
0x9: {  	s31 =	sshll.u32 s4, $0xF;
	s11 =	ssub.s32 $0x2, s4;
	s4 =	sadd.s32 $0x3800, s5  }
0xa: {  	s8 =	smul.u32 $0xE, s6;
	s6 =	sor.u32 s9, s31;
	s12 =	sshrl.u32 s11, $0x1  }
0xb: {  	s20 =	sor.u32 $0x1C04, s20;
	s6 =	sshrl.u32 s6, $0x3;
	s11 =	ssub.s32 s11, s12  }
0xc: {  	s12 =	simm.s32 $0xE0;
	s10 =	sadd.s32 s8, s5;
	s13 =	sadd.s32 s6, s5  }
0xd: {  	s7 =	sadd.s32 s7, s8;
	s8 =	sadd.s32 s9, s2;
	s5 =	sadd.s32 $0x27A00, s10  }
0xe: {  	s6 =	sadd.s32 $0x27800, s10;
	s9 =	sadd.s32 $0xA800, s13;
	s10 =	smax.u32 s11, $0x1  }
0xf: {  	v0 =	vimm.f32 $0.0e+00;
	s11 =	simm.s32 $0x70;
	s13 =	simm.s32 $0x1C0;
	s21 =	sshrl.u32 s8, $0x3  }
.LBB2_1:
0x10: {  	[tilespmem:s3], [sflag:$0x1] =	stream.linear.gather [hbm4b:s5+s3], $0x70, $0x38;
	[tilespmem:$0x2DC0] =	vst v63  }
0x11: {  	_ = 	snop  }
0x12: {  	[tilespmem:s11], [sflag:$0x1] =	stream.linear.gather [hbm4b:s6+s3], $0x70, $0x38;
	[tilespmem:$0x2DC0] =	vst v63  }
0x13: {  	s24 =	simm.s32 $0x100;
	s23 =	simm.s32 $0x0  }
0x14: {  	[tilespmem:s12], [sflag:$0x1] =	stream.linear.gather [hbm4b:s7+s3], $0x70, $0x38;
	[tilespmem:$0x2DC0] =	vst v63  }
.LBB2_2:
0x15: {  	p0 =	sne.s32 s24, $0x1F00;
	[tilespmem:s23+$0x1F0] =	vst v0;
	s25 =	smov.u32 s24;
	s24 =	sadd.s32 $0x100, s24  }
.Ltmp0:
0x16: {  	[tilespmem:s23+$0x1E0] =	vst v0;
	(pc) =	sbr.rel @p0 .LBB2_2-.Ltmp0, $3  }
0x17: {  	[tilespmem:s23+$0x1C0] =	vst v0  }
0x18: {  	[tilespmem:s23+$0x1D0] =	vst v0;
	_ =	sdelay $0x1  }
0x19: {  	s23 =	sshra.s32 s25, $0x2  }
0x1a: {  	[tilespmem:s23+$0x1F0] =	vst v0  }
0x1b: {  	[tilespmem:s23+$0x1E0] =	vst v0  }
0x1c: {  	[tilespmem:s23+$0x1C0] =	vst v0  }
0x1d: {  	[tilespmem:s23+$0x1D0] =	vst v0  }
0x1e: {  	[spmem:s8] =	stream.linear.scatter [tilespmem:s13], [sflag:$0x4], $0x800, $0x38;
	[tilespmem:$0x2DC0] =	vst v63  }
0x1f: {  	_ =	swait.ge [sflag:s14], $0x800  }
0x20: {  	[sflag:s14] =	ssyncset.done $0x0  }
0x21: {  	[sflag:s14] =	ssyncadd.s32 $0xFFFFF800  }
0x22: {  	_ =	swait.ge [sflag:s15], $0x70  }
0x23: {  	[sflag:s15] =	ssyncset.done $0x0  }
0x24: {  	[sflag:s15] =	ssyncadd.s32 $0xFFFFFF90  }
0x25: {  	_ =	swait.ge [sflag:s15], $0x70  }
0x26: {  	[sflag:s15] =	ssyncset.done $0x0  }
0x27: {  	[sflag:s15] =	ssyncadd.s32 $0xFFFFFF90  }
0x28: {  	_ =	swait.ge [sflag:s15], $0x70  }
0x29: {  	[sflag:s15] =	ssyncset.done $0x0  }
0x2a: {  	[sflag:s15] =	ssyncadd.s32 $0xFFFFFF90  }
0x2b: {  	v1 =	vld [tilespmem:$0x0]  }
0x2c: {  	v2 =	vld [tilespmem:$0xE0]  }
0x2d: {  	v3 =	vld [tilespmem:$0x10]  }
0x2e: {  	v4 =	vld [tilespmem:$0xF0]  }
0x2f: {  	v5 =	vld [tilespmem:$0x20]  }
0x30: {  	v6 =	vld [tilespmem:$0x100]  }
0x31: {  	v7 =	vld [tilespmem:$0x30]  }
0x32: {  	v8 =	vld [tilespmem:$0x110]  }
0x33: {  	v9 =	vld [tilespmem:$0x40]  }
0x34: {  	v10 =	vld [tilespmem:$0x120]  }
0x35: {  	v11 =	vld [tilespmem:$0x50];
	v1 =	vmul.u32 $0x7, v1  }
0x36: {  	v12 =	vld [tilespmem:$0x60];
	v3 =	vmul.u32 $0x7, v3  }
0x37: {  	v62 =	vld [tilespmem:$0x130];
	v1 =	vadd.s32 v2, v1;
	v2 =	vmul.u32 $0x7, v5  }
0x38: {  	v63 =	vld [tilespmem:$0x140];
	[tilespmem:$0x150] =	vst v1;
	v1 =	vadd.s32 v4, v3;
	v3 =	vmul.u32 $0x7, v7  }
0x39: {  	[tilespmem:$0x160] =	vst v1;
	v1 =	vadd.s32 v6, v2;
	v2 =	vmul.u32 $0x7, v9  }
0x3a: {  	[tilespmem:$0x170] =	vst v1;
	v1 =	vadd.s32 v8, v3;
	v3 =	vmul.u32 $0x7, v11  }
0x3b: {  	[tilespmem:$0x180] =	vst v1;
	v1 =	vadd.s32 v10, v2;
	v2 =	vmul.u32 $0x7, v12  }
0x3c: {  	[tilespmem:$0x190] =	vst v1;
	v1 =	vadd.s32 v62, v3  }
0x3d: {  	[tilespmem:$0x1A0] =	vst v1;
	v1 =	vadd.s32 v63, v2  }
0x3e: {  	[tilespmem:$0x1B0] =	vst v1  }
0x3f: {  	[bflag:$0x0] =	sbarrier.arrive $0xFFFF  }
0x40: {  	[tilespmem:s17], [sflag:$0x2] =	stream.indirect.gather [hbm4b:s4+s11], $0x40, s16, s11, $0xb8;
	[tilespmem:$0x2DC0] =	vst v63  }
0x41: {  	_ =	swait.ge [sflag:s18], $0x1C00  }
0x42: {  	[sflag:s18] =	ssyncset.done $0x0  }
0x43: {  	[sflag:s18] =	ssyncadd.s32 $0xFFFFE400  }
0x44: {  	[spmem:s2] =	stream.indirect.scatter.add.f32 [tilespmem:s17], [sflag:$0x3], $0x40, s11, s11, $0xb8;
	[tilespmem:$0x2DC0] =	vst v63  }
0x45: {  	_ =	swait.ge [sflag:s19], $0x1C00  }
0x46: {  	[sflag:s19] =	ssyncset.done $0x0  }
0x47: {  	[sflag:s19] =	ssyncadd.s32 $0xFFFFE400  }
0x48: {  	[tilespmem:s17], [sflag:$0x2] =	stream.indirect.gather [hbm4b:s4+s11], $0x40, s16, s11, $0xb8;
	[tilespmem:$0x2DC0] =	vst v63  }
0x49: {  	_ =	swait.ge [sflag:s18], $0x1C00  }
0x4a: {  	s22 =	sadd.s32 $0x1, s22;
	[sflag:s18] =	ssyncset.done $0x0  }
0x4b: {  	p0 =	sne.s32 s22, s10;
	[sflag:s18] =	ssyncadd.s32 $0xFFFFE400  }
.Ltmp1:
0x4c: {  	[bflag:$0x0] =	sbarrier.arrive $0xFFFF;
	(pc) =	sbr.rel @p0 .LBB2_1-.Ltmp1, $4  }
0x4d: {  	[hbm:s9], [sflag:s20] =	dma.local [spmem:s21], $0x100  }
0x4e: {  	_ =	swait.ge [sflag:s14], $0x100  }
0x4f: {  	[sflag:s14] =	ssyncset.done $0x0  }
0x50: {  	[sflag:s14] =	ssyncadd.s32 $0xFFFFFF00  }
0x51: {  	_ =	sfence.sel $0x180000  }
0x52: {  	[bflag:$0x0] =	sbarrier.arrive $0xFFFF  }
0x53: {  	p0 =	sne.s32 s0, $0x0;
	_ =	strace $0x9000004D  }
0x54: {  	s0 =	sadd.s32 @!p0 $0x100000, s1;
	[bflag:$0x2] =	sbarrier.arrive $0xFFFF  }
0x55: {  	[sflag:s0] =	ssyncadd.tile.s32 @!p0 $0x1;
	_ =	shalt  }
.Lfunc_end2:
_tile_overlayer_lowered:
.L_overlay_start_2:
0x56: {  	(tag) =	ssettag $0x2  }
0x57: {  	s0 =	rddreg [dreg:$0x0];
	s2 =	stileid.u32  }
0x58: {  	s1 =	rddreg [dreg:$0x1];
	p0 =	sne.s32 s2, $0x0  }
0x59: {  	s3 =	rddreg [dreg:$0x2];
	[bflag:$0x3] =	sbarrier.arrive $0xFFFF;
	s2 =	simm.s32 @!p0 $0x1C04  }
0x5a: {  	[timem:s3], [sflag:s2] =	dma.local @!p0 [hbm:s0], s1  }
0x5b: {  	s0 =	simm.s32 @!p0 $0x4  }
0x5c: {  	_ =	swait.ge @!p0 [sflag:s0], s1  }
0x5d: {  	s1 =	ssub.s32 @!p0 $0x0, s1;
	[sflag:s0] =	ssyncset.done @!p0 $0x0  }
0x5e: {  	[sflag:s0] =	ssyncadd.s32 @!p0 s1  }
0x5f: {  	[bflag:$0x3] =	sbarrier.arrive $0xFFFF  }
0x60: {  	_ =	shalt  }

// kernel: kernel.9.cloned.1.call-start
scs
__scs_entry_jumppad:
0x0: {  	(pc) =	sbr.rel $0x88, $3  }
0x1: {  	(tag) =	ssettag $0x0;
	lr =	simm.s32 $0x1  }
0x2: {  	[smem:$0x3F84] =	sst lr;
	_ =	strace $0xD0000000  }
0x3: {  	_ = 	snop  }
0x4: {  	_ = 	snop  }
0x5: {  	_ = 	snop  }
0x6: {  	_ = 	snop  }
0x7: {  	_ = 	snop  }
__scs_overlays_trampoline_lowered:
0x8: {  	[smem:$0x3F93] =	sst s0  }
0x9: {  	[smem:$0x3F94] =	sst s1  }
0xa: {  	[smem:$0x3F95] =	sst s2  }
0xb: {  	[smem:$0x3F96] =	sst s3  }
0xc: {  	[smem:$0x3F97] =	sst s4  }
0xd: {  	[smem:$0x3F98] =	sst s5  }
0xe: {  	[smem:$0x3F99] =	sst s6  }
0xf: {  	[smem:$0x3F9A] =	sst s7  }
0x10: {  	[smem:$0x3F9B] =	sst s8  }
0x11: {  	[smem:$0x3F9C] =	sst s9;
	s0 =	simm.s32 @!p0 $0x0  }
0x12: {  	s1 =	sld [smem:$0x3F82];
	s0 =	simm.s32 @p0 $0x1  }
0x13: {  	[smem:$0x3F9D] =	sst s0;
	s0 =	simm.s32 @!p1 $0x0  }
0x14: {  	s2 =	sld [smem:$0x3F81];
	s0 =	simm.s32 @p1 $0x1  }
0x15: {  	[smem:$0x3F9E] =	sst s0;
	s0 =	simm.s32 @!p2 $0x0  }
0x16: {  	s3 =	sld [smem:$0x3FDB];
	s0 =	simm.s32 @p2 $0x1  }
0x17: {  	s4 =	simm.s32 $0x1BF5;
	[smem:$0x3FA0] =	sst s0  }
0x18: {  	s0 =	sld [smem:$0x3F83];
	_ =	swait.ge [sflag:s4], $0x0  }
0x19: {  	s7 =	sld [smem:$0x3F84]  }
0x1a: {  	s8 =	sadd.s32 $0xFFFFE003, lr  }
0x1b: {  	s9 =	sadd.s32 $0xFFFFFEF7, lr;
	s5 =	simm.s32 $0xFFFFFFFF;
	p2 =	slt.u32 s8, $0xFFFFF086  }
0x1c: {  	p1 =	slt.u32 s9, $0xF7A;
	s5 =	simm.s32 @!p2 $0x0  }
0x1d: {  	s5 =	simm.s32 @p1 $0x1;
	p0 =	seq.s32 s7, s2  }
0x1e: {  	s7 =	smul.u32 @!p0 $0xF7A, s2;
	p2 =	seq.s32 @!p0 s5, $0x0  }
0x1f: {  	s9 =	smul.u32 $0xF7A, s1;
	s8 =	simm.s32 @!p0 $0x1BF5;
	p2 =	por !p2, p0  }
0x20: {  	[sflag:s8] =	ssyncset.s32 @!p0 $0xFFFFF086;
	s6 =	sadd.s32 @!p0 s3, s7;
	s7 =	simm.s32 @!p0 $0x108  }
0x21: {  	s3 =	sadd.s32 s3, s9;
	s6 =	sadd.s32 @!p0 $0x88, s6;
	s7 =	simm.s32 @p2 $0x1082  }
0x22: {  	[simem:s7], [sflag:s8] =	dma.local @!p0 [hbm:s6], $0xF7A  }
0x23: {  	s9 =	sor.u32 $0xD0000000, s2;
	s6 =	simm.s32 $0x108;
	_ =	swait.ge @!p0 [sflag:s8], $0x0  }
0x24: {  	s3 =	sadd.s32 $0x88, s3;
	s6 =	simm.s32 @!p1 $0x1082;
	[sflag:s4] =	ssyncset.s32 $0xFFFFF086  }
0x25: {  	[simem:s6], [sflag:s4] =	dma.local [hbm:s3], $0xF7A  }
0x26: {  	[smem:$0x3F84] =	sst s1;
	(tag) =	ssettag s2;
	_ =	strace s9  }
0x27: {  	s1 =	sld [smem:$0x3F94]  }
0x28: {  	s2 =	sld [smem:$0x3F95]  }
0x29: {  	s4 =	sld [smem:$0x3F97]  }
0x2a: {  	p0 =	seq.s32 s5, $0x0;
	s5 =	sld [smem:$0x3F98]  }
0x2b: {  	s6 =	sld [smem:$0x3F99]  }
0x2c: {  	s7 =	sld [smem:$0x3F9A]  }
0x2d: {  	s3 =	simm.s32 $0x108;
	s8 =	sld [smem:$0x3F9B]  }
0x2e: {  	s3 =	simm.s32 @!p0 $0x1082;
	s9 =	sld [smem:$0x3F9C]  }
0x2f: {  	lr =	sadd.s32 s0, s3;
	s0 =	sld [smem:$0x3F93]  }
0x30: {  	s3 =	sld [smem:$0x3F96]  }
0x31: {  	[smem:$0x3F9F] =	sst s10  }
0x32: {  	s10 =	sld [smem:$0x3F9D];
	_ =	sdelay $0x3  }
0x33: {  	p0 =	seq.s32 s10, $0x1;
	s10 =	sld [smem:$0x3F9F];
	_ =	sdelay $0x3  }
0x34: {  	[smem:$0x3F9F] =	sst s10  }
0x35: {  	s10 =	sld [smem:$0x3F9E];
	_ =	sdelay $0x3  }
0x36: {  	p1 =	seq.s32 s10, $0x1;
	s10 =	sld [smem:$0x3F9F];
	_ =	sdelay $0x3  }
0x37: {  	[smem:$0x3F9F] =	sst s10  }
0x38: {  	s10 =	sld [smem:$0x3FA0]  }
0x39: {  	_ = 	snop;
	(pc) =	sbr.ind lr, $3  }
0x3a: {  	_ = 	snop  }
0x3b: {  	_ = 	snop  }
0x3c: {  	p2 =	seq.s32 s10, $0x1;
	s10 =	sld [smem:$0x3F9F]  }
0x3d: {  	_ =	shalt  }
0x3e: {  	_ =	shalt  }
0x3f: {  	_ =	shalt  }
0x40: {  	_ =	shalt  }
0x41: {  	_ =	shalt  }
0x42: {  	_ =	shalt  }
0x43: {  	_ =	shalt  }
0x44: {  	_ =	shalt  }
0x45: {  	_ =	shalt  }
0x46: {  	_ =	shalt  }
0x47: {  	_ =	shalt  }
0x48: {  	_ =	shalt  }
0x49: {  	_ =	shalt  }
0x4a: {  	_ =	shalt  }
0x4b: {  	_ =	shalt  }
0x4c: {  	_ =	shalt  }
0x4d: {  	_ =	shalt  }
0x4e: {  	_ =	shalt  }
0x4f: {  	_ =	shalt  }
0x50: {  	_ =	shalt  }
0x51: {  	_ =	shalt  }
0x52: {  	_ =	shalt  }
0x53: {  	_ =	shalt  }
0x54: {  	_ =	shalt  }
0x55: {  	_ =	shalt  }
0x56: {  	_ =	shalt  }
0x57: {  	_ =	shalt  }
0x58: {  	_ =	shalt  }
0x59: {  	_ =	shalt  }
0x5a: {  	_ =	shalt  }
0x5b: {  	_ =	shalt  }
0x5c: {  	_ =	shalt  }
0x5d: {  	_ =	shalt  }
0x5e: {  	_ =	shalt  }
0x5f: {  	_ =	shalt  }
0x60: {  	_ =	shalt  }
0x61: {  	_ =	shalt  }
0x62: {  	_ =	shalt  }
0x63: {  	_ =	shalt  }
0x64: {  	_ =	shalt  }
0x65: {  	_ =	shalt  }
0x66: {  	_ =	shalt  }
0x67: {  	_ =	shalt  }
0x68: {  	_ =	shalt  }
0x69: {  	_ =	shalt  }
0x6a: {  	_ =	shalt  }
0x6b: {  	_ =	shalt  }
0x6c: {  	_ =	shalt  }
0x6d: {  	_ =	shalt  }
0x6e: {  	_ =	shalt  }
0x6f: {  	_ =	shalt  }
0x70: {  	_ =	shalt  }
0x71: {  	_ =	shalt  }
0x72: {  	_ =	shalt  }
0x73: {  	_ =	shalt  }
0x74: {  	_ =	shalt  }
0x75: {  	_ =	shalt  }
0x76: {  	_ =	shalt  }
0x77: {  	_ =	shalt  }
0x78: {  	_ =	shalt  }
0x79: {  	_ =	shalt  }
0x7a: {  	_ =	shalt  }
0x7b: {  	_ =	shalt  }
0x7c: {  	_ =	shalt  }
0x7d: {  	_ =	shalt  }
0x7e: {  	_ =	shalt  }
0x7f: {  	_ =	shalt  }
0x80: {  	_ =	shalt  }
0x81: {  	_ =	shalt  }
0x82: {  	_ =	shalt  }
0x83: {  	_ =	shalt  }
0x84: {  	_ =	shalt  }
0x85: {  	_ =	shalt  }
0x86: {  	_ =	shalt  }
0x87: {  	_ =	shalt  }
.Lfunc_end0:
.L_simem_size_0:
called_computation_lowered:
.L_overlay_start_0:
0x88: {  	s2 =	sld [smem:$0x3FD9]  }
0x89: {  	s3 =	sld [smem:$0x3FFE];
	_ =	sdelay $0x1  }
0x8a: {  	s1 =	srdreg.scid  }
0x8b: {  	s0 =	sand.u32 $0x1, s1  }
0x8c: {  	s17 =	sshll.u32 s0, $0xA;
	s2 =	sadd.s32 s3, s2  }
0x8d: {  	s2 =	sadd.s32 s2, s17  }
0x8e: {  	[smem:$0x3FAB] =	sst s2  }
0x8f: {  	_ = 	snop  }
0x90: {  	s2 =	sld [smem:$0x3FC7];
	(tm) =	ssettm $0x1  }
0x91: {  	s18 =	sld [smem:$0x3FFB];
	_ =	sdelay $0x3  }
0x92: {  	_ =	strace s18  }
0x93: {  	s3 =	sld [smem:$0x3FFC];
	_ =	sdelay $0x3  }
0x94: {  	_ =	strace s3  }
0x95: {  	s3 =	sld [smem:$0x3FFD];
	_ =	sdelay $0x3  }
0x96: {  	_ =	strace s3  }
0x97: {  	_ =	strace $0x8FFFFFFF  }
0x98: {  	s19 =	sld [smem:$0x3FDB];
	_ =	sdelay $0x1  }
0x99: {  	s4 =	simm.s32 $_scs_section_size  }
0x9a: {  	s5 =	simm.s32 $_size__tile_overlayer_lowered;
	s6 =	simm.s32 $_tile_overlayer_lowered  }
0x9b: {  	s22 =	simm.s32 $0x1BFF;
	s21 =	sshll.u32 s6, $0x1;
	s3 =	sadd.s32 s4, s19  }
0x9c: {  	s7 =	simm.s32 $0x0;
	s20 =	sshll.u32 s5, $0x1;
	s5 =	sadd.s32 s21, s3  }
0x9d: {  	[timem:s7], [sflag:s22] =	dma.local [hbm:s5], s20  }
0x9e: {  	_ =	swait.ge [sflag:s22], s20  }
0x9f: {  	s4 =	ssub.s32 $0x0, s20;
	[sflag:s22] =	ssyncset.done $0x0  }
0xa0: {  	[sflag:s22] =	ssyncadd.s32 s4;
	_ =	sdelay $0x1  }
0xa1: {  	s23 =	simm.s32 $0x1B8B  }
0xa2: {  	_ =	swait.ge [sflag:s23], $0x1  }
0xa3: {  	[sflag:s23] =	ssyncset.done $0x0  }
0xa4: {  	s25 =	simm.s32 $0x1B8E;
	s24 =	sld [smem:$0x3FFE];
	[sflag:s23] =	ssyncadd.s32 $0xFFFFFFFF  }
0xa5: {  	s26 =	simm.s32 $execute0_lowered;
	[smem:$0x3FD2] =	sst s25  }
0xa6: {  	s5 =	sshll.u32 s26, $0x1;
	_ =	strace $0x80000046;
	[dreg:$0x1] =	wrdreg $0xFFFFFFFF  }
0xa7: {  	s28 =	simm.s32 $_size_execute0_lowered;
	s3 =	sadd.s32 s3, s5;
	[dreg:$0x0] =	wrdreg $0x0  }
0xa8: {  	s5 =	sshll.u32 s28, $0x1;
	[dreg:$0x2] =	wrdreg s3  }
0xa9: {  	[dreg:$0x3] =	wrdreg s5  }
0xaa: {  	[dreg:$0x4] =	wrdreg $0xC0  }
0xab: {  	_ =	task [dreg:s7], $0x5FFFF  }
0xac: {  	[dreg:$0x1] =	wrdreg $0xFFFFFFFF  }
0xad: {  	[dreg:$0x0] =	wrdreg $0x60  }
0xae: {  	[dreg:$0x2] =	wrdreg s24  }
0xaf: {  	[dreg:$0x3] =	wrdreg s2  }
0xb0: {  	[dreg:$0x4] =	wrdreg $0x130000  }
0xb1: {  	[dreg:$0x5] =	wrdreg $0x9  }
0xb2: {  	_ =	task.clear_ibuf [dreg:s7], $0x6FFFF;
	_ =	strace $0x90000046  }
0xb3: {  	s29 =	simm.s32 $0x9;
	_ =	strace $0x80000048  }
0xb4: {  	_ =	swait.ge [sflag:s29], $0x1  }
0xb5: {  	[sflag:s29] =	ssyncadd.s32 $0xFFFFFFFF  }
0xb6: {  	_ =	strace $0x90000048  }
0xb7: {  	_ =	sfence  }
0xb8: {  	s30 =	sld [smem:$0x0];
	_ =	sdelay $0x2  }
0xb9: {  	s31 =	sshll.u32 s1, $0xD;
	s1 =	sshrl.u32 s1, $0x2  }
0xba: {  	s3 =	sand.u32 $0x4000, s31;
	s1 =	sadd.s32 s1, s30  }
0xbb: {  	s0 =	sor.u32 s3, s0;
	s1 =	sshll.u32 s1, $0x11  }
0xbc: {  	s0 =	sor.u32 s1, s0  }
0xbd: {  	s0 =	sadd.s32 $0x8F2B, s0  }
0xbe: {  	[sflag:s0] =	ssyncadd.remote.s32 $0x1  }
0xbf: {  	_ =	sfence.sel $0xFFFF  }
0xc0: {  	[dreg:$0x0] =	wrdreg $0xFFFFFFFF;
	(pc) =	sbr.abs _section_cstart, $3  }
0xc1: {  	[dreg:$0x1] =	wrdreg $0xFFFFFFFF  }
0xc2: {  	_ =	task.clear_ibuf [dreg:s7], $0x2FFFF;
	_ =	strace $0x9FFFFFFF  }
0xc3: {  	(tm) =	ssettm $0x7FFFFFFF  }
tec
execute0_lowered:
.L_overlay_start_1:
0x0: {  	(tag) =	ssettag $0x1  }
0x1: {  	s0 =	rddreg [dreg:$0x0]  }
0x2: {  	s1 =	rddreg [dreg:$0x1]  }
0x3: {  	s2 =	rddreg [dreg:$0x2]  }
0x4: {  	s3 =	srdreg.scid;
	s6 =	stileid.u32;
	s5 =	simm.s32 $0x0  }
0x5: {  	s16 =	simm.s32 $0x80;
	s18 =	simm.s32 $0xF000;
	s20 =	simm.s32 $0xF800  }
0x6: {  	s22 =	simm.s32 $0x10000;
	s29 =	simm.s32 $0x11800;
	s31 =	simm.s32 $0x12000  }
0x7: {  	s11 =	simm.s32 $0x12800;
	s12 =	simm.s32 $0x2;
	s13 =	simm.s32 $0x3  }
0x8: {  	s17 =	simm.s32 $0x4;
	s19 =	simm.s32 $0x5;
	s21 =	simm.s32 $0x6  }
0x9: {  	s28 =	simm.s32 $0x9;
	s30 =	simm.s32 $0xA;
	s10 =	simm.s32 $0x11  }
0xa: {  	s14 =	simm.s32 $0x0;
	s3 =	sand.u32 $0x1, s3;
	s4 =	sshll.u32 s6, $0x1  }
0xb: {  	[smem:$0x7FF] =	sst s5;
	s6 =	sshll.u32 s6, $0xF;
	s5 =	simm.s32 $0xD  }
0xc: {  	s4 =	sor.u32 s3, s4;
	s24 =	sshll.u32 s3, $0x13;
	_ =	strace $0x80000047  }
0xd: {  	s3 =	ssub.s32 $0x2, s3;
	s15 =	sadd.s32 s6, s2;
	s23 =	smul.u32 $0x380, s4  }
0xe: {  	s4 =	sor.u32 s6, s24;
	s9 =	sshrl.u32 s3, $0x1;
	s24 =	simm.s32 $0x10800  }
0xf: {  	s6 =	simm.s32 $0xE;
	[dreg:$0x7] =	wrdreg s15;
	s8 =	sshrl.u32 s4, $0x3  }
0x10: {  	s4 =	sadd.s32 $0x11800, s0;
	s3 =	ssub.s32 s3, s9;
	s1 =	sadd.s32 s1, s23  }
0x11: {  	s7 =	sadd.s32 s23, s0;
	s26 =	smax.u32 s3, $0x1;
	[dreg:$0x6] =	wrdreg s1  }
0x12: {  	s9 =	simm.s32 $0x10;
	s25 =	sadd.s32 $0xA800, s7;
	[dreg:$0x9] =	wrdreg s26  }
0x13: {  	s0 =	sadd.s32 s8, s0;
	s7 =	sadd.s32 $0x3800, s7;
	[dreg:$0x4] =	wrdreg s25  }
0x14: {  	s23 =	simm.s32 $0x7;
	s0 =	sadd.s32 $0x81800, s0;
	[dreg:$0x5] =	wrdreg s7  }
0x15: {  	s26 =	simm.s32 $0x11000;
	s1 =	simm.s32 $0xC;
	[dreg:$0x8] =	wrdreg s0  }
0x16: {  	v0 =	vimm.f32 $0.0e+00;
	s25 =	simm.s32 $0x8;
	s0 =	simm.s32 $0xB;
	s7 =	simm.s32 $0xF  }
.LBB2_1:
0x17: {  	[dreg:$0xa] =	wrdreg s14  }
0x18: {  	s3 =	simm.s32 $0x0;
	s8 =	rddreg [dreg:$0x4]  }
0x19: {  	[tilespmem:s3], [sflag:$0x1] =	stream.linear.gather [hbm4b:s8+s3], $0x1C00, $0x38;
	[tilespmem:$0x1B000] =	vst v63  }
0x1a: {  	s14 =	simm.s32 $0x1C00;
	s8 =	rddreg [dreg:$0x5]  }
0x1b: {  	[tilespmem:s14], [sflag:$0x1] =	stream.linear.gather [hbm4b:s8+s3], $0x1C00, $0x38;
	[tilespmem:$0x1B000] =	vst v63  }
0x1c: {  	s8 =	rddreg [dreg:$0x6];
	s14 =	simm.s32 $0x3800  }
0x1d: {  	[tilespmem:s14], [sflag:$0x1] =	stream.linear.gather [hbm4b:s8+s3], $0x1C00, $0x38;
	[tilespmem:$0x1B000] =	vst v63  }
0x1e: {  	s8 =	simm.s32 $0x40;
	s14 =	simm.s32 $0x0  }
.LBB2_2:
0x1f: {  	p0 =	sne.s32 s8, $0x1FFC0;
	[tilespmem:s14+$0x7000] =	vst v0;
	s14 =	smov.u32 s8;
	s8 =	sadd.s32 $0x40, s8  }
.Ltmp0:
0x20: {  	(pc) =	sbr.rel @p0 .LBB2_2-.Ltmp0, $2  }
0x21: {  	_ =	sdelay $0x2  }
0x22: {  	s14 =	sshra.s32 s14, $0x2  }
0x23: {  	[tilespmem:s14+$0x7000] =	vst v0;
	s3 =	simm.s32 $0x7000;
	s14 =	simm.s32 $0x12  }
0x24: {  	[spmem:s15] =	stream.linear.scatter [tilespmem:s3], [sflag:$0x12], $0x8000, $0x38;
	[tilespmem:$0x1B000] =	vst v63  }
0x25: {  	_ =	swait.ge [sflag:s14], $0x8000  }
0x26: {  	[sflag:s14] =	ssyncset.done $0x0  }
0x27: {  	s15 =	simm.s32 $0x1;
	[sflag:s14] =	ssyncadd.s32 $0xFFFF8000  }
0x28: {  	_ =	swait.ge [sflag:s15], $0x1C00  }
0x29: {  	[sflag:s15] =	ssyncset.done $0x0  }
0x2a: {  	[sflag:s15] =	ssyncadd.s32 $0xFFFFE400  }
0x2b: {  	_ =	swait.ge [sflag:s15], $0x1C00  }
0x2c: {  	[sflag:s15] =	ssyncset.done $0x0  }
0x2d: {  	[sflag:s15] =	ssyncadd.s32 $0xFFFFE400  }
0x2e: {  	_ =	swait.ge [sflag:s15], $0x1C00  }
0x2f: {  	[sflag:s15] =	ssyncset.done $0x0  }
0x30: {  	s8 =	simm.s32 $0x0;
	[sflag:s15] =	ssyncadd.s32 $0xFFFFE400  }
0x31: {  	v1 =	vld [tilespmem:s8+$0x70]  }
0x32: {  	v2 =	vld [tilespmem:s8+$0x0]  }
0x33: {  	v3 =	vld [tilespmem:s8+$0x3870]  }
0x34: {  	v4 =	vld [tilespmem:s8+$0x10]  }
0x35: {  	v5 =	vld [tilespmem:s8+$0x20]  }
0x36: {  	v7 =	vld [tilespmem:s8+$0x30]  }
0x37: {  	v10 =	vld [tilespmem:s8+$0x40];
	v1 =	vmul.u32 $0x7, v1  }
0x38: {  	v11 =	vld [tilespmem:s8+$0x50]  }
0x39: {  	v12 =	vld [tilespmem:s8+$0x60];
	v1 =	vadd.s32 v3, v1  }
0x3a: {  	[tilespmem:s8+$0x5470] =	vst v1;
	v1 =	vld [tilespmem:s8+$0x3800]  }
0x3b: {  	v13 =	vld [tilespmem:s8+$0x3810]  }
0x3c: {  	v8 =	vld [tilespmem:s8+$0x3820]  }
0x3d: {  	v6 =	vld [tilespmem:s8+$0x3830];
	v2 =	vmul.u32 $0x7, v2  }
0x3e: {  	v14 =	vmul.u32 $0x7, v4;
	v9 =	vmul.u32 $0x7, v5;
	v3 =	vld [tilespmem:s8+$0x3840]  }
0x3f: {  	v4 =	vld [tilespmem:s8+$0x3850];
	v7 =	vmul.u32 $0x7, v7;
	v5 =	vmul.u32 $0x7, v10;
	v1 =	vadd.s32 v1, v2  }
0x40: {  	s14 =	simm.s32 $0x80;
	s15 =	simm.s32 $0x400;
	v10 =	vld [tilespmem:s8+$0x3860];
	v2 =	vmul.u32 $0x7, v11;
	v11 =	vadd.s32 v13, v14;
	[tilespmem:s8+$0x5400] =	vst v1;
	v1 =	vmul.u32 $0x7, v12  }
.LBB2_4:
0x41: {  	p0 =	sne.s32 s15, $0x6E00;
	v12 =	vld [tilespmem:s14+$0x70];
	[tilespmem:s8+$0x5410] =	vst v11;
	v8 =	vadd.s32 v8, v9  }
0x42: {  	v9 =	vld [tilespmem:s14+$0x0];
	[tilespmem:s8+$0x5420] =	vst v8;
	v6 =	vadd.s32 v6, v7  }
0x43: {  	v7 =	vld [tilespmem:s14+$0x3870];
	[tilespmem:s8+$0x5430] =	vst v6;
	v3 =	vadd.s32 v3, v5  }
0x44: {  	v5 =	vld [tilespmem:s14+$0x10];
	[tilespmem:s8+$0x5440] =	vst v3;
	v2 =	vadd.s32 v4, v2  }
0x45: {  	v3 =	vld [tilespmem:s14+$0x20];
	[tilespmem:s8+$0x5450] =	vst v2;
	v1 =	vadd.s32 v10, v1  }
0x46: {  	v2 =	vld [tilespmem:s14+$0x30];
	v4 =	vmul.u32 $0x7, v12;
	[tilespmem:s8+$0x5460] =	vst v1;
	s8 =	smov.u32 s14  }
0x47: {  	v10 =	vmul.u32 $0x7, v9;
	v1 =	vld [tilespmem:s8+$0x40]  }
0x48: {  	v11 =	vld [tilespmem:s8+$0x50];
	v4 =	vadd.s32 v7, v4  }
0x49: {  	v12 =	vmul.u32 $0x7, v5;
	v13 =	vld [tilespmem:s8+$0x60];
	[tilespmem:s8+$0x5470] =	vst v4  }
0x4a: {  	v4 =	vld [tilespmem:s8+$0x3800];
	v9 =	vmul.u32 $0x7, v3  }
0x4b: {  	v14 =	vld [tilespmem:s8+$0x3810];
	v7 =	vmul.u32 $0x7, v2  }
.Ltmp1:
0x4c: {  	v8 =	vld [tilespmem:s8+$0x3820];
	v5 =	vmul.u32 $0x7, v1;
	(pc) =	sbr.rel @p0 .LBB2_4-.Ltmp1, $4  }
0x4d: {  	v6 =	vld [tilespmem:s8+$0x3830];
	v2 =	vmul.u32 $0x7, v11  }
0x4e: {  	v3 =	vld [tilespmem:s8+$0x3840];
	v1 =	vmul.u32 $0x7, v13  }
0x4f: {  	v10 =	vadd.s32 v4, v10;
	v4 =	vld [tilespmem:s8+$0x3850]  }
0x50: {  	s14 =	sshra.s32 s15, $0x2;
	s15 =	sadd.s32 $0x200, s15;
	[tilespmem:s8+$0x5400] =	vst v10;
	v11 =	vadd.s32 v14, v12;
	v10 =	vld [tilespmem:s8+$0x3860]  }
0x51: {  	v12 =	vld [tilespmem:s14+$0x70];
	[tilespmem:s8+$0x5410] =	vst v11;
	v8 =	vadd.s32 v8, v9  }
0x52: {  	v55 =	vld [tilespmem:s14+$0x0];
	[tilespmem:s8+$0x5420] =	vst v8;
	v6 =	vadd.s32 v6, v7  }
0x53: {  	v56 =	vld [tilespmem:s14+$0x3870];
	[tilespmem:s8+$0x5430] =	vst v6;
	v3 =	vadd.s32 v3, v5  }
0x54: {  	v57 =	vld [tilespmem:s14+$0x10];
	[tilespmem:s8+$0x5440] =	vst v3;
	v2 =	vadd.s32 v4, v2  }
0x55: {  	v3 =	vld [tilespmem:s14+$0x20];
	[tilespmem:s8+$0x5450] =	vst v2;
	v1 =	vadd.s32 v10, v1  }
0x56: {  	v2 =	vld [tilespmem:s14+$0x30];
	[tilespmem:s8+$0x5460] =	vst v1  }
0x57: {  	v1 =	vmul.u32 $0x7, v12;
	v58 =	vld [tilespmem:s14+$0x40]  }
0x58: {  	v6 =	vld [tilespmem:s14+$0x50]  }
0x59: {  	v59 =	vld [tilespmem:s14+$0x60];
	v1 =	vadd.s32 v56, v1  }
0x5a: {  	[tilespmem:s14+$0x5470] =	vst v1;
	v1 =	vld [tilespmem:s14+$0x3800]  }
0x5b: {  	v8 =	vld [tilespmem:s14+$0x3810]  }
0x5c: {  	v60 =	vld [tilespmem:s14+$0x3820]  }
0x5d: {  	v9 =	vmul.u32 $0x7, v55;
	v11 =	vld [tilespmem:s14+$0x3830]  }
0x5e: {  	v61 =	vld [tilespmem:s14+$0x3840];
	v5 =	vmul.u32 $0x7, v57  }
0x5f: {  	v62 =	vld [tilespmem:s14+$0x3850];
	v3 =	vmul.u32 $0x7, v3;
	v1 =	vadd.s32 v1, v9  }
0x60: {  	v63 =	vld [tilespmem:s14+$0x3860];
	[tilespmem:s14+$0x5400] =	vst v1;
	v1 =	vmul.u32 $0x7, v2;
	v2 =	vadd.s32 v8, v5  }
0x61: {  	v4 =	vmul.u32 $0x7, v58;
	[tilespmem:s14+$0x5410] =	vst v2;
	v2 =	vadd.s32 v60, v3  }
0x62: {  	v3 =	vmul.u32 $0x7, v6;
	[tilespmem:s14+$0x5420] =	vst v2;
	v1 =	vadd.s32 v11, v1  }
0x63: {  	v2 =	vmul.u32 $0x7, v59;
	[tilespmem:s14+$0x5430] =	vst v1;
	v1 =	vadd.s32 v61, v4  }
0x64: {  	[tilespmem:s14+$0x5440] =	vst v1;
	v1 =	vadd.s32 v62, v3  }
0x65: {  	[tilespmem:s14+$0x5450] =	vst v1;
	v1 =	vadd.s32 v63, v2  }
0x66: {  	[tilespmem:s14+$0x5460] =	vst v1  }
0x67: {  	s3 =	simm.s32 $0x5400;
	[bflag:$0x0] =	sbarrier.arrive $0xFFFF  }
0x68: {  	[tilespmem:s18], [sflag:$0x2] =	stream.indirect.gather [hbm4b:s4+s16], $0x10, s3, s16, $0xb8;
	[tilespmem:$0x1B000] =	vst v63  }
0x69: {  	s8 =	simm.s32 $0x5480  }
0x6a: {  	[tilespmem:s20], [sflag:$0x3] =	stream.indirect.gather [hbm4b:s4+s16], $0x10, s8, s16, $0xb8;
	[tilespmem:$0x1B000] =	vst v63  }
0x6b: {  	s14 =	simm.s32 $0x5500  }
0x6c: {  	[tilespmem:s22], [sflag:$0x4] =	stream.indirect.gather [hbm4b:s4+s16], $0x10, s14, s16, $0xb8;
	[tilespmem:$0x1B000] =	vst v63  }
0x6d: {  	s15 =	simm.s32 $0x5580  }
0x6e: {  	[tilespmem:s24], [sflag:$0x5] =	stream.indirect.gather [hbm4b:s4+s16], $0x10, s15, s16, $0xb8;
	[tilespmem:$0x1B000] =	vst v63  }
0x6f: {  	s8 =	simm.s32 $0x5600  }
0x70: {  	[tilespmem:s26], [sflag:$0x6] =	stream.indirect.gather [hbm4b:s4+s16], $0x10, s8, s16, $0xb8;
	[tilespmem:$0x1B000] =	vst v63  }
0x71: {  	s14 =	simm.s32 $0x5680  }
0x72: {  	[tilespmem:s29], [sflag:$0x7] =	stream.indirect.gather [hbm4b:s4+s16], $0x10, s14, s16, $0xb8;
	[tilespmem:$0x1B000] =	vst v63  }
0x73: {  	s15 =	simm.s32 $0x5700  }
0x74: {  	[tilespmem:s31], [sflag:$0x8] =	stream.indirect.gather [hbm4b:s4+s16], $0x10, s15, s16, $0xb8;
	[tilespmem:$0x1B000] =	vst v63  }
0x75: {  	s8 =	simm.s32 $0x5780  }
0x76: {  	[tilespmem:s11], [sflag:$0x9] =	stream.indirect.gather [hbm4b:s4+s16], $0x10, s8, s16, $0xb8;
	[tilespmem:$0x1B000] =	vst v63  }
0x77: {  	_ =	swait.ge [sflag:s12], $0x800  }
0x78: {  	[sflag:s12] =	ssyncset.done $0x0  }
0x79: {  	s14 =	simm.s32 $0x1C00;
	[sflag:s12] =	ssyncadd.s32 $0xFFFFF800  }
0x7a: {  	[spmem:s2] =	stream.indirect.scatter.add.f32 [tilespmem:s18], [sflag:$0xA], $0x10, s14, s16, $0xb8;
	[tilespmem:$0x1B000] =	vst v63  }
0x7b: {  	_ =	swait.ge [sflag:s13], $0x800  }
0x7c: {  	[sflag:s13] =	ssyncset.done $0x0  }
0x7d: {  	s15 =	simm.s32 $0x1C80;
	[sflag:s13] =	ssyncadd.s32 $0xFFFFF800  }
0x7e: {  	[spmem:s2] =	stream.indirect.scatter.add.f32 [tilespmem:s20], [sflag:$0xB], $0x10, s15, s16, $0xb8;
	[tilespmem:$0x1B000] =	vst v63  }
0x7f: {  	_ =	swait.ge [sflag:s17], $0x800  }
0x80: {  	[sflag:s17] =	ssyncset.done $0x0  }
0x81: {  	s3 =	simm.s32 $0x1D00;
	[sflag:s17] =	ssyncadd.s32 $0xFFFFF800  }
0x82: {  	[spmem:s2] =	stream.indirect.scatter.add.f32 [tilespmem:s22], [sflag:$0xC], $0x10, s3, s16, $0xb8;
	[tilespmem:$0x1B000] =	vst v63  }
0x83: {  	_ =	swait.ge [sflag:s19], $0x800  }
0x84: {  	[sflag:s19] =	ssyncset.done $0x0  }
0x85: {  	s14 =	simm.s32 $0x1D80;
	[sflag:s19] =	ssyncadd.s32 $0xFFFFF800  }
0x86: {  	[spmem:s2] =	stream.indirect.scatter.add.f32 [tilespmem:s24], [sflag:$0xD], $0x10, s14, s16, $0xb8;
	[tilespmem:$0x1B000] =	vst v63  }
0x87: {  	_ =	swait.ge [sflag:s21], $0x800  }
0x88: {  	[sflag:s21] =	ssyncset.done $0x0  }
0x89: {  	s15 =	simm.s32 $0x1E00;
	[sflag:s21] =	ssyncadd.s32 $0xFFFFF800  }
0x8a: {  	[spmem:s2] =	stream.indirect.scatter.add.f32 [tilespmem:s26], [sflag:$0xE], $0x10, s15, s16, $0xb8;
	[tilespmem:$0x1B000] =	vst v63  }
0x8b: {  	_ =	swait.ge [sflag:s23], $0x800  }
0x8c: {  	[sflag:s23] =	ssyncset.done $0x0  }
0x8d: {  	s3 =	simm.s32 $0x1E80;
	[sflag:s23] =	ssyncadd.s32 $0xFFFFF800  }
0x8e: {  	[spmem:s2] =	stream.indirect.scatter.add.f32 [tilespmem:s29], [sflag:$0xF], $0x10, s3, s16, $0xb8;
	[tilespmem:$0x1B000] =	vst v63  }
0x8f: {  	_ =	swait.ge [sflag:s25], $0x800  }
0x90: {  	[sflag:s25] =	ssyncset.done $0x0  }
0x91: {  	s14 =	simm.s32 $0x1F00;
	[sflag:s25] =	ssyncadd.s32 $0xFFFFF800  }
0x92: {  	[spmem:s2] =	stream.indirect.scatter.add.f32 [tilespmem:s31], [sflag:$0x10], $0x10, s14, s16, $0xb8;
	[tilespmem:$0x1B000] =	vst v63  }
0x93: {  	_ =	swait.ge [sflag:s28], $0x800  }
0x94: {  	[sflag:s28] =	ssyncset.done $0x0  }
0x95: {  	s8 =	simm.s32 $0x0;
	s15 =	simm.s32 $0x1F80;
	[sflag:s28] =	ssyncadd.s32 $0xFFFFF800  }
0x96: {  	[spmem:s2] =	stream.indirect.scatter.add.f32 [tilespmem:s11], [sflag:$0x11], $0x10, s15, s16, $0xb8;
	[tilespmem:$0x1B000] =	vst v63  }
0x97: {  	s3 =	smin.u32 s8, $0x2F;
	_ =	swait.ge [sflag:s30], $0x800  }
0x98: {  	s14 =	sshll.u32 s3, $0x7;
	[sflag:s30] =	ssyncset.done $0x0  }
0x99: {  	s14 =	sadd.s32 $0x5800, s14;
	[sflag:s30] =	ssyncadd.s32 $0xFFFFF800  }
0x9a: {  	[tilespmem:s18], [sflag:$0x2] =	stream.indirect.gather [hbm4b:s4+s16], $0x10, s14, s16, $0xb8;
	[tilespmem:$0x1B000] =	vst v63  }
0x9b: {  	s15 =	smin.u32 s8, $0x2E;
	_ =	swait.ge [sflag:s0], $0x800  }
0x9c: {  	s14 =	sshll.u32 s15, $0x7;
	[sflag:s0] =	ssyncset.done $0x0  }
0x9d: {  	s14 =	sadd.s32 $0x5880, s14;
	[sflag:s0] =	ssyncadd.s32 $0xFFFFF800  }
0x9e: {  	[tilespmem:s20], [sflag:$0x3] =	stream.indirect.gather [hbm4b:s4+s16], $0x10, s14, s16, $0xb8;
	[tilespmem:$0x1B000] =	vst v63  }
0x9f: {  	s3 =	smin.u32 s8, $0x2D;
	_ =	swait.ge [sflag:s1], $0x800  }
0xa0: {  	s14 =	sshll.u32 s3, $0x7;
	[sflag:s1] =	ssyncset.done $0x0  }
0xa1: {  	s14 =	sadd.s32 $0x5900, s14;
	[sflag:s1] =	ssyncadd.s32 $0xFFFFF800  }
0xa2: {  	[tilespmem:s22], [sflag:$0x4] =	stream.indirect.gather [hbm4b:s4+s16], $0x10, s14, s16, $0xb8;
	[tilespmem:$0x1B000] =	vst v63  }
0xa3: {  	s15 =	smin.u32 s8, $0x2C;
	_ =	swait.ge [sflag:s5], $0x800  }
0xa4: {  	s14 =	sshll.u32 s15, $0x7;
	[sflag:s5] =	ssyncset.done $0x0  }
0xa5: {  	s14 =	sadd.s32 $0x5980, s14;
	[sflag:s5] =	ssyncadd.s32 $0xFFFFF800  }
0xa6: {  	[tilespmem:s24], [sflag:$0x5] =	stream.indirect.gather [hbm4b:s4+s16], $0x10, s14, s16, $0xb8;
	[tilespmem:$0x1B000] =	vst v63  }
0xa7: {  	s3 =	smin.u32 s8, $0x2B;
	_ =	swait.ge [sflag:s6], $0x800  }
0xa8: {  	s14 =	sshll.u32 s3, $0x7;
	[sflag:s6] =	ssyncset.done $0x0  }
0xa9: {  	s14 =	sadd.s32 $0x5A00, s14;
	[sflag:s6] =	ssyncadd.s32 $0xFFFFF800  }
0xaa: {  	[tilespmem:s26], [sflag:$0x6] =	stream.indirect.gather [hbm4b:s4+s16], $0x10, s14, s16, $0xb8;
	[tilespmem:$0x1B000] =	vst v63  }
0xab: {  	s15 =	smin.u32 s8, $0x2A;
	_ =	swait.ge [sflag:s7], $0x800  }
0xac: {  	s14 =	sshll.u32 s15, $0x7;
	[sflag:s7] =	ssyncset.done $0x0  }
0xad: {  	s14 =	sadd.s32 $0x5A80, s14;
	[sflag:s7] =	ssyncadd.s32 $0xFFFFF800  }
0xae: {  	[tilespmem:s29], [sflag:$0x7] =	stream.indirect.gather [hbm4b:s4+s16], $0x10, s14, s16, $0xb8;
	[tilespmem:$0x1B000] =	vst v63  }
0xaf: {  	s3 =	smin.u32 s8, $0x29;
	_ =	swait.ge [sflag:s9], $0x800  }
0xb0: {  	s14 =	sshll.u32 s3, $0x7;
	[sflag:s9] =	ssyncset.done $0x0  }
0xb1: {  	s14 =	sadd.s32 $0x5B00, s14;
	[sflag:s9] =	ssyncadd.s32 $0xFFFFF800  }
0xb2: {  	[tilespmem:s31], [sflag:$0x8] =	stream.indirect.gather [hbm4b:s4+s16], $0x10, s14, s16, $0xb8;
	[tilespmem:$0x1B000] =	vst v63  }
0xb3: {  	s15 =	smin.u32 s8, $0x28;
	_ =	swait.ge [sflag:s10], $0x800  }
0xb4: {  	s8 =	simm.s32 $0x1000;
	s14 =	sshll.u32 s15, $0x7;
	[sflag:s10] =	ssyncset.done $0x0  }
0xb5: {  	s15 =	sadd.s32 $0x5B80, s14;
	s14 =	simm.s32 $0x8;
	[sflag:s10] =	ssyncadd.s32 $0xFFFFF800  }
.LBB2_6:
0xb6: {  	[tilespmem:s11], [sflag:$0x9] =	stream.indirect.gather [hbm4b:s4+s16], $0x10, s15, s16, $0xb8;
	[tilespmem:$0x1B000] =	vst v63  }
0xb7: {  	s15 =	smov.u32 s8  }
0xb8: {  	p0 =	sne.s32 s8, $0x6000;
	s8 =	sadd.s32 $0x1000, s8;
	_ =	swait.ge [sflag:s12], $0x800  }
0xb9: {  	s15 =	sshra.s32 s15, $0x2;
	[sflag:s12] =	ssyncset.done $0x0  }
0xba: {  	s3 =	sadd.s32 $0x1C00, s15;
	[sflag:s12] =	ssyncadd.s32 $0xFFFFF800  }
0xbb: {  	[spmem:s2] =	stream.indirect.scatter.add.f32 [tilespmem:s18], [sflag:$0xA], $0x10, s3, s16, $0xb8;
	[tilespmem:$0x1B000] =	vst v63  }
0xbc: {  	_ =	swait.ge [sflag:s13], $0x800  }
0xbd: {  	[sflag:s13] =	ssyncset.done $0x0  }
0xbe: {  	s3 =	sadd.s32 $0x1C80, s15;
	[sflag:s13] =	ssyncadd.s32 $0xFFFFF800  }
0xbf: {  	[spmem:s2] =	stream.indirect.scatter.add.f32 [tilespmem:s20], [sflag:$0xB], $0x10, s3, s16, $0xb8;
	[tilespmem:$0x1B000] =	vst v63  }
0xc0: {  	_ =	swait.ge [sflag:s17], $0x800  }
0xc1: {  	[sflag:s17] =	ssyncset.done $0x0  }
0xc2: {  	s3 =	sadd.s32 $0x1D00, s15;
	[sflag:s17] =	ssyncadd.s32 $0xFFFFF800  }
0xc3: {  	[spmem:s2] =	stream.indirect.scatter.add.f32 [tilespmem:s22], [sflag:$0xC], $0x10, s3, s16, $0xb8;
	[tilespmem:$0x1B000] =	vst v63  }
0xc4: {  	_ =	swait.ge [sflag:s19], $0x800  }
0xc5: {  	[sflag:s19] =	ssyncset.done $0x0  }
0xc6: {  	s3 =	sadd.s32 $0x1D80, s15;
	[sflag:s19] =	ssyncadd.s32 $0xFFFFF800  }
0xc7: {  	[spmem:s2] =	stream.indirect.scatter.add.f32 [tilespmem:s24], [sflag:$0xD], $0x10, s3, s16, $0xb8;
	[tilespmem:$0x1B000] =	vst v63  }
0xc8: {  	_ =	swait.ge [sflag:s21], $0x800  }
0xc9: {  	[sflag:s21] =	ssyncset.done $0x0  }
0xca: {  	s3 =	sadd.s32 $0x1E00, s15;
	[sflag:s21] =	ssyncadd.s32 $0xFFFFF800  }
0xcb: {  	[spmem:s2] =	stream.indirect.scatter.add.f32 [tilespmem:s26], [sflag:$0xE], $0x10, s3, s16, $0xb8;
	[tilespmem:$0x1B000] =	vst v63  }
0xcc: {  	_ =	swait.ge [sflag:s23], $0x800  }
0xcd: {  	[sflag:s23] =	ssyncset.done $0x0  }
0xce: {  	s3 =	sadd.s32 $0x1E80, s15;
	[sflag:s23] =	ssyncadd.s32 $0xFFFFF800  }
0xcf: {  	[spmem:s2] =	stream.indirect.scatter.add.f32 [tilespmem:s29], [sflag:$0xF], $0x10, s3, s16, $0xb8;
	[tilespmem:$0x1B000] =	vst v63  }
0xd0: {  	_ =	swait.ge [sflag:s25], $0x800  }
0xd1: {  	[sflag:s25] =	ssyncset.done $0x0  }
0xd2: {  	s3 =	sadd.s32 $0x1F00, s15;
	[sflag:s25] =	ssyncadd.s32 $0xFFFFF800  }
0xd3: {  	[spmem:s2] =	stream.indirect.scatter.add.f32 [tilespmem:s31], [sflag:$0x10], $0x10, s3, s16, $0xb8;
	[tilespmem:$0x1B000] =	vst v63  }
0xd4: {  	_ =	swait.ge [sflag:s28], $0x800  }
0xd5: {  	[sflag:s28] =	ssyncset.done $0x0  }
0xd6: {  	s3 =	sadd.s32 $0x1F80, s15;
	[sflag:s28] =	ssyncadd.s32 $0xFFFFF800  }
0xd7: {  	[spmem:s2] =	stream.indirect.scatter.add.f32 [tilespmem:s11], [sflag:$0x11], $0x10, s3, s16, $0xb8;
	[tilespmem:$0x1B000] =	vst v63  }
0xd8: {  	s3 =	smin.u32 s14, $0x2F;
	_ =	swait.ge [sflag:s30], $0x800  }
0xd9: {  	s3 =	sshll.u32 s3, $0x7;
	[sflag:s30] =	ssyncset.done $0x0  }
0xda: {  	s3 =	sadd.s32 $0x5800, s3;
	[sflag:s30] =	ssyncadd.s32 $0xFFFFF800  }
0xdb: {  	[tilespmem:s18], [sflag:$0x2] =	stream.indirect.gather [hbm4b:s4+s16], $0x10, s3, s16, $0xb8;
	[tilespmem:$0x1B000] =	vst v63  }
0xdc: {  	s3 =	smin.u32 s14, $0x2E;
	_ =	swait.ge [sflag:s0], $0x800  }
0xdd: {  	s3 =	sshll.u32 s3, $0x7;
	[sflag:s0] =	ssyncset.done $0x0  }
0xde: {  	s3 =	sadd.s32 $0x5880, s3;
	[sflag:s0] =	ssyncadd.s32 $0xFFFFF800  }
0xdf: {  	[tilespmem:s20], [sflag:$0x3] =	stream.indirect.gather [hbm4b:s4+s16], $0x10, s3, s16, $0xb8;
	[tilespmem:$0x1B000] =	vst v63  }
0xe0: {  	s3 =	smin.u32 s14, $0x2D;
	_ =	swait.ge [sflag:s1], $0x800  }
0xe1: {  	s3 =	sshll.u32 s3, $0x7;
	[sflag:s1] =	ssyncset.done $0x0  }
0xe2: {  	s3 =	sadd.s32 $0x5900, s3;
	[sflag:s1] =	ssyncadd.s32 $0xFFFFF800  }
0xe3: {  	[tilespmem:s22], [sflag:$0x4] =	stream.indirect.gather [hbm4b:s4+s16], $0x10, s3, s16, $0xb8;
	[tilespmem:$0x1B000] =	vst v63  }
0xe4: {  	s3 =	smin.u32 s14, $0x2C;
	_ =	swait.ge [sflag:s5], $0x800  }
0xe5: {  	s3 =	sshll.u32 s3, $0x7;
	[sflag:s5] =	ssyncset.done $0x0  }
0xe6: {  	s3 =	sadd.s32 $0x5980, s3;
	[sflag:s5] =	ssyncadd.s32 $0xFFFFF800  }
0xe7: {  	[tilespmem:s24], [sflag:$0x5] =	stream.indirect.gather [hbm4b:s4+s16], $0x10, s3, s16, $0xb8;
	[tilespmem:$0x1B000] =	vst v63  }
0xe8: {  	s3 =	smin.u32 s14, $0x2B;
	_ =	swait.ge [sflag:s6], $0x800  }
0xe9: {  	s3 =	sshll.u32 s3, $0x7;
	[sflag:s6] =	ssyncset.done $0x0  }
0xea: {  	s3 =	sadd.s32 $0x5A00, s3;
	[sflag:s6] =	ssyncadd.s32 $0xFFFFF800  }
0xeb: {  	[tilespmem:s26], [sflag:$0x6] =	stream.indirect.gather [hbm4b:s4+s16], $0x10, s3, s16, $0xb8;
	[tilespmem:$0x1B000] =	vst v63  }
0xec: {  	s3 =	smin.u32 s14, $0x2A;
	_ =	swait.ge [sflag:s7], $0x800  }
0xed: {  	s3 =	sshll.u32 s3, $0x7;
	[sflag:s7] =	ssyncset.done $0x0  }
0xee: {  	s3 =	sadd.s32 $0x5A80, s3;
	[sflag:s7] =	ssyncadd.s32 $0xFFFFF800  }
0xef: {  	[tilespmem:s29], [sflag:$0x7] =	stream.indirect.gather [hbm4b:s4+s16], $0x10, s3, s16, $0xb8;
	[tilespmem:$0x1B000] =	vst v63  }
0xf0: {  	s3 =	smin.u32 s14, $0x29;
	_ =	swait.ge [sflag:s9], $0x800  }
0xf1: {  	s3 =	sshll.u32 s3, $0x7;
	[sflag:s9] =	ssyncset.done $0x0  }
.Ltmp2:
0xf2: {  	s3 =	sadd.s32 $0x5B00, s3;
	[sflag:s9] =	ssyncadd.s32 $0xFFFFF800;
	(pc) =	sbr.rel @p0 .LBB2_6-.Ltmp2, $4  }
0xf3: {  	[tilespmem:s31], [sflag:$0x8] =	stream.indirect.gather [hbm4b:s4+s16], $0x10, s3, s16, $0xb8;
	[tilespmem:$0x1B000] =	vst v63  }
0xf4: {  	s3 =	smin.u32 s14, $0x28;
	_ =	swait.ge [sflag:s10], $0x800  }
0xf5: {  	s3 =	sshll.u32 s3, $0x7;
	[sflag:s10] =	ssyncset.done $0x0  }
0xf6: {  	s14 =	sadd.s32 $0x8, s14;
	s15 =	sadd.s32 $0x5B80, s3;
	[sflag:s10] =	ssyncadd.s32 $0xFFFFF800  }
0xf7: {  	[tilespmem:s11], [sflag:$0x9] =	stream.indirect.gather [hbm4b:s4+s16], $0x10, s15, s16, $0xb8;
	[tilespmem:$0x1B000] =	vst v63  }
0xf8: {  	_ =	swait.ge [sflag:s12], $0x800  }
0xf9: {  	[sflag:s12] =	ssyncset.done $0x0  }
0xfa: {  	[sflag:s12] =	ssyncadd.s32 $0xFFFFF800  }
0xfb: {  	_ =	swait.ge [sflag:s13], $0x800  }
0xfc: {  	[sflag:s13] =	ssyncset.done $0x0  }
0xfd: {  	[sflag:s13] =	ssyncadd.s32 $0xFFFFF800  }
0xfe: {  	_ =	swait.ge [sflag:s17], $0x800  }
0xff: {  	[sflag:s17] =	ssyncset.done $0x0  }
0x100: {  	[sflag:s17] =	ssyncadd.s32 $0xFFFFF800  }
0x101: {  	_ =	swait.ge [sflag:s19], $0x800  }
0x102: {  	[sflag:s19] =	ssyncset.done $0x0  }
0x103: {  	[sflag:s19] =	ssyncadd.s32 $0xFFFFF800  }
0x104: {  	_ =	swait.ge [sflag:s21], $0x800  }
0x105: {  	[sflag:s21] =	ssyncset.done $0x0  }
0x106: {  	[sflag:s21] =	ssyncadd.s32 $0xFFFFF800  }
0x107: {  	_ =	swait.ge [sflag:s23], $0x800  }
0x108: {  	[sflag:s23] =	ssyncset.done $0x0  }
0x109: {  	[sflag:s23] =	ssyncadd.s32 $0xFFFFF800  }
0x10a: {  	_ =	swait.ge [sflag:s25], $0x800  }
0x10b: {  	[sflag:s25] =	ssyncset.done $0x0  }
0x10c: {  	[sflag:s25] =	ssyncadd.s32 $0xFFFFF800  }
0x10d: {  	_ =	swait.ge [sflag:s28], $0x800  }
0x10e: {  	[sflag:s28] =	ssyncset.done $0x0  }
0x10f: {  	[sflag:s28] =	ssyncadd.s32 $0xFFFFF800  }
0x110: {  	s3 =	stileid.u32;
	[bflag:$0x0] =	sbarrier.arrive $0xFFFF  }
0x111: {  	s3 =	sshll.u32 s3, $0x6;
	s15 =	rddreg [dreg:$0x7]  }
0x112: {  	s3 =	sor.u32 $0x1C12, s3;
	s14 =	rddreg [dreg:$0x8];
	s8 =	sshrl.u32 s15, $0x3  }
0x113: {  	[hbm:s14], [sflag:s3] =	dma.local [spmem:s8], $0x1000  }
0x114: {  	s8 =	simm.s32 $0x12  }
0x115: {  	_ =	swait.ge [sflag:s8], $0x1000  }
0x116: {  	s3 =	rddreg [dreg:$0xa]  }
0x117: {  	s14 =	sadd.s32 $0x1, s3;
	s3 =	rddreg [dreg:$0x9]  }
0x118: {  	p0 =	sne.s32 s14, s3  }
.Ltmp3:
0x119: {  	_ = 	snop;
	(pc) =	sbr.rel @p0 .LBB2_1-.Ltmp3, $3  }
0x11a: {  	_ =	sdelay $0x1  }
0x11b: {  	[sflag:s8] =	ssyncset.done $0x0  }
0x11c: {  	[sflag:s8] =	ssyncadd.s32 $0xFFFFF000  }
0x11d: {  	_ =	sfence.sel $0x180000  }
0x11e: {  	[bflag:$0x0] =	sbarrier.arrive $0xFFFF  }
0x11f: {  	_ =	strace $0x90000047  }
0x120: {  	s0 =	stileid.u32;
	[bflag:$0x2] =	sbarrier.arrive $0xFFFF  }
0x121: {  	p0 =	sne.s32 s0, $0x0;
	s0 =	rddreg [dreg:$0x3]  }
0x122: {  	s0 =	sadd.s32 @!p0 $0x100000, s0  }
0x123: {  	[sflag:s0] =	ssyncadd.tile.s32 @!p0 $0x1;
	_ =	shalt  }
.Lfunc_end2:
_tile_overlayer_lowered:
.L_overlay_start_2:
0x124: {  	(tag) =	ssettag $0x2  }
0x125: {  	s0 =	rddreg [dreg:$0x0];
	s2 =	stileid.u32  }
0x126: {  	s1 =	rddreg [dreg:$0x1];
	p0 =	sne.s32 s2, $0x0  }
0x127: {  	s3 =	rddreg [dreg:$0x2];
	[bflag:$0x3] =	sbarrier.arrive $0xFFFF;
	s2 =	simm.s32 @!p0 $0x1C12  }
0x128: {  	[timem:s3], [sflag:s2] =	dma.local @!p0 [hbm:s0], s1  }
0x129: {  	s0 =	simm.s32 @!p0 $0x12  }
0x12a: {  	_ =	swait.ge @!p0 [sflag:s0], s1  }
0x12b: {  	s1 =	ssub.s32 @!p0 $0x0, s1;
	[sflag:s0] =	ssyncset.done @!p0 $0x0  }
0x12c: {  	[sflag:s0] =	ssyncadd.s32 @!p0 s1  }
0x12d: {  	[bflag:$0x3] =	sbarrier.arrive $0xFFFF  }
0x12e: {  	_ =	shalt  }

</sc_bundles>
